<compile_context>
chip_gen: v7x
topology: tpu7x:2x2x1
jax: 0.10.2.dev20260603
libtpu: 0.0.44.dev20260713+nightly
codegen_flags: <defaults>
</compile_context>

<pallas_src>
import functools

import jax
import jax.numpy as jnp
import numpy as np
from jax import lax
from jax.experimental import pallas as pl
from jax.experimental.pallas import tpu as pltpu
from jax.experimental.pallas import tpu_sc as plsc

N = 10000
E = 320000
D = 128
H = 128
EPS = 1e-5

CHUNK = 256
NC = 2
NS = 16
DH = D // NC
DEGW = 32
G = 4
PCHUNK = 1280
TPT = PCHUNK // NS
NGRP = TPT // G
NP = N + 8

_INV = float(1.0 / np.sqrt(1.0 + EPS))

_RB = 624
_ZB = 128
_PIECES = [(0, _ZB), (_ZB, _ZB), (2 * _ZB, _ZB),
           (3 * _ZB, _ZB), (4 * _ZB, _RB - 4 * _ZB)]
_TAIL0 = NS * _RB
_TAILN = N - _TAIL0


def _sc_edge_agg(xs, src3d, dst3d, zagg, zdeg, ones):
    mesh = plsc.VectorSubcoreMesh(core_axis_name="c", subcore_axis_name="s")

    @functools.partial(
        pl.kernel,
        out_type=[
            jax.ShapeDtypeStruct((NC, N, DH), jnp.bfloat16),
            jax.ShapeDtypeStruct((NC, N, DEGW), jnp.bfloat16),
        ],
        mesh=mesh,
        compiler_params=pltpu.CompilerParams(use_tc_tiling_on_sc=False),
        scratch_types=[
            pltpu.VMEM((G, 1, CHUNK), jnp.int32),
            pltpu.VMEM((G, 2, CHUNK // 2), jnp.int32),
            pltpu.VMEM((CHUNK, DH), jnp.bfloat16),
            pltpu.VMEM((CHUNK, DH), jnp.bfloat16),
            pltpu.VMEM((CHUNK, DH), jnp.bfloat16),
            pltpu.VMEM((CHUNK, DH), jnp.bfloat16),
            pltpu.VMEM((CHUNK, DEGW), jnp.bfloat16),
            pltpu.VMEM((CHUNK, DEGW), jnp.bfloat16),
            pltpu.VMEM_SHARED((NP, DH), jnp.bfloat16),
            pltpu.VMEM_SHARED((NP, DEGW), jnp.bfloat16),
            pltpu.SemaphoreType.DMA,
            pltpu.SemaphoreType.DMA,
            pltpu.SemaphoreType.DMA,
            pltpu.SemaphoreType.DMA,
        ],
    )
    def k(xs_hbm, src_hbm, dst_hbm, zagg_hbm, zdeg_hbm, ones_hbm,
          aggp_hbm, degp_hbm,
          srcg, dstg, rows_a, rows_b, rows_c, rows_d, ones_v, degb_v,
          agg_sh, deg_sh, sem_a, sem_b, sem_c, sem_d):
        cid = lax.axis_index("c")
        sid = lax.axis_index("s")
        c0 = sid * TPT
        base = sid * _RB
        rows = (rows_a, rows_b, rows_c, rows_d)
        sems = (sem_a, sem_b, sem_c, sem_d)

        pltpu.sync_copy(zagg_hbm, rows_a)
        pltpu.sync_copy(zdeg_hbm, degb_v)
        for off, sz in _PIECES:
            pltpu.sync_copy(rows_a.at[pl.ds(0, sz)],
                            agg_sh.at[pl.ds(base + off, sz)])
            pltpu.sync_copy(degb_v.at[pl.ds(0, sz)],
                            deg_sh.at[pl.ds(base + off, sz)])

        @pl.when(sid == NS - 1)
        def _():
            pltpu.sync_copy(rows_a.at[pl.ds(0, _TAILN)],
                            agg_sh.at[pl.ds(_TAIL0, _TAILN)])
            pltpu.sync_copy(degb_v.at[pl.ds(0, _TAILN)],
                            deg_sh.at[pl.ds(_TAIL0, _TAILN)])

        pltpu.sync_copy(ones_hbm, ones_v)
        plsc.subcore_barrier()

        xh = xs_hbm.at[cid]
        HC = CHUNK // 2

        def scatter(b, my_deg):
            buf = rows[b % 4]
            for half in range(2):
                pltpu.sync_copy(buf.at[pl.ds(half * HC, HC)],
                                agg_sh.at[dstg.at[b, half]], add=True)

                @pl.when(my_deg)
                def _():
                    pltpu.sync_copy(ones_v.at[pl.ds(0, HC)],
                                    deg_sh.at[dstg.at[b, half]], add=True)

        def group(g, carry):
            gbase = c0 + g * G
            pltpu.sync_copy(src_hbm.at[pl.ds(gbase, G)], srcg)
            pltpu.sync_copy(dst_hbm.at[pl.ds(gbase, G)], dstg)
            my_deg = (g % NC) == cid

            pend = [pltpu.async_copy(xh.at[srcg.at[b, 0]],
                                     rows[b % 4], sems[b % 4])
                    for b in range(2)]
            for b in range(G):
                if b + 2 < G:
                    pend.append(pltpu.async_copy(xh.at[srcg.at[b + 2, 0]],
                                                 rows[(b + 2) % 4],
                                                 sems[(b + 2) % 4]))
                pend[b].wait()
                scatter(b, my_deg)
            return carry

        lax.fori_loop(0, NGRP, group, 0)
        plsc.subcore_barrier()

        def drain(off, sz):
            pltpu.sync_copy(agg_sh.at[pl.ds(off, sz)],
                            rows_a.at[pl.ds(0, sz)])
            pltpu.sync_copy(rows_a.at[pl.ds(0, sz)],
                            aggp_hbm.at[cid, pl.ds(off, sz)])
            pltpu.sync_copy(deg_sh.at[pl.ds(off, sz)], degb_v.at[pl.ds(0, sz)])
            pltpu.sync_copy(degb_v.at[pl.ds(0, sz)],
                            degp_hbm.at[cid, pl.ds(off, sz)])

        for off, sz in _PIECES:
            drain(base + off, sz)

        @pl.when(sid == NS - 1)
        def _():
            drain(_TAIL0, _TAILN)

    return k(xs, src3d, dst3d, zagg, zdeg, ones)


def _tc_body(x_ref, aggp_ref, degp_ref, wself_ref, wneigh_ref, bself_ref,
             gamma_ref, beta_ref, wp_ref, bp_ref, gp_ref, betap_ref,
             out1_ref, out2_ref, acc_ref):
    i = pl.program_id(0)
    n = pl.num_programs(0)

    @pl.when(i == 0)
    def _():
        acc_ref[...] = jnp.zeros_like(acc_ref)

    agg = jnp.concatenate([aggp_ref[0], aggp_ref[1]],
                          axis=1).astype(jnp.float32)
    deg = (degp_ref[0, :, 0:1].astype(jnp.float32)
           + degp_ref[1, :, 0:1].astype(jnp.float32))
    mean_n = agg / jnp.maximum(deg, 1.0)
    h = (jnp.dot(x_ref[...], wself_ref[...], preferred_element_type=jnp.float32)
         + jnp.dot(mean_n, wneigh_ref[...], preferred_element_type=jnp.float32)
         + bself_ref[...])
    r = jnp.maximum(h * _INV * gamma_ref[...] + beta_ref[...], 0.0)
    acc_ref[...] += jnp.sum(r, axis=0, keepdims=True)

    @pl.when(i == n - 1)
    def _():
        p = acc_ref[...]
        wp = wp_ref[...]
        q = jnp.maximum(jnp.dot(p, wp, preferred_element_type=jnp.float32)
                        + bp_ref[...], 0.0) * _INV * gp_ref[...] + betap_ref[...]
        out2_ref[...] = q
        z = jnp.maximum(jnp.dot(q, wp, preferred_element_type=jnp.float32)
                        + bp_ref[...], 0.0) * _INV * gp_ref[...] + betap_ref[...]
        zmax = jnp.max(z, axis=-1, keepdims=True)
        lse = jnp.log(jnp.sum(jnp.exp(z - zmax), axis=-1, keepdims=True)) + zmax
        out1_ref[...] = z - lse


def _tc_dense(x, aggp, degp, Wself, bself, Wneigh, gamma, beta, Wp, bp, gp, betap):
    BLK = 2000
    grid = (N // BLK,)
    row = lambda v: v.reshape(1, H)
    full = lambda i: (0, 0)
    out1, out2 = pl.pallas_call(
        _tc_body,
        grid=grid,
        in_specs=[
            pl.BlockSpec((BLK, D), lambda i: (i, 0)),
            pl.BlockSpec((NC, BLK, DH), lambda i: (0, i, 0)),
            pl.BlockSpec((NC, BLK, DEGW), lambda i: (0, i, 0)),
            pl.BlockSpec((D, H), full),
            pl.BlockSpec((D, H), full),
            pl.BlockSpec((1, H), full),
            pl.BlockSpec((1, H), full),
            pl.BlockSpec((1, H), full),
            pl.BlockSpec((H, H), full),
            pl.BlockSpec((1, H), full),
            pl.BlockSpec((1, H), full),
            pl.BlockSpec((1, H), full),
        ],
        out_specs=[pl.BlockSpec((1, H), full), pl.BlockSpec((1, H), full)],
        out_shape=[jax.ShapeDtypeStruct((1, H), jnp.float32),
                   jax.ShapeDtypeStruct((1, H), jnp.float32)],
        scratch_shapes=[pltpu.VMEM((1, H), jnp.float32)],
    )(x, aggp, degp, Wself, Wneigh, row(bself), row(gamma), row(beta),
      Wp, row(bp), row(gp), row(betap))
    return out1, out2


def kernel(x, edge_index, Wself, bself, Wneigh, gamma, beta, Wp, bp, gp, betap):
    pad = PCHUNK * CHUNK - E
    src3d = jnp.concatenate(
        [edge_index[0], jnp.zeros((pad,), jnp.int32)]).reshape(PCHUNK, 1, CHUNK)
    dst3d = jnp.concatenate(
        [edge_index[1], jnp.full((pad,), N, jnp.int32)]).reshape(
            PCHUNK, 2, CHUNK // 2)
    xs = x.astype(jnp.bfloat16).reshape(N, NC, DH).transpose(1, 0, 2)
    zagg = jnp.zeros((CHUNK, DH), jnp.bfloat16)
    zdeg = jnp.zeros((CHUNK, DEGW), jnp.bfloat16)
    ones = jnp.ones((CHUNK, DEGW), jnp.bfloat16)
    aggp, degp = _sc_edge_agg(xs, src3d, dst3d, zagg, zdeg, ones)
    return _tc_dense(x, aggp, degp, Wself, bself, Wneigh, gamma, beta,
                     Wp, bp, gp, betap)

# --- scband reference (transcript-rebuilt; emitter-appended) ---
"""Pipeline reference for scband-gnn-64106681860685 (READ-ONLY COPY).

The authoritative reference and input builder live on the scoring server;
editing this copy changes nothing except your own understanding.
"""

import jax, jax.numpy as jnp
import numpy as np

N = 10000
E = 320000
D = 128
H = 128
EPS = 1e-5


def _bn_eval(h, g, b):
    # BatchNorm1d in eval mode with running_mean=0, running_var=1
    return h / jnp.sqrt(1.0 + EPS) * g + b


def setup_inputs(seed: int = 0):
    key = jax.random.key(seed)
    ks = jax.random.split(key, 12)
    x = jax.random.normal(ks[0], (N, D), dtype=jnp.float32)
    edge_index = jax.random.randint(ks[1], (2, E), 0, N, dtype=jnp.int32)
    s = 1.0 / np.sqrt(D)
    Wself = jax.random.normal(ks[2], (D, H), dtype=jnp.float32) * s
    bself = jnp.zeros((H,), dtype=jnp.float32)
    Wneigh = jax.random.normal(ks[3], (D, H), dtype=jnp.float32) * s
    gamma = jnp.ones((H,), dtype=jnp.float32)
    beta = jnp.zeros((H,), dtype=jnp.float32)
    Wp = jax.random.normal(ks[4], (H, H), dtype=jnp.float32) * (1.0 / np.sqrt(H))
    bp = jnp.zeros((H,), dtype=jnp.float32)
    gp = jnp.ones((H,), dtype=jnp.float32)
    betap = jnp.zeros((H,), dtype=jnp.float32)
    return {"x": x, "edge_index": edge_index, "Wself": Wself, "bself": bself,
            "Wneigh": Wneigh, "gamma": gamma, "beta": beta,
            "Wp": Wp, "bp": bp, "gp": gp, "betap": betap}


def reference(x, edge_index, Wself, bself, Wneigh, gamma, beta, Wp, bp, gp, betap):
    src = edge_index[0]
    dst = edge_index[1]
    # --- SAGEConv (aggregator='mean'), DGL semantics ---
    msgs = x[src]  # gather over edges (memory-bound)
    agg = jax.ops.segment_sum(msgs, dst, num_segments=N)
    deg = jax.ops.segment_sum(jnp.ones((E,), dtype=x.dtype), dst, num_segments=N)
    mean_n = agg / jnp.maximum(deg, 1.0)[:, None]
    h = x @ Wself + bself + mean_n @ Wneigh
    h = jax.nn.relu(_bn_eval(h, gamma, beta))
    hidden_rep = [h]
    # --- SumPooling over all nodes (single graph -> [1, H]) ---
    pooled_list = []
    for hr in hidden_rep:
        p = jnp.sum(hr, axis=0, keepdims=True)
        # linear_prediction[0]: Linear -> ReLU -> BatchNorm1d (eval)
        p = _bn_eval(jax.nn.relu(p @ Wp + bp), gp, betap)
        pooled_list.append(p)
    pooled_hh = jnp.stack(pooled_list, axis=0)  # [num_layers, 1, H]
    pooled_h = jnp.concatenate(pooled_list, axis=-1)  # [1, num_layers*H] == [1, H]
    # for i in range(num_layers): pooled_h = linear_prediction[i](pooled_h)
    pooled_h = _bn_eval(jax.nn.relu(pooled_h @ Wp + bp), gp, betap)
    return (jax.nn.log_softmax(pooled_h, axis=-1), jnp.mean(pooled_hh, axis=0))

if __name__ == "__main__":
    import jax
    _d = setup_inputs()
    print(jax.jit(kernel)(*tuple(_d.values())))

</pallas_src>

<mosaic_0001>
#map = affine_map<(d0, d1) -> (0, 0, 0)>
#map1 = affine_map<(d0, d1) -> (0, 0)>
module attributes {stable_mosaic.version = 14 : i64} {
  func.func @k(%arg0: i32, %arg1: i32, %arg2: memref<2x10000x64xbf16, #tpu.memory_space<hbm>>, %arg3: memref<1280x1x256xi32, #tpu.memory_space<hbm>>, %arg4: memref<1280x2x128xi32, #tpu.memory_space<hbm>>, %arg5: memref<256x64xbf16, #tpu.memory_space<hbm>>, %arg6: memref<256x32xbf16, #tpu.memory_space<hbm>>, %arg7: memref<256x32xbf16, #tpu.memory_space<hbm>>, %arg8: memref<2x10000x64xbf16, #tpu.memory_space<hbm>>, %arg9: memref<2x10000x32xbf16, #tpu.memory_space<hbm>>, %arg10: memref<4x1x256xi32, #tpu.memory_space<vmem>>, %arg11: memref<4x2x128xi32, #tpu.memory_space<vmem>>, %arg12: memref<256x64xbf16, #tpu.memory_space<vmem>>, %arg13: memref<256x64xbf16, #tpu.memory_space<vmem>>, %arg14: memref<256x64xbf16, #tpu.memory_space<vmem>>, %arg15: memref<256x64xbf16, #tpu.memory_space<vmem>>, %arg16: memref<256x32xbf16, #tpu.memory_space<vmem>>, %arg17: memref<256x32xbf16, #tpu.memory_space<vmem>>, %arg18: memref<10008x64xbf16, #tpu.memory_space<vmem_shared>>, %arg19: memref<10008x32xbf16, #tpu.memory_space<vmem_shared>>, %arg20: memref<!tpu.dma_semaphore, #tpu.memory_space<semaphore_mem>>, %arg21: memref<!tpu.dma_semaphore, #tpu.memory_space<semaphore_mem>>, %arg22: memref<!tpu.dma_semaphore, #tpu.memory_space<semaphore_mem>>, %arg23: memref<!tpu.dma_semaphore, #tpu.memory_space<semaphore_mem>>) attributes {dimension_semantics = [#tpu.dimension_semantics<core_parallel>, #tpu.dimension_semantics<subcore_parallel>], iteration_bounds = array<i64: 2, 16>, scalar_prefetch = 0 : i64, scratch_operands = 14 : i64, tpu.core_type = #tpu.core_type<sc_vector_subcore>, window_params = [{transform_indices = #map}, {transform_indices = #map}, {transform_indices = #map}, {transform_indices = #map1}, {transform_indices = #map1}, {transform_indices = #map1}, {transform_indices = #map}, {transform_indices = #map}]} {
    %mul3A = arith.constant 80 : i32
    %mul3A_0 = arith.muli %arg1, %mul3A : i32
    %mul3A_1 = arith.constant 624 : i32
    %mul3A_2 = arith.muli %arg1, %mul3A_1 : i32
    "tpu.region"() ({
      %run_scoped3A = tpu.sem_alloc : memref<!tpu.dma_semaphore, #tpu.memory_space<semaphore_mem>>
      tpu.enqueue_dma source(%arg5 : memref<256x64xbf16, #tpu.memory_space<hbm>>) target(%arg12 : memref<256x64xbf16, #tpu.memory_space<vmem>>) target_semaphore(%run_scoped3A : memref<!tpu.dma_semaphore, #tpu.memory_space<semaphore_mem>>)
      tpu.wait_dma2 semaphore(%run_scoped3A : memref<!tpu.dma_semaphore, #tpu.memory_space<semaphore_mem>>) src(%arg5 : memref<256x64xbf16, #tpu.memory_space<hbm>>) dst(%arg12 : memref<256x64xbf16, #tpu.memory_space<vmem>>)
      tpu.yield
    }) : () -> ()
    "tpu.region"() ({
      %run_scoped3A = tpu.sem_alloc : memref<!tpu.dma_semaphore, #tpu.memory_space<semaphore_mem>>
      tpu.enqueue_dma source(%arg6 : memref<256x32xbf16, #tpu.memory_space<hbm>>) target(%arg17 : memref<256x32xbf16, #tpu.memory_space<vmem>>) target_semaphore(%run_scoped3A : memref<!tpu.dma_semaphore, #tpu.memory_space<semaphore_mem>>)
      tpu.wait_dma2 semaphore(%run_scoped3A : memref<!tpu.dma_semaphore, #tpu.memory_space<semaphore_mem>>) src(%arg6 : memref<256x32xbf16, #tpu.memory_space<hbm>>) dst(%arg17 : memref<256x32xbf16, #tpu.memory_space<vmem>>)
      tpu.yield
    }) : () -> ()
    %add3A = arith.constant 0 : i32
    %add3A_3 = arith.addi %mul3A_2, %add3A : i32
    "tpu.region"() ({
      %run_scoped3A = tpu.sem_alloc : memref<!tpu.dma_semaphore, #tpu.memory_space<semaphore_mem>>
      %dma_start3A = arith.constant 0 : i32
      %dma_start3A_45 = arith.constant 0 : i32
      %dma_start3A_46 = tpu.memref_slice %arg12[%dma_start3A, %dma_start3A_45] : memref<256x64xbf16, #tpu.memory_space<vmem>> -> memref<128x64xbf16, #tpu.memory_space<vmem>>
      %dma_start3A_47 = arith.constant 0 : i32
      %dma_start3A_48 = tpu.memref_slice %arg18[%add3A_3, %dma_start3A_47] : memref<10008x64xbf16, #tpu.memory_space<vmem_shared>> -> memref<128x64xbf16, #tpu.memory_space<vmem_shared>>
      %dma_start3A_49 = arith.constant 0 : i32
      %dma_start3A_50 = tpu.memref_slice %arg18[%add3A_3, %dma_start3A_49] : memref<10008x64xbf16, #tpu.memory_space<vmem_shared>> -> memref<128x64xbf16, #tpu.memory_space<vmem_shared>>
      %dma_start3A_51 = arith.constant 0 : i32
      %dma_start3A_52 = arith.constant 0 : i32
      %dma_start3A_53 = tpu.memref_slice %arg12[%dma_start3A_51, %dma_start3A_52] : memref<256x64xbf16, #tpu.memory_space<vmem>> -> memref<128x64xbf16, #tpu.memory_space<vmem>>
      tpu.enqueue_dma source(%dma_start3A_53 : memref<128x64xbf16, #tpu.memory_space<vmem>>) target(%dma_start3A_50 : memref<128x64xbf16, #tpu.memory_space<vmem_shared>>) target_semaphore(%run_scoped3A : memref<!tpu.dma_semaphore, #tpu.memory_space<semaphore_mem>>)
      %dma_wait3A = arith.constant 0 : i32
      %dma_wait3A_54 = arith.constant 0 : i32
      %dma_wait3A_55 = tpu.memref_slice %arg12[%dma_wait3A, %dma_wait3A_54] : memref<256x64xbf16, #tpu.memory_space<vmem>> -> memref<128x64xbf16, #tpu.memory_space<vmem>>
      %dma_wait3A_56 = arith.constant 0 : i32
      %dma_wait3A_57 = tpu.memref_slice %arg18[%add3A_3, %dma_wait3A_56] : memref<10008x64xbf16, #tpu.memory_space<vmem_shared>> -> memref<128x64xbf16, #tpu.memory_space<vmem_shared>>
      %dma_wait3A_58 = arith.constant 0 : i32
      %dma_wait3A_59 = tpu.memref_slice %arg18[%add3A_3, %dma_wait3A_58] : memref<10008x64xbf16, #tpu.memory_space<vmem_shared>> -> memref<128x64xbf16, #tpu.memory_space<vmem_shared>>
      %dma_wait3A_60 = arith.constant 0 : i32
      %dma_wait3A_61 = arith.constant 0 : i32
      %dma_wait3A_62 = tpu.memref_slice %arg12[%dma_wait3A_60, %dma_wait3A_61] : memref<256x64xbf16, #tpu.memory_space<vmem>> -> memref<128x64xbf16, #tpu.memory_space<vmem>>
      tpu.wait_dma2 semaphore(%run_scoped3A : memref<!tpu.dma_semaphore, #tpu.memory_space<semaphore_mem>>) src(%dma_wait3A_62 : memref<128x64xbf16, #tpu.memory_space<vmem>>) dst(%dma_wait3A_59 : memref<128x64xbf16, #tpu.memory_space<vmem_shared>>)
      tpu.yield
    }) : () -> ()
    %add3A_4 = arith.constant 0 : i32
    %add3A_5 = arith.addi %mul3A_2, %add3A_4 : i32
    "tpu.region"() ({
      %run_scoped3A = tpu.sem_alloc : memref<!tpu.dma_semaphore, #tpu.memory_space<semaphore_mem>>
      %dma_start3A = arith.constant 0 : i32
      %dma_start3A_45 = arith.constant 0 : i32
      %dma_start3A_46 = tpu.memref_slice %arg17[%dma_start3A, %dma_start3A_45] : memref<256x32xbf16, #tpu.memory_space<vmem>> -> memref<128x32xbf16, #tpu.memory_space<vmem>>
      %dma_start3A_47 = arith.constant 0 : i32
      %dma_start3A_48 = tpu.memref_slice %arg19[%add3A_5, %dma_start3A_47] : memref<10008x32xbf16, #tpu.memory_space<vmem_shared>> -> memref<128x32xbf16, #tpu.memory_space<vmem_shared>>
      %dma_start3A_49 = arith.constant 0 : i32
      %dma_start3A_50 = tpu.memref_slice %arg19[%add3A_5, %dma_start3A_49] : memref<10008x32xbf16, #tpu.memory_space<vmem_shared>> -> memref<128x32xbf16, #tpu.memory_space<vmem_shared>>
      %dma_start3A_51 = arith.constant 0 : i32
      %dma_start3A_52 = arith.constant 0 : i32
      %dma_start3A_53 = tpu.memref_slice %arg17[%dma_start3A_51, %dma_start3A_52] : memref<256x32xbf16, #tpu.memory_space<vmem>> -> memref<128x32xbf16, #tpu.memory_space<vmem>>
      tpu.enqueue_dma source(%dma_start3A_53 : memref<128x32xbf16, #tpu.memory_space<vmem>>) target(%dma_start3A_50 : memref<128x32xbf16, #tpu.memory_space<vmem_shared>>) target_semaphore(%run_scoped3A : memref<!tpu.dma_semaphore, #tpu.memory_space<semaphore_mem>>)
      %dma_wait3A = arith.constant 0 : i32
      %dma_wait3A_54 = arith.constant 0 : i32
      %dma_wait3A_55 = tpu.memref_slice %arg17[%dma_wait3A, %dma_wait3A_54] : memref<256x32xbf16, #tpu.memory_space<vmem>> -> memref<128x32xbf16, #tpu.memory_space<vmem>>
      %dma_wait3A_56 = arith.constant 0 : i32
      %dma_wait3A_57 = tpu.memref_slice %arg19[%add3A_5, %dma_wait3A_56] : memref<10008x32xbf16, #tpu.memory_space<vmem_shared>> -> memref<128x32xbf16, #tpu.memory_space<vmem_shared>>
      %dma_wait3A_58 = arith.constant 0 : i32
      %dma_wait3A_59 = tpu.memref_slice %arg19[%add3A_5, %dma_wait3A_58] : memref<10008x32xbf16, #tpu.memory_space<vmem_shared>> -> memref<128x32xbf16, #tpu.memory_space<vmem_shared>>
      %dma_wait3A_60 = arith.constant 0 : i32
      %dma_wait3A_61 = arith.constant 0 : i32
      %dma_wait3A_62 = tpu.memref_slice %arg17[%dma_wait3A_60, %dma_wait3A_61] : memref<256x32xbf16, #tpu.memory_space<vmem>> -> memref<128x32xbf16, #tpu.memory_space<vmem>>
      tpu.wait_dma2 semaphore(%run_scoped3A : memref<!tpu.dma_semaphore, #tpu.memory_space<semaphore_mem>>) src(%dma_wait3A_62 : memref<128x32xbf16, #tpu.memory_space<vmem>>) dst(%dma_wait3A_59 : memref<128x32xbf16, #tpu.memory_space<vmem_shared>>)
      tpu.yield
    }) : () -> ()
    %add3A_6 = arith.constant 128 : i32
    %add3A_7 = arith.addi %mul3A_2, %add3A_6 : i32
    "tpu.region"() ({
      %run_scoped3A = tpu.sem_alloc : memref<!tpu.dma_semaphore, #tpu.memory_space<semaphore_mem>>
      %dma_start3A = arith.constant 0 : i32
      %dma_start3A_45 = arith.constant 0 : i32
      %dma_start3A_46 = tpu.memref_slice %arg12[%dma_start3A, %dma_start3A_45] : memref<256x64xbf16, #tpu.memory_space<vmem>> -> memref<128x64xbf16, #tpu.memory_space<vmem>>
      %dma_start3A_47 = arith.constant 0 : i32
      %dma_start3A_48 = tpu.memref_slice %arg18[%add3A_7, %dma_start3A_47] : memref<10008x64xbf16, #tpu.memory_space<vmem_shared>> -> memref<128x64xbf16, #tpu.memory_space<vmem_shared>>
      %dma_start3A_49 = arith.constant 0 : i32
      %dma_start3A_50 = tpu.memref_slice %arg18[%add3A_7, %dma_start3A_49] : memref<10008x64xbf16, #tpu.memory_space<vmem_shared>> -> memref<128x64xbf16, #tpu.memory_space<vmem_shared>>
      %dma_start3A_51 = arith.constant 0 : i32
      %dma_start3A_52 = arith.constant 0 : i32
      %dma_start3A_53 = tpu.memref_slice %arg12[%dma_start3A_51, %dma_start3A_52] : memref<256x64xbf16, #tpu.memory_space<vmem>> -> memref<128x64xbf16, #tpu.memory_space<vmem>>
      tpu.enqueue_dma source(%dma_start3A_53 : memref<128x64xbf16, #tpu.memory_space<vmem>>) target(%dma_start3A_50 : memref<128x64xbf16, #tpu.memory_space<vmem_shared>>) target_semaphore(%run_scoped3A : memref<!tpu.dma_semaphore, #tpu.memory_space<semaphore_mem>>)
      %dma_wait3A = arith.constant 0 : i32
      %dma_wait3A_54 = arith.constant 0 : i32
      %dma_wait3A_55 = tpu.memref_slice %arg12[%dma_wait3A, %dma_wait3A_54] : memref<256x64xbf16, #tpu.memory_space<vmem>> -> memref<128x64xbf16, #tpu.memory_space<vmem>>
      %dma_wait3A_56 = arith.constant 0 : i32
      %dma_wait3A_57 = tpu.memref_slice %arg18[%add3A_7, %dma_wait3A_56] : memref<10008x64xbf16, #tpu.memory_space<vmem_shared>> -> memref<128x64xbf16, #tpu.memory_space<vmem_shared>>
      %dma_wait3A_58 = arith.constant 0 : i32
      %dma_wait3A_59 = tpu.memref_slice %arg18[%add3A_7, %dma_wait3A_58] : memref<10008x64xbf16, #tpu.memory_space<vmem_shared>> -> memref<128x64xbf16, #tpu.memory_space<vmem_shared>>
      %dma_wait3A_60 = arith.constant 0 : i32
      %dma_wait3A_61 = arith.constant 0 : i32
      %dma_wait3A_62 = tpu.memref_slice %arg12[%dma_wait3A_60, %dma_wait3A_61] : memref<256x64xbf16, #tpu.memory_space<vmem>> -> memref<128x64xbf16, #tpu.memory_space<vmem>>
      tpu.wait_dma2 semaphore(%run_scoped3A : memref<!tpu.dma_semaphore, #tpu.memory_space<semaphore_mem>>) src(%dma_wait3A_62 : memref<128x64xbf16, #tpu.memory_space<vmem>>) dst(%dma_wait3A_59 : memref<128x64xbf16, #tpu.memory_space<vmem_shared>>)
      tpu.yield
    }) : () -> ()
    %add3A_8 = arith.constant 128 : i32
    %add3A_9 = arith.addi %mul3A_2, %add3A_8 : i32
    "tpu.region"() ({
      %run_scoped3A = tpu.sem_alloc : memref<!tpu.dma_semaphore, #tpu.memory_space<semaphore_mem>>
      %dma_start3A = arith.constant 0 : i32
      %dma_start3A_45 = arith.constant 0 : i32
      %dma_start3A_46 = tpu.memref_slice %arg17[%dma_start3A, %dma_start3A_45] : memref<256x32xbf16, #tpu.memory_space<vmem>> -> memref<128x32xbf16, #tpu.memory_space<vmem>>
      %dma_start3A_47 = arith.constant 0 : i32
      %dma_start3A_48 = tpu.memref_slice %arg19[%add3A_9, %dma_start3A_47] : memref<10008x32xbf16, #tpu.memory_space<vmem_shared>> -> memref<128x32xbf16, #tpu.memory_space<vmem_shared>>
      %dma_start3A_49 = arith.constant 0 : i32
      %dma_start3A_50 = tpu.memref_slice %arg19[%add3A_9, %dma_start3A_49] : memref<10008x32xbf16, #tpu.memory_space<vmem_shared>> -> memref<128x32xbf16, #tpu.memory_space<vmem_shared>>
      %dma_start3A_51 = arith.constant 0 : i32
      %dma_start3A_52 = arith.constant 0 : i32
      %dma_start3A_53 = tpu.memref_slice %arg17[%dma_start3A_51, %dma_start3A_52] : memref<256x32xbf16, #tpu.memory_space<vmem>> -> memref<128x32xbf16, #tpu.memory_space<vmem>>
      tpu.enqueue_dma source(%dma_start3A_53 : memref<128x32xbf16, #tpu.memory_space<vmem>>) target(%dma_start3A_50 : memref<128x32xbf16, #tpu.memory_space<vmem_shared>>) target_semaphore(%run_scoped3A : memref<!tpu.dma_semaphore, #tpu.memory_space<semaphore_mem>>)
      %dma_wait3A = arith.constant 0 : i32
      %dma_wait3A_54 = arith.constant 0 : i32
      %dma_wait3A_55 = tpu.memref_slice %arg17[%dma_wait3A, %dma_wait3A_54] : memref<256x32xbf16, #tpu.memory_space<vmem>> -> memref<128x32xbf16, #tpu.memory_space<vmem>>
      %dma_wait3A_56 = arith.constant 0 : i32
      %dma_wait3A_57 = tpu.memref_slice %arg19[%add3A_9, %dma_wait3A_56] : memref<10008x32xbf16, #tpu.memory_space<vmem_shared>> -> memref<128x32xbf16, #tpu.memory_space<vmem_shared>>
      %dma_wait3A_58 = arith.constant 0 : i32
      %dma_wait3A_59 = tpu.memref_slice %arg19[%add3A_9, %dma_wait3A_58] : memref<10008x32xbf16, #tpu.memory_space<vmem_shared>> -> memref<128x32xbf16, #tpu.memory_space<vmem_shared>>
      %dma_wait3A_60 = arith.constant 0 : i32
      %dma_wait3A_61 = arith.constant 0 : i32
      %dma_wait3A_62 = tpu.memref_slice %arg17[%dma_wait3A_60, %dma_wait3A_61] : memref<256x32xbf16, #tpu.memory_space<vmem>> -> memref<128x32xbf16, #tpu.memory_space<vmem>>
      tpu.wait_dma2 semaphore(%run_scoped3A : memref<!tpu.dma_semaphore, #tpu.memory_space<semaphore_mem>>) src(%dma_wait3A_62 : memref<128x32xbf16, #tpu.memory_space<vmem>>) dst(%dma_wait3A_59 : memref<128x32xbf16, #tpu.memory_space<vmem_shared>>)
      tpu.yield
    }) : () -> ()
    %add3A_10 = arith.constant 256 : i32
    %add3A_11 = arith.addi %mul3A_2, %add3A_10 : i32
    "tpu.region"() ({
      %run_scoped3A = tpu.sem_alloc : memref<!tpu.dma_semaphore, #tpu.memory_space<semaphore_mem>>
      %dma_start3A = arith.constant 0 : i32
      %dma_start3A_45 = arith.constant 0 : i32
      %dma_start3A_46 = tpu.memref_slice %arg12[%dma_start3A, %dma_start3A_45] : memref<256x64xbf16, #tpu.memory_space<vmem>> -> memref<128x64xbf16, #tpu.memory_space<vmem>>
      %dma_start3A_47 = arith.constant 0 : i32
      %dma_start3A_48 = tpu.memref_slice %arg18[%add3A_11, %dma_start3A_47] : memref<10008x64xbf16, #tpu.memory_space<vmem_shared>> -> memref<128x64xbf16, #tpu.memory_space<vmem_shared>>
      %dma_start3A_49 = arith.constant 0 : i32
      %dma_start3A_50 = tpu.memref_slice %arg18[%add3A_11, %dma_start3A_49] : memref<10008x64xbf16, #tpu.memory_space<vmem_shared>> -> memref<128x64xbf16, #tpu.memory_space<vmem_shared>>
      %dma_start3A_51 = arith.constant 0 : i32
      %dma_start3A_52 = arith.constant 0 : i32
      %dma_start3A_53 = tpu.memref_slice %arg12[%dma_start3A_51, %dma_start3A_52] : memref<256x64xbf16, #tpu.memory_space<vmem>> -> memref<128x64xbf16, #tpu.memory_space<vmem>>
      tpu.enqueue_dma source(%dma_start3A_53 : memref<128x64xbf16, #tpu.memory_space<vmem>>) target(%dma_start3A_50 : memref<128x64xbf16, #tpu.memory_space<vmem_shared>>) target_semaphore(%run_scoped3A : memref<!tpu.dma_semaphore, #tpu.memory_space<semaphore_mem>>)
      %dma_wait3A = arith.constant 0 : i32
      %dma_wait3A_54 = arith.constant 0 : i32
      %dma_wait3A_55 = tpu.memref_slice %arg12[%dma_wait3A, %dma_wait3A_54] : memref<256x64xbf16, #tpu.memory_space<vmem>> -> memref<128x64xbf16, #tpu.memory_space<vmem>>
      %dma_wait3A_56 = arith.constant 0 : i32
      %dma_wait3A_57 = tpu.memref_slice %arg18[%add3A_11, %dma_wait3A_56] : memref<10008x64xbf16, #tpu.memory_space<vmem_shared>> -> memref<128x64xbf16, #tpu.memory_space<vmem_shared>>
      %dma_wait3A_58 = arith.constant 0 : i32
      %dma_wait3A_59 = tpu.memref_slice %arg18[%add3A_11, %dma_wait3A_58] : memref<10008x64xbf16, #tpu.memory_space<vmem_shared>> -> memref<128x64xbf16, #tpu.memory_space<vmem_shared>>
      %dma_wait3A_60 = arith.constant 0 : i32
      %dma_wait3A_61 = arith.constant 0 : i32
      %dma_wait3A_62 = tpu.memref_slice %arg12[%dma_wait3A_60, %dma_wait3A_61] : memref<256x64xbf16, #tpu.memory_space<vmem>> -> memref<128x64xbf16, #tpu.memory_space<vmem>>
      tpu.wait_dma2 semaphore(%run_scoped3A : memref<!tpu.dma_semaphore, #tpu.memory_space<semaphore_mem>>) src(%dma_wait3A_62 : memref<128x64xbf16, #tpu.memory_space<vmem>>) dst(%dma_wait3A_59 : memref<128x64xbf16, #tpu.memory_space<vmem_shared>>)
      tpu.yield
    }) : () -> ()
    %add3A_12 = arith.constant 256 : i32
    %add3A_13 = arith.addi %mul3A_2, %add3A_12 : i32
    "tpu.region"() ({
      %run_scoped3A = tpu.sem_alloc : memref<!tpu.dma_semaphore, #tpu.memory_space<semaphore_mem>>
      %dma_start3A = arith.constant 0 : i32
      %dma_start3A_45 = arith.constant 0 : i32
      %dma_start3A_46 = tpu.memref_slice %arg17[%dma_start3A, %dma_start3A_45] : memref<256x32xbf16, #tpu.memory_space<vmem>> -> memref<128x32xbf16, #tpu.memory_space<vmem>>
      %dma_start3A_47 = arith.constant 0 : i32
      %dma_start3A_48 = tpu.memref_slice %arg19[%add3A_13, %dma_start3A_47] : memref<10008x32xbf16, #tpu.memory_space<vmem_shared>> -> memref<128x32xbf16, #tpu.memory_space<vmem_shared>>
      %dma_start3A_49 = arith.constant 0 : i32
      %dma_start3A_50 = tpu.memref_slice %arg19[%add3A_13, %dma_start3A_49] : memref<10008x32xbf16, #tpu.memory_space<vmem_shared>> -> memref<128x32xbf16, #tpu.memory_space<vmem_shared>>
      %dma_start3A_51 = arith.constant 0 : i32
      %dma_start3A_52 = arith.constant 0 : i32
      %dma_start3A_53 = tpu.memref_slice %arg17[%dma_start3A_51, %dma_start3A_52] : memref<256x32xbf16, #tpu.memory_space<vmem>> -> memref<128x32xbf16, #tpu.memory_space<vmem>>
      tpu.enqueue_dma source(%dma_start3A_53 : memref<128x32xbf16, #tpu.memory_space<vmem>>) target(%dma_start3A_50 : memref<128x32xbf16, #tpu.memory_space<vmem_shared>>) target_semaphore(%run_scoped3A : memref<!tpu.dma_semaphore, #tpu.memory_space<semaphore_mem>>)
      %dma_wait3A = arith.constant 0 : i32
      %dma_wait3A_54 = arith.constant 0 : i32
      %dma_wait3A_55 = tpu.memref_slice %arg17[%dma_wait3A, %dma_wait3A_54] : memref<256x32xbf16, #tpu.memory_space<vmem>> -> memref<128x32xbf16, #tpu.memory_space<vmem>>
      %dma_wait3A_56 = arith.constant 0 : i32
      %dma_wait3A_57 = tpu.memref_slice %arg19[%add3A_13, %dma_wait3A_56] : memref<10008x32xbf16, #tpu.memory_space<vmem_shared>> -> memref<128x32xbf16, #tpu.memory_space<vmem_shared>>
      %dma_wait3A_58 = arith.constant 0 : i32
      %dma_wait3A_59 = tpu.memref_slice %arg19[%add3A_13, %dma_wait3A_58] : memref<10008x32xbf16, #tpu.memory_space<vmem_shared>> -> memref<128x32xbf16, #tpu.memory_space<vmem_shared>>
      %dma_wait3A_60 = arith.constant 0 : i32
      %dma_wait3A_61 = arith.constant 0 : i32
      %dma_wait3A_62 = tpu.memref_slice %arg17[%dma_wait3A_60, %dma_wait3A_61] : memref<256x32xbf16, #tpu.memory_space<vmem>> -> memref<128x32xbf16, #tpu.memory_space<vmem>>
      tpu.wait_dma2 semaphore(%run_scoped3A : memref<!tpu.dma_semaphore, #tpu.memory_space<semaphore_mem>>) src(%dma_wait3A_62 : memref<128x32xbf16, #tpu.memory_space<vmem>>) dst(%dma_wait3A_59 : memref<128x32xbf16, #tpu.memory_space<vmem_shared>>)
      tpu.yield
    }) : () -> ()
    %add3A_14 = arith.constant 384 : i32
    %add3A_15 = arith.addi %mul3A_2, %add3A_14 : i32
    "tpu.region"() ({
      %run_scoped3A = tpu.sem_alloc : memref<!tpu.dma_semaphore, #tpu.memory_space<semaphore_mem>>
      %dma_start3A = arith.constant 0 : i32
      %dma_start3A_45 = arith.constant 0 : i32
      %dma_start3A_46 = tpu.memref_slice %arg12[%dma_start3A, %dma_start3A_45] : memref<256x64xbf16, #tpu.memory_space<vmem>> -> memref<128x64xbf16, #tpu.memory_space<vmem>>
      %dma_start3A_47 = arith.constant 0 : i32
      %dma_start3A_48 = tpu.memref_slice %arg18[%add3A_15, %dma_start3A_47] : memref<10008x64xbf16, #tpu.memory_space<vmem_shared>> -> memref<128x64xbf16, #tpu.memory_space<vmem_shared>>
      %dma_start3A_49 = arith.constant 0 : i32
      %dma_start3A_50 = tpu.memref_slice %arg18[%add3A_15, %dma_start3A_49] : memref<10008x64xbf16, #tpu.memory_space<vmem_shared>> -> memref<128x64xbf16, #tpu.memory_space<vmem_shared>>
      %dma_start3A_51 = arith.constant 0 : i32
      %dma_start3A_52 = arith.constant 0 : i32
      %dma_start3A_53 = tpu.memref_slice %arg12[%dma_start3A_51, %dma_start3A_52] : memref<256x64xbf16, #tpu.memory_space<vmem>> -> memref<128x64xbf16, #tpu.memory_space<vmem>>
      tpu.enqueue_dma source(%dma_start3A_53 : memref<128x64xbf16, #tpu.memory_space<vmem>>) target(%dma_start3A_50 : memref<128x64xbf16, #tpu.memory_space<vmem_shared>>) target_semaphore(%run_scoped3A : memref<!tpu.dma_semaphore, #tpu.memory_space<semaphore_mem>>)
      %dma_wait3A = arith.constant 0 : i32
      %dma_wait3A_54 = arith.constant 0 : i32
      %dma_wait3A_55 = tpu.memref_slice %arg12[%dma_wait3A, %dma_wait3A_54] : memref<256x64xbf16, #tpu.memory_space<vmem>> -> memref<128x64xbf16, #tpu.memory_space<vmem>>
      %dma_wait3A_56 = arith.constant 0 : i32
      %dma_wait3A_57 = tpu.memref_slice %arg18[%add3A_15, %dma_wait3A_56] : memref<10008x64xbf16, #tpu.memory_space<vmem_shared>> -> memref<128x64xbf16, #tpu.memory_space<vmem_shared>>
      %dma_wait3A_58 = arith.constant 0 : i32
      %dma_wait3A_59 = tpu.memref_slice %arg18[%add3A_15, %dma_wait3A_58] : memref<10008x64xbf16, #tpu.memory_space<vmem_shared>> -> memref<128x64xbf16, #tpu.memory_space<vmem_shared>>
      %dma_wait3A_60 = arith.constant 0 : i32
      %dma_wait3A_61 = arith.constant 0 : i32
      %dma_wait3A_62 = tpu.memref_slice %arg12[%dma_wait3A_60, %dma_wait3A_61] : memref<256x64xbf16, #tpu.memory_space<vmem>> -> memref<128x64xbf16, #tpu.memory_space<vmem>>
      tpu.wait_dma2 semaphore(%run_scoped3A : memref<!tpu.dma_semaphore, #tpu.memory_space<semaphore_mem>>) src(%dma_wait3A_62 : memref<128x64xbf16, #tpu.memory_space<vmem>>) dst(%dma_wait3A_59 : memref<128x64xbf16, #tpu.memory_space<vmem_shared>>)
      tpu.yield
    }) : () -> ()
    %add3A_16 = arith.constant 384 : i32
    %add3A_17 = arith.addi %mul3A_2, %add3A_16 : i32
    "tpu.region"() ({
      %run_scoped3A = tpu.sem_alloc : memref<!tpu.dma_semaphore, #tpu.memory_space<semaphore_mem>>
      %dma_start3A = arith.constant 0 : i32
      %dma_start3A_45 = arith.constant 0 : i32
      %dma_start3A_46 = tpu.memref_slice %arg17[%dma_start3A, %dma_start3A_45] : memref<256x32xbf16, #tpu.memory_space<vmem>> -> memref<128x32xbf16, #tpu.memory_space<vmem>>
      %dma_start3A_47 = arith.constant 0 : i32
      %dma_start3A_48 = tpu.memref_slice %arg19[%add3A_17, %dma_start3A_47] : memref<10008x32xbf16, #tpu.memory_space<vmem_shared>> -> memref<128x32xbf16, #tpu.memory_space<vmem_shared>>
      %dma_start3A_49 = arith.constant 0 : i32
      %dma_start3A_50 = tpu.memref_slice %arg19[%add3A_17, %dma_start3A_49] : memref<10008x32xbf16, #tpu.memory_space<vmem_shared>> -> memref<128x32xbf16, #tpu.memory_space<vmem_shared>>
      %dma_start3A_51 = arith.constant 0 : i32
      %dma_start3A_52 = arith.constant 0 : i32
      %dma_start3A_53 = tpu.memref_slice %arg17[%dma_start3A_51, %dma_start3A_52] : memref<256x32xbf16, #tpu.memory_space<vmem>> -> memref<128x32xbf16, #tpu.memory_space<vmem>>
      tpu.enqueue_dma source(%dma_start3A_53 : memref<128x32xbf16, #tpu.memory_space<vmem>>) target(%dma_start3A_50 : memref<128x32xbf16, #tpu.memory_space<vmem_shared>>) target_semaphore(%run_scoped3A : memref<!tpu.dma_semaphore, #tpu.memory_space<semaphore_mem>>)
      %dma_wait3A = arith.constant 0 : i32
      %dma_wait3A_54 = arith.constant 0 : i32
      %dma_wait3A_55 = tpu.memref_slice %arg17[%dma_wait3A, %dma_wait3A_54] : memref<256x32xbf16, #tpu.memory_space<vmem>> -> memref<128x32xbf16, #tpu.memory_space<vmem>>
      %dma_wait3A_56 = arith.constant 0 : i32
      %dma_wait3A_57 = tpu.memref_slice %arg19[%add3A_17, %dma_wait3A_56] : memref<10008x32xbf16, #tpu.memory_space<vmem_shared>> -> memref<128x32xbf16, #tpu.memory_space<vmem_shared>>
      %dma_wait3A_58 = arith.constant 0 : i32
      %dma_wait3A_59 = tpu.memref_slice %arg19[%add3A_17, %dma_wait3A_58] : memref<10008x32xbf16, #tpu.memory_space<vmem_shared>> -> memref<128x32xbf16, #tpu.memory_space<vmem_shared>>
      %dma_wait3A_60 = arith.constant 0 : i32
      %dma_wait3A_61 = arith.constant 0 : i32
      %dma_wait3A_62 = tpu.memref_slice %arg17[%dma_wait3A_60, %dma_wait3A_61] : memref<256x32xbf16, #tpu.memory_space<vmem>> -> memref<128x32xbf16, #tpu.memory_space<vmem>>
      tpu.wait_dma2 semaphore(%run_scoped3A : memref<!tpu.dma_semaphore, #tpu.memory_space<semaphore_mem>>) src(%dma_wait3A_62 : memref<128x32xbf16, #tpu.memory_space<vmem>>) dst(%dma_wait3A_59 : memref<128x32xbf16, #tpu.memory_space<vmem_shared>>)
      tpu.yield
    }) : () -> ()
    %add3A_18 = arith.constant 512 : i32
    %add3A_19 = arith.addi %mul3A_2, %add3A_18 : i32
    "tpu.region"() ({
      %run_scoped3A = tpu.sem_alloc : memref<!tpu.dma_semaphore, #tpu.memory_space<semaphore_mem>>
      %dma_start3A = arith.constant 0 : i32
      %dma_start3A_45 = arith.constant 0 : i32
      %dma_start3A_46 = tpu.memref_slice %arg12[%dma_start3A, %dma_start3A_45] : memref<256x64xbf16, #tpu.memory_space<vmem>> -> memref<112x64xbf16, #tpu.memory_space<vmem>>
      %dma_start3A_47 = arith.constant 0 : i32
      %dma_start3A_48 = tpu.memref_slice %arg18[%add3A_19, %dma_start3A_47] : memref<10008x64xbf16, #tpu.memory_space<vmem_shared>> -> memref<112x64xbf16, #tpu.memory_space<vmem_shared>>
      %dma_start3A_49 = arith.constant 0 : i32
      %dma_start3A_50 = tpu.memref_slice %arg18[%add3A_19, %dma_start3A_49] : memref<10008x64xbf16, #tpu.memory_space<vmem_shared>> -> memref<112x64xbf16, #tpu.memory_space<vmem_shared>>
      %dma_start3A_51 = arith.constant 0 : i32
      %dma_start3A_52 = arith.constant 0 : i32
      %dma_start3A_53 = tpu.memref_slice %arg12[%dma_start3A_51, %dma_start3A_52] : memref<256x64xbf16, #tpu.memory_space<vmem>> -> memref<112x64xbf16, #tpu.memory_space<vmem>>
      tpu.enqueue_dma source(%dma_start3A_53 : memref<112x64xbf16, #tpu.memory_space<vmem>>) target(%dma_start3A_50 : memref<112x64xbf16, #tpu.memory_space<vmem_shared>>) target_semaphore(%run_scoped3A : memref<!tpu.dma_semaphore, #tpu.memory_space<semaphore_mem>>)
      %dma_wait3A = arith.constant 0 : i32
      %dma_wait3A_54 = arith.constant 0 : i32
      %dma_wait3A_55 = tpu.memref_slice %arg12[%dma_wait3A, %dma_wait3A_54] : memref<256x64xbf16, #tpu.memory_space<vmem>> -> memref<112x64xbf16, #tpu.memory_space<vmem>>
      %dma_wait3A_56 = arith.constant 0 : i32
      %dma_wait3A_57 = tpu.memref_slice %arg18[%add3A_19, %dma_wait3A_56] : memref<10008x64xbf16, #tpu.memory_space<vmem_shared>> -> memref<112x64xbf16, #tpu.memory_space<vmem_shared>>
      %dma_wait3A_58 = arith.constant 0 : i32
      %dma_wait3A_59 = tpu.memref_slice %arg18[%add3A_19, %dma_wait3A_58] : memref<10008x64xbf16, #tpu.memory_space<vmem_shared>> -> memref<112x64xbf16, #tpu.memory_space<vmem_shared>>
      %dma_wait3A_60 = arith.constant 0 : i32
      %dma_wait3A_61 = arith.constant 0 : i32
      %dma_wait3A_62 = tpu.memref_slice %arg12[%dma_wait3A_60, %dma_wait3A_61] : memref<256x64xbf16, #tpu.memory_space<vmem>> -> memref<112x64xbf16, #tpu.memory_space<vmem>>
      tpu.wait_dma2 semaphore(%run_scoped3A : memref<!tpu.dma_semaphore, #tpu.memory_space<semaphore_mem>>) src(%dma_wait3A_62 : memref<112x64xbf16, #tpu.memory_space<vmem>>) dst(%dma_wait3A_59 : memref<112x64xbf16, #tpu.memory_space<vmem_shared>>)
      tpu.yield
    }) : () -> ()
    %add3A_20 = arith.constant 512 : i32
    %add3A_21 = arith.addi %mul3A_2, %add3A_20 : i32
    "tpu.region"() ({
      %run_scoped3A = tpu.sem_alloc : memref<!tpu.dma_semaphore, #tpu.memory_space<semaphore_mem>>
      %dma_start3A = arith.constant 0 : i32
      %dma_start3A_45 = arith.constant 0 : i32
      %dma_start3A_46 = tpu.memref_slice %arg17[%dma_start3A, %dma_start3A_45] : memref<256x32xbf16, #tpu.memory_space<vmem>> -> memref<112x32xbf16, #tpu.memory_space<vmem>>
      %dma_start3A_47 = arith.constant 0 : i32
      %dma_start3A_48 = tpu.memref_slice %arg19[%add3A_21, %dma_start3A_47] : memref<10008x32xbf16, #tpu.memory_space<vmem_shared>> -> memref<112x32xbf16, #tpu.memory_space<vmem_shared>>
      %dma_start3A_49 = arith.constant 0 : i32
      %dma_start3A_50 = tpu.memref_slice %arg19[%add3A_21, %dma_start3A_49] : memref<10008x32xbf16, #tpu.memory_space<vmem_shared>> -> memref<112x32xbf16, #tpu.memory_space<vmem_shared>>
      %dma_start3A_51 = arith.constant 0 : i32
      %dma_start3A_52 = arith.constant 0 : i32
      %dma_start3A_53 = tpu.memref_slice %arg17[%dma_start3A_51, %dma_start3A_52] : memref<256x32xbf16, #tpu.memory_space<vmem>> -> memref<112x32xbf16, #tpu.memory_space<vmem>>
      tpu.enqueue_dma source(%dma_start3A_53 : memref<112x32xbf16, #tpu.memory_space<vmem>>) target(%dma_start3A_50 : memref<112x32xbf16, #tpu.memory_space<vmem_shared>>) target_semaphore(%run_scoped3A : memref<!tpu.dma_semaphore, #tpu.memory_space<semaphore_mem>>)
      %dma_wait3A = arith.constant 0 : i32
      %dma_wait3A_54 = arith.constant 0 : i32
      %dma_wait3A_55 = tpu.memref_slice %arg17[%dma_wait3A, %dma_wait3A_54] : memref<256x32xbf16, #tpu.memory_space<vmem>> -> memref<112x32xbf16, #tpu.memory_space<vmem>>
      %dma_wait3A_56 = arith.constant 0 : i32
      %dma_wait3A_57 = tpu.memref_slice %arg19[%add3A_21, %dma_wait3A_56] : memref<10008x32xbf16, #tpu.memory_space<vmem_shared>> -> memref<112x32xbf16, #tpu.memory_space<vmem_shared>>
      %dma_wait3A_58 = arith.constant 0 : i32
      %dma_wait3A_59 = tpu.memref_slice %arg19[%add3A_21, %dma_wait3A_58] : memref<10008x32xbf16, #tpu.memory_space<vmem_shared>> -> memref<112x32xbf16, #tpu.memory_space<vmem_shared>>
      %dma_wait3A_60 = arith.constant 0 : i32
      %dma_wait3A_61 = arith.constant 0 : i32
      %dma_wait3A_62 = tpu.memref_slice %arg17[%dma_wait3A_60, %dma_wait3A_61] : memref<256x32xbf16, #tpu.memory_space<vmem>> -> memref<112x32xbf16, #tpu.memory_space<vmem>>
      tpu.wait_dma2 semaphore(%run_scoped3A : memref<!tpu.dma_semaphore, #tpu.memory_space<semaphore_mem>>) src(%dma_wait3A_62 : memref<112x32xbf16, #tpu.memory_space<vmem>>) dst(%dma_wait3A_59 : memref<112x32xbf16, #tpu.memory_space<vmem_shared>>)
      tpu.yield
    }) : () -> ()
    %eq3A = arith.constant 15 : i32
    %eq3A_22 = arith.cmpi eq, %arg1, %eq3A : i32
    %convert_element_type3A = arith.extui %eq3A_22 : i1 to i32
    %cond3A = arith.constant 0 : i32
    %cond3A_23 = arith.cmpi ne, %convert_element_type3A, %cond3A : i32
    scf.if %cond3A_23 {
      "tpu.region"() ({
        %run_scoped3A = tpu.sem_alloc : memref<!tpu.dma_semaphore, #tpu.memory_space<semaphore_mem>>
        %dma_start3A = arith.constant 0 : i32
        %dma_start3A_45 = arith.constant 0 : i32
        %dma_start3A_46 = tpu.memref_slice %arg12[%dma_start3A, %dma_start3A_45] : memref<256x64xbf16, #tpu.memory_space<vmem>> -> memref<16x64xbf16, #tpu.memory_space<vmem>>
        %dma_start3A_47 = arith.constant 9984 : i32
        %dma_start3A_48 = arith.constant 0 : i32
        %dma_start3A_49 = tpu.memref_slice %arg18[%dma_start3A_47, %dma_start3A_48] : memref<10008x64xbf16, #tpu.memory_space<vmem_shared>> -> memref<16x64xbf16, #tpu.memory_space<vmem_shared>>
        %dma_start3A_50 = arith.constant 9984 : i32
        %dma_start3A_51 = arith.constant 0 : i32
        %dma_start3A_52 = tpu.memref_slice %arg18[%dma_start3A_50, %dma_start3A_51] : memref<10008x64xbf16, #tpu.memory_space<vmem_shared>> -> memref<16x64xbf16, #tpu.memory_space<vmem_shared>>
        %dma_start3A_53 = arith.constant 0 : i32
        %dma_start3A_54 = arith.constant 0 : i32
        %dma_start3A_55 = tpu.memref_slice %arg12[%dma_start3A_53, %dma_start3A_54] : memref<256x64xbf16, #tpu.memory_space<vmem>> -> memref<16x64xbf16, #tpu.memory_space<vmem>>
        tpu.enqueue_dma source(%dma_start3A_55 : memref<16x64xbf16, #tpu.memory_space<vmem>>) target(%dma_start3A_52 : memref<16x64xbf16, #tpu.memory_space<vmem_shared>>) target_semaphore(%run_scoped3A : memref<!tpu.dma_semaphore, #tpu.memory_space<semaphore_mem>>)
        %dma_wait3A = arith.constant 0 : i32
        %dma_wait3A_56 = arith.constant 0 : i32
        %dma_wait3A_57 = tpu.memref_slice %arg12[%dma_wait3A, %dma_wait3A_56] : memref<256x64xbf16, #tpu.memory_space<vmem>> -> memref<16x64xbf16, #tpu.memory_space<vmem>>
        %dma_wait3A_58 = arith.constant 9984 : i32
        %dma_wait3A_59 = arith.constant 0 : i32
        %dma_wait3A_60 = tpu.memref_slice %arg18[%dma_wait3A_58, %dma_wait3A_59] : memref<10008x64xbf16, #tpu.memory_space<vmem_shared>> -> memref<16x64xbf16, #tpu.memory_space<vmem_shared>>
        %dma_wait3A_61 = arith.constant 9984 : i32
        %dma_wait3A_62 = arith.constant 0 : i32
        %dma_wait3A_63 = tpu.memref_slice %arg18[%dma_wait3A_61, %dma_wait3A_62] : memref<10008x64xbf16, #tpu.memory_space<vmem_shared>> -> memref<16x64xbf16, #tpu.memory_space<vmem_shared>>
        %dma_wait3A_64 = arith.constant 0 : i32
        %dma_wait3A_65 = arith.constant 0 : i32
        %dma_wait3A_66 = tpu.memref_slice %arg12[%dma_wait3A_64, %dma_wait3A_65] : memref<256x64xbf16, #tpu.memory_space<vmem>> -> memref<16x64xbf16, #tpu.memory_space<vmem>>
        tpu.wait_dma2 semaphore(%run_scoped3A : memref<!tpu.dma_semaphore, #tpu.memory_space<semaphore_mem>>) src(%dma_wait3A_66 : memref<16x64xbf16, #tpu.memory_space<vmem>>) dst(%dma_wait3A_63 : memref<16x64xbf16, #tpu.memory_space<vmem_shared>>)
        tpu.yield
      }) : () -> ()
      "tpu.region"() ({
        %run_scoped3A = tpu.sem_alloc : memref<!tpu.dma_semaphore, #tpu.memory_space<semaphore_mem>>
        %dma_start3A = arith.constant 0 : i32
        %dma_start3A_45 = arith.constant 0 : i32
        %dma_start3A_46 = tpu.memref_slice %arg17[%dma_start3A, %dma_start3A_45] : memref<256x32xbf16, #tpu.memory_space<vmem>> -> memref<16x32xbf16, #tpu.memory_space<vmem>>
        %dma_start3A_47 = arith.constant 9984 : i32
        %dma_start3A_48 = arith.constant 0 : i32
        %dma_start3A_49 = tpu.memref_slice %arg19[%dma_start3A_47, %dma_start3A_48] : memref<10008x32xbf16, #tpu.memory_space<vmem_shared>> -> memref<16x32xbf16, #tpu.memory_space<vmem_shared>>
        %dma_start3A_50 = arith.constant 9984 : i32
        %dma_start3A_51 = arith.constant 0 : i32
        %dma_start3A_52 = tpu.memref_slice %arg19[%dma_start3A_50, %dma_start3A_51] : memref<10008x32xbf16, #tpu.memory_space<vmem_shared>> -> memref<16x32xbf16, #tpu.memory_space<vmem_shared>>
        %dma_start3A_53 = arith.constant 0 : i32
        %dma_start3A_54 = arith.constant 0 : i32
        %dma_start3A_55 = tpu.memref_slice %arg17[%dma_start3A_53, %dma_start3A_54] : memref<256x32xbf16, #tpu.memory_space<vmem>> -> memref<16x32xbf16, #tpu.memory_space<vmem>>
        tpu.enqueue_dma source(%dma_start3A_55 : memref<16x32xbf16, #tpu.memory_space<vmem>>) target(%dma_start3A_52 : memref<16x32xbf16, #tpu.memory_space<vmem_shared>>) target_semaphore(%run_scoped3A : memref<!tpu.dma_semaphore, #tpu.memory_space<semaphore_mem>>)
        %dma_wait3A = arith.constant 0 : i32
        %dma_wait3A_56 = arith.constant 0 : i32
        %dma_wait3A_57 = tpu.memref_slice %arg17[%dma_wait3A, %dma_wait3A_56] : memref<256x32xbf16, #tpu.memory_space<vmem>> -> memref<16x32xbf16, #tpu.memory_space<vmem>>
        %dma_wait3A_58 = arith.constant 9984 : i32
        %dma_wait3A_59 = arith.constant 0 : i32
        %dma_wait3A_60 = tpu.memref_slice %arg19[%dma_wait3A_58, %dma_wait3A_59] : memref<10008x32xbf16, #tpu.memory_space<vmem_shared>> -> memref<16x32xbf16, #tpu.memory_space<vmem_shared>>
        %dma_wait3A_61 = arith.constant 9984 : i32
        %dma_wait3A_62 = arith.constant 0 : i32
        %dma_wait3A_63 = tpu.memref_slice %arg19[%dma_wait3A_61, %dma_wait3A_62] : memref<10008x32xbf16, #tpu.memory_space<vmem_shared>> -> memref<16x32xbf16, #tpu.memory_space<vmem_shared>>
        %dma_wait3A_64 = arith.constant 0 : i32
        %dma_wait3A_65 = arith.constant 0 : i32
        %dma_wait3A_66 = tpu.memref_slice %arg17[%dma_wait3A_64, %dma_wait3A_65] : memref<256x32xbf16, #tpu.memory_space<vmem>> -> memref<16x32xbf16, #tpu.memory_space<vmem>>
        tpu.wait_dma2 semaphore(%run_scoped3A : memref<!tpu.dma_semaphore, #tpu.memory_space<semaphore_mem>>) src(%dma_wait3A_66 : memref<16x32xbf16, #tpu.memory_space<vmem>>) dst(%dma_wait3A_63 : memref<16x32xbf16, #tpu.memory_space<vmem_shared>>)
        tpu.yield
      }) : () -> ()
    } else {
    }
    "tpu.region"() ({
      %run_scoped3A = tpu.sem_alloc : memref<!tpu.dma_semaphore, #tpu.memory_space<semaphore_mem>>
      tpu.enqueue_dma source(%arg7 : memref<256x32xbf16, #tpu.memory_space<hbm>>) target(%arg16 : memref<256x32xbf16, #tpu.memory_space<vmem>>) target_semaphore(%run_scoped3A : memref<!tpu.dma_semaphore, #tpu.memory_space<semaphore_mem>>)
      tpu.wait_dma2 semaphore(%run_scoped3A : memref<!tpu.dma_semaphore, #tpu.memory_space<semaphore_mem>>) src(%arg7 : memref<256x32xbf16, #tpu.memory_space<hbm>>) dst(%arg16 : memref<256x32xbf16, #tpu.memory_space<vmem>>)
      tpu.yield
    }) : () -> ()
    %barrier3A = arith.constant 0 : index
    tpu.barrier barrier_id(%barrier3A)
    %scan3A = arith.constant 0 : i32
    %scan3A_24 = arith.constant 0 : i32
    %scan3A_25 = arith.constant 20 : i32
    %scan3A_26 = arith.addi %scan3A_24, %scan3A_25 : i32
    %scan3A_27 = arith.constant 1 : i32
    scf.for %scan3A_45 = %scan3A_24 to %scan3A_26 step %scan3A_27  : i32 {
      %mul3A_46 = arith.constant 4 : i32
      %mul3A_47 = arith.muli %scan3A_45, %mul3A_46 : i32
      %add3A_48 = arith.addi %mul3A_0, %mul3A_47 : i32
      "tpu.region"() ({
        %run_scoped3A_193 = tpu.sem_alloc : memref<!tpu.dma_semaphore, #tpu.memory_space<semaphore_mem>>
        %dma_start3A_194 = arith.constant 0 : i32
        %dma_start3A_195 = arith.constant 0 : i32
        %dma_start3A_196 = tpu.memref_slice %arg3[%add3A_48, %dma_start3A_194, %dma_start3A_195] : memref<1280x1x256xi32, #tpu.memory_space<hbm>> -> memref<4x1x256xi32, #tpu.memory_space<hbm>>
        %dma_start3A_197 = arith.constant 0 : i32
        %dma_start3A_198 = arith.constant 0 : i32
        %dma_start3A_199 = tpu.memref_slice %arg3[%add3A_48, %dma_start3A_197, %dma_start3A_198] : memref<1280x1x256xi32, #tpu.memory_space<hbm>> -> memref<4x1x256xi32, #tpu.memory_space<hbm>>
        tpu.enqueue_dma source(%dma_start3A_199 : memref<4x1x256xi32, #tpu.memory_space<hbm>>) target(%arg10 : memref<4x1x256xi32, #tpu.memory_space<vmem>>) target_semaphore(%run_scoped3A_193 : memref<!tpu.dma_semaphore, #tpu.memory_space<semaphore_mem>>)
        %dma_wait3A_200 = arith.constant 0 : i32
        %dma_wait3A_201 = arith.constant 0 : i32
        %dma_wait3A_202 = tpu.memref_slice %arg3[%add3A_48, %dma_wait3A_200, %dma_wait3A_201] : memref<1280x1x256xi32, #tpu.memory_space<hbm>> -> memref<4x1x256xi32, #tpu.memory_space<hbm>>
        %dma_wait3A_203 = arith.constant 0 : i32
        %dma_wait3A_204 = arith.constant 0 : i32
        %dma_wait3A_205 = tpu.memref_slice %arg3[%add3A_48, %dma_wait3A_203, %dma_wait3A_204] : memref<1280x1x256xi32, #tpu.memory_space<hbm>> -> memref<4x1x256xi32, #tpu.memory_space<hbm>>
        tpu.wait_dma2 semaphore(%run_scoped3A_193 : memref<!tpu.dma_semaphore, #tpu.memory_space<semaphore_mem>>) src(%dma_wait3A_205 : memref<4x1x256xi32, #tpu.memory_space<hbm>>) dst(%arg10 : memref<4x1x256xi32, #tpu.memory_space<vmem>>)
        tpu.yield
      }) : () -> ()
      "tpu.region"() ({
        %run_scoped3A_193 = tpu.sem_alloc : memref<!tpu.dma_semaphore, #tpu.memory_space<semaphore_mem>>
        %dma_start3A_194 = arith.constant 0 : i32
        %dma_start3A_195 = arith.constant 0 : i32
        %dma_start3A_196 = tpu.memref_slice %arg4[%add3A_48, %dma_start3A_194, %dma_start3A_195] : memref<1280x2x128xi32, #tpu.memory_space<hbm>> -> memref<4x2x128xi32, #tpu.memory_space<hbm>>
        %dma_start3A_197 = arith.constant 0 : i32
        %dma_start3A_198 = arith.constant 0 : i32
        %dma_start3A_199 = tpu.memref_slice %arg4[%add3A_48, %dma_start3A_197, %dma_start3A_198] : memref<1280x2x128xi32, #tpu.memory_space<hbm>> -> memref<4x2x128xi32, #tpu.memory_space<hbm>>
        tpu.enqueue_dma source(%dma_start3A_199 : memref<4x2x128xi32, #tpu.memory_space<hbm>>) target(%arg11 : memref<4x2x128xi32, #tpu.memory_space<vmem>>) target_semaphore(%run_scoped3A_193 : memref<!tpu.dma_semaphore, #tpu.memory_space<semaphore_mem>>)
        %dma_wait3A_200 = arith.constant 0 : i32
        %dma_wait3A_201 = arith.constant 0 : i32
        %dma_wait3A_202 = tpu.memref_slice %arg4[%add3A_48, %dma_wait3A_200, %dma_wait3A_201] : memref<1280x2x128xi32, #tpu.memory_space<hbm>> -> memref<4x2x128xi32, #tpu.memory_space<hbm>>
        %dma_wait3A_203 = arith.constant 0 : i32
        %dma_wait3A_204 = arith.constant 0 : i32
        %dma_wait3A_205 = tpu.memref_slice %arg4[%add3A_48, %dma_wait3A_203, %dma_wait3A_204] : memref<1280x2x128xi32, #tpu.memory_space<hbm>> -> memref<4x2x128xi32, #tpu.memory_space<hbm>>
        tpu.wait_dma2 semaphore(%run_scoped3A_193 : memref<!tpu.dma_semaphore, #tpu.memory_space<semaphore_mem>>) src(%dma_wait3A_205 : memref<4x2x128xi32, #tpu.memory_space<hbm>>) dst(%arg11 : memref<4x2x128xi32, #tpu.memory_space<vmem>>)
        tpu.yield
      }) : () -> ()
      %jit3A = arith.constant 2 : i32
      %eq3A_49 = arith.constant 0 : i32
      %eq3A_50 = arith.cmpi eq, %jit3A, %eq3A_49 : i32
      %jit3A_51 = arith.constant 1 : i32
      %select_n3A = arith.select %eq3A_50, %jit3A_51, %jit3A : i32
      %rem3A = arith.remsi %scan3A_45, %select_n3A : i32
      %ne3A = arith.constant 0 : i32
      %ne3A_52 = arith.cmpi ne, %rem3A, %ne3A : i32
      %lt3A = arith.constant 0 : i32
      %lt3A_53 = arith.cmpi slt, %rem3A, %lt3A : i32
      %lt3A_54 = arith.constant 0 : i32
      %lt3A_55 = arith.cmpi slt, %select_n3A, %lt3A_54 : i32
      %ne3A_56 = arith.xori %lt3A_53, %lt3A_55 : i1
      %and3A = arith.andi %ne3A_56, %ne3A_52 : i1
      %add3A_57 = arith.addi %rem3A, %select_n3A : i32
      %select_n3A_58 = arith.select %and3A, %add3A_57, %rem3A : i32
      %eq3A_59 = arith.cmpi eq, %select_n3A_58, %arg0 : i32
      %dma_start3A = arith.constant 0 : i32
      %dma_start3A_60 = arith.constant 0 : i32
      %dma_start3A_61 = arith.constant 0 : i32
      %dma_start3A_62 = tpu.memref_slice %arg10[%dma_start3A, %dma_start3A_60, %dma_start3A_61] : memref<4x1x256xi32, #tpu.memory_space<vmem>> -> memref<1x1x256xi32, #tpu.memory_space<vmem>>
      %dma_start3A_63 = tpu.memref_squeeze %dma_start3A_62 : memref<1x1x256xi32, #tpu.memory_space<vmem>> -> memref<256xi32, #tpu.memory_space<vmem>>
      %dma_start3A_64 = arith.constant 0 : i32
      %dma_start3A_65 = arith.constant 0 : i32
      %dma_start3A_66 = tpu.memref_slice %arg2[%arg0, %dma_start3A_64, %dma_start3A_65] : memref<2x10000x64xbf16, #tpu.memory_space<hbm>> -> memref<1x10000x64xbf16, #tpu.memory_space<hbm>>
      %dma_start3A_67 = tpu.memref_squeeze %dma_start3A_66 : memref<1x10000x64xbf16, #tpu.memory_space<hbm>> -> memref<10000x64xbf16, #tpu.memory_space<hbm>>
      %dma_start3A_68 = arith.constant 0 : i32
      %dma_start3A_69 = arith.constant 0 : i32
      %dma_start3A_70 = tpu.memref_slice %dma_start3A_67[%dma_start3A_68, %dma_start3A_69] : memref<10000x64xbf16, #tpu.memory_space<hbm>> -> memref<10000x64xbf16, #tpu.memory_space<hbm>>
      tpu.enqueue_indirect_dma source(%dma_start3A_70 : memref<10000x64xbf16, #tpu.memory_space<hbm>>) target(%arg12 : memref<256x64xbf16, #tpu.memory_space<vmem>>) offsets(%dma_start3A_63 : memref<256xi32, #tpu.memory_space<vmem>>) semaphore(%arg20 : memref<!tpu.dma_semaphore, #tpu.memory_space<semaphore_mem>>)
      %dma_start3A_71 = arith.constant 1 : i32
      %dma_start3A_72 = arith.constant 0 : i32
      %dma_start3A_73 = arith.constant 0 : i32
      %dma_start3A_74 = tpu.memref_slice %arg10[%dma_start3A_71, %dma_start3A_72, %dma_start3A_73] : memref<4x1x256xi32, #tpu.memory_space<vmem>> -> memref<1x1x256xi32, #tpu.memory_space<vmem>>
      %dma_start3A_75 = tpu.memref_squeeze %dma_start3A_74 : memref<1x1x256xi32, #tpu.memory_space<vmem>> -> memref<256xi32, #tpu.memory_space<vmem>>
      %dma_start3A_76 = arith.constant 0 : i32
      %dma_start3A_77 = arith.constant 0 : i32
      %dma_start3A_78 = tpu.memref_slice %arg2[%arg0, %dma_start3A_76, %dma_start3A_77] : memref<2x10000x64xbf16, #tpu.memory_space<hbm>> -> memref<1x10000x64xbf16, #tpu.memory_space<hbm>>
      %dma_start3A_79 = tpu.memref_squeeze %dma_start3A_78 : memref<1x10000x64xbf16, #tpu.memory_space<hbm>> -> memref<10000x64xbf16, #tpu.memory_space<hbm>>
      %dma_start3A_80 = arith.constant 0 : i32
      %dma_start3A_81 = arith.constant 0 : i32
      %dma_start3A_82 = tpu.memref_slice %dma_start3A_79[%dma_start3A_80, %dma_start3A_81] : memref<10000x64xbf16, #tpu.memory_space<hbm>> -> memref<10000x64xbf16, #tpu.memory_space<hbm>>
      tpu.enqueue_indirect_dma source(%dma_start3A_82 : memref<10000x64xbf16, #tpu.memory_space<hbm>>) target(%arg13 : memref<256x64xbf16, #tpu.memory_space<vmem>>) offsets(%dma_start3A_75 : memref<256xi32, #tpu.memory_space<vmem>>) semaphore(%arg21 : memref<!tpu.dma_semaphore, #tpu.memory_space<semaphore_mem>>)
      %dma_start3A_83 = arith.constant 2 : i32
      %dma_start3A_84 = arith.constant 0 : i32
      %dma_start3A_85 = arith.constant 0 : i32
      %dma_start3A_86 = tpu.memref_slice %arg10[%dma_start3A_83, %dma_start3A_84, %dma_start3A_85] : memref<4x1x256xi32, #tpu.memory_space<vmem>> -> memref<1x1x256xi32, #tpu.memory_space<vmem>>
      %dma_start3A_87 = tpu.memref_squeeze %dma_start3A_86 : memref<1x1x256xi32, #tpu.memory_space<vmem>> -> memref<256xi32, #tpu.memory_space<vmem>>
      %dma_start3A_88 = arith.constant 0 : i32
      %dma_start3A_89 = arith.constant 0 : i32
      %dma_start3A_90 = tpu.memref_slice %arg2[%arg0, %dma_start3A_88, %dma_start3A_89] : memref<2x10000x64xbf16, #tpu.memory_space<hbm>> -> memref<1x10000x64xbf16, #tpu.memory_space<hbm>>
      %dma_start3A_91 = tpu.memref_squeeze %dma_start3A_90 : memref<1x10000x64xbf16, #tpu.memory_space<hbm>> -> memref<10000x64xbf16, #tpu.memory_space<hbm>>
      %dma_start3A_92 = arith.constant 0 : i32
      %dma_start3A_93 = arith.constant 0 : i32
      %dma_start3A_94 = tpu.memref_slice %dma_start3A_91[%dma_start3A_92, %dma_start3A_93] : memref<10000x64xbf16, #tpu.memory_space<hbm>> -> memref<10000x64xbf16, #tpu.memory_space<hbm>>
      tpu.enqueue_indirect_dma source(%dma_start3A_94 : memref<10000x64xbf16, #tpu.memory_space<hbm>>) target(%arg14 : memref<256x64xbf16, #tpu.memory_space<vmem>>) offsets(%dma_start3A_87 : memref<256xi32, #tpu.memory_space<vmem>>) semaphore(%arg22 : memref<!tpu.dma_semaphore, #tpu.memory_space<semaphore_mem>>)
      %dma_wait3A = arith.constant 0 : i32
      %dma_wait3A_95 = arith.constant 0 : i32
      %dma_wait3A_96 = arith.constant 0 : i32
      %dma_wait3A_97 = tpu.memref_slice %arg10[%dma_wait3A, %dma_wait3A_95, %dma_wait3A_96] : memref<4x1x256xi32, #tpu.memory_space<vmem>> -> memref<1x1x256xi32, #tpu.memory_space<vmem>>
      %dma_wait3A_98 = tpu.memref_squeeze %dma_wait3A_97 : memref<1x1x256xi32, #tpu.memory_space<vmem>> -> memref<256xi32, #tpu.memory_space<vmem>>
      %dma_wait3A_99 = arith.constant 0 : i32
      %dma_wait3A_100 = arith.constant 0 : i32
      %dma_wait3A_101 = tpu.memref_slice %arg2[%arg0, %dma_wait3A_99, %dma_wait3A_100] : memref<2x10000x64xbf16, #tpu.memory_space<hbm>> -> memref<1x10000x64xbf16, #tpu.memory_space<hbm>>
      %dma_wait3A_102 = tpu.memref_squeeze %dma_wait3A_101 : memref<1x10000x64xbf16, #tpu.memory_space<hbm>> -> memref<10000x64xbf16, #tpu.memory_space<hbm>>
      %dma_wait3A_103 = arith.constant 0 : i32
      %dma_wait3A_104 = arith.constant 0 : i32
      %dma_wait3A_105 = tpu.memref_slice %dma_wait3A_102[%dma_wait3A_103, %dma_wait3A_104] : memref<10000x64xbf16, #tpu.memory_space<hbm>> -> memref<10000x64xbf16, #tpu.memory_space<hbm>>
      tpu.wait_indirect_dma semaphore(%arg20 : memref<!tpu.dma_semaphore, #tpu.memory_space<semaphore_mem>>) src(%dma_wait3A_105 : memref<10000x64xbf16, #tpu.memory_space<hbm>>) dst(%arg12 : memref<256x64xbf16, #tpu.memory_space<vmem>>)
      %run_scoped3A = arith.constant 0 : i32
      %run_scoped3A_106 = arith.constant 0 : i32
      "tpu.region"() ({
        %run_scoped3A_193 = tpu.sem_alloc : memref<!tpu.dma_semaphore, #tpu.memory_space<semaphore_mem>>
        %dma_start3A_194 = arith.constant 0 : i32
        %dma_start3A_195 = arith.constant 0 : i32
        %dma_start3A_196 = tpu.memref_slice %arg12[%dma_start3A_194, %dma_start3A_195] : memref<256x64xbf16, #tpu.memory_space<vmem>> -> memref<128x64xbf16, #tpu.memory_space<vmem>>
        %dma_start3A_197 = arith.constant 0 : i32
        %dma_start3A_198 = tpu.memref_slice %arg11[%run_scoped3A, %run_scoped3A_106, %dma_start3A_197] : memref<4x2x128xi32, #tpu.memory_space<vmem>> -> memref<1x1x128xi32, #tpu.memory_space<vmem>>
        %dma_start3A_199 = tpu.memref_squeeze %dma_start3A_198 : memref<1x1x128xi32, #tpu.memory_space<vmem>> -> memref<128xi32, #tpu.memory_space<vmem>>
        %dma_start3A_200 = arith.constant 0 : i32
        %dma_start3A_201 = arith.constant 0 : i32
        %dma_start3A_202 = tpu.memref_slice %arg18[%dma_start3A_200, %dma_start3A_201] : memref<10008x64xbf16, #tpu.memory_space<vmem_shared>> -> memref<10008x64xbf16, #tpu.memory_space<vmem_shared>>
        tpu.enqueue_indirect_dma source(%dma_start3A_196 : memref<128x64xbf16, #tpu.memory_space<vmem>>) target(%dma_start3A_202 : memref<10008x64xbf16, #tpu.memory_space<vmem_shared>>) offsets(%dma_start3A_199 : memref<128xi32, #tpu.memory_space<vmem>>) semaphore(%run_scoped3A_193 : memref<!tpu.dma_semaphore, #tpu.memory_space<semaphore_mem>>) {add = true}
        %dma_wait3A_203 = arith.constant 0 : i32
        %dma_wait3A_204 = arith.constant 0 : i32
        %dma_wait3A_205 = tpu.memref_slice %arg12[%dma_wait3A_203, %dma_wait3A_204] : memref<256x64xbf16, #tpu.memory_space<vmem>> -> memref<128x64xbf16, #tpu.memory_space<vmem>>
        %dma_wait3A_206 = arith.constant 0 : i32
        %dma_wait3A_207 = tpu.memref_slice %arg11[%run_scoped3A, %run_scoped3A_106, %dma_wait3A_206] : memref<4x2x128xi32, #tpu.memory_space<vmem>> -> memref<1x1x128xi32, #tpu.memory_space<vmem>>
        %dma_wait3A_208 = tpu.memref_squeeze %dma_wait3A_207 : memref<1x1x128xi32, #tpu.memory_space<vmem>> -> memref<128xi32, #tpu.memory_space<vmem>>
        %dma_wait3A_209 = arith.constant 0 : i32
        %dma_wait3A_210 = arith.constant 0 : i32
        %dma_wait3A_211 = tpu.memref_slice %arg18[%dma_wait3A_209, %dma_wait3A_210] : memref<10008x64xbf16, #tpu.memory_space<vmem_shared>> -> memref<10008x64xbf16, #tpu.memory_space<vmem_shared>>
        tpu.wait_indirect_dma semaphore(%run_scoped3A_193 : memref<!tpu.dma_semaphore, #tpu.memory_space<semaphore_mem>>) src(%dma_wait3A_205 : memref<128x64xbf16, #tpu.memory_space<vmem>>) dst(%dma_wait3A_211 : memref<10008x64xbf16, #tpu.memory_space<vmem_shared>>)
        tpu.yield
      }) : () -> ()
      %convert_element_type3A_107 = arith.extui %eq3A_59 : i1 to i32
      %cond3A_108 = arith.constant 0 : i32
      %cond3A_109 = arith.cmpi ne, %convert_element_type3A_107, %cond3A_108 : i32
      scf.if %cond3A_109 {
        %run_scoped3A_193 = arith.constant 0 : i32
        %run_scoped3A_194 = arith.constant 0 : i32
        "tpu.region"() ({
          %run_scoped3A_195 = tpu.sem_alloc : memref<!tpu.dma_semaphore, #tpu.memory_space<semaphore_mem>>
          %dma_start3A_196 = arith.constant 0 : i32
          %dma_start3A_197 = arith.constant 0 : i32
          %dma_start3A_198 = tpu.memref_slice %arg16[%dma_start3A_196, %dma_start3A_197] : memref<256x32xbf16, #tpu.memory_space<vmem>> -> memref<128x32xbf16, #tpu.memory_space<vmem>>
          %dma_start3A_199 = arith.constant 0 : i32
          %dma_start3A_200 = tpu.memref_slice %arg11[%run_scoped3A_193, %run_scoped3A_194, %dma_start3A_199] : memref<4x2x128xi32, #tpu.memory_space<vmem>> -> memref<1x1x128xi32, #tpu.memory_space<vmem>>
          %dma_start3A_201 = tpu.memref_squeeze %dma_start3A_200 : memref<1x1x128xi32, #tpu.memory_space<vmem>> -> memref<128xi32, #tpu.memory_space<vmem>>
          %dma_start3A_202 = arith.constant 0 : i32
          %dma_start3A_203 = arith.constant 0 : i32
          %dma_start3A_204 = tpu.memref_slice %arg19[%dma_start3A_202, %dma_start3A_203] : memref<10008x32xbf16, #tpu.memory_space<vmem_shared>> -> memref<10008x32xbf16, #tpu.memory_space<vmem_shared>>
          tpu.enqueue_indirect_dma source(%dma_start3A_198 : memref<128x32xbf16, #tpu.memory_space<vmem>>) target(%dma_start3A_204 : memref<10008x32xbf16, #tpu.memory_space<vmem_shared>>) offsets(%dma_start3A_201 : memref<128xi32, #tpu.memory_space<vmem>>) semaphore(%run_scoped3A_195 : memref<!tpu.dma_semaphore, #tpu.memory_space<semaphore_mem>>) {add = true}
          %dma_wait3A_205 = arith.constant 0 : i32
          %dma_wait3A_206 = arith.constant 0 : i32
          %dma_wait3A_207 = tpu.memref_slice %arg16[%dma_wait3A_205, %dma_wait3A_206] : memref<256x32xbf16, #tpu.memory_space<vmem>> -> memref<128x32xbf16, #tpu.memory_space<vmem>>
          %dma_wait3A_208 = arith.constant 0 : i32
          %dma_wait3A_209 = tpu.memref_slice %arg11[%run_scoped3A_193, %run_scoped3A_194, %dma_wait3A_208] : memref<4x2x128xi32, #tpu.memory_space<vmem>> -> memref<1x1x128xi32, #tpu.memory_space<vmem>>
          %dma_wait3A_210 = tpu.memref_squeeze %dma_wait3A_209 : memref<1x1x128xi32, #tpu.memory_space<vmem>> -> memref<128xi32, #tpu.memory_space<vmem>>
          %dma_wait3A_211 = arith.constant 0 : i32
          %dma_wait3A_212 = arith.constant 0 : i32
          %dma_wait3A_213 = tpu.memref_slice %arg19[%dma_wait3A_211, %dma_wait3A_212] : memref<10008x32xbf16, #tpu.memory_space<vmem_shared>> -> memref<10008x32xbf16, #tpu.memory_space<vmem_shared>>
          tpu.wait_indirect_dma semaphore(%run_scoped3A_195 : memref<!tpu.dma_semaphore, #tpu.memory_space<semaphore_mem>>) src(%dma_wait3A_207 : memref<128x32xbf16, #tpu.memory_space<vmem>>) dst(%dma_wait3A_213 : memref<10008x32xbf16, #tpu.memory_space<vmem_shared>>)
          tpu.yield
        }) : () -> ()
      } else {
      }
      %run_scoped3A_110 = arith.constant 0 : i32
      %run_scoped3A_111 = arith.constant 1 : i32
      "tpu.region"() ({
        %run_scoped3A_193 = tpu.sem_alloc : memref<!tpu.dma_semaphore, #tpu.memory_space<semaphore_mem>>
        %dma_start3A_194 = arith.constant 128 : i32
        %dma_start3A_195 = arith.constant 0 : i32
        %dma_start3A_196 = tpu.memref_slice %arg12[%dma_start3A_194, %dma_start3A_195] : memref<256x64xbf16, #tpu.memory_space<vmem>> -> memref<128x64xbf16, #tpu.memory_space<vmem>>
        %dma_start3A_197 = arith.constant 0 : i32
        %dma_start3A_198 = tpu.memref_slice %arg11[%run_scoped3A_110, %run_scoped3A_111, %dma_start3A_197] : memref<4x2x128xi32, #tpu.memory_space<vmem>> -> memref<1x1x128xi32, #tpu.memory_space<vmem>>
        %dma_start3A_199 = tpu.memref_squeeze %dma_start3A_198 : memref<1x1x128xi32, #tpu.memory_space<vmem>> -> memref<128xi32, #tpu.memory_space<vmem>>
        %dma_start3A_200 = arith.constant 0 : i32
        %dma_start3A_201 = arith.constant 0 : i32
        %dma_start3A_202 = tpu.memref_slice %arg18[%dma_start3A_200, %dma_start3A_201] : memref<10008x64xbf16, #tpu.memory_space<vmem_shared>> -> memref<10008x64xbf16, #tpu.memory_space<vmem_shared>>
        tpu.enqueue_indirect_dma source(%dma_start3A_196 : memref<128x64xbf16, #tpu.memory_space<vmem>>) target(%dma_start3A_202 : memref<10008x64xbf16, #tpu.memory_space<vmem_shared>>) offsets(%dma_start3A_199 : memref<128xi32, #tpu.memory_space<vmem>>) semaphore(%run_scoped3A_193 : memref<!tpu.dma_semaphore, #tpu.memory_space<semaphore_mem>>) {add = true}
        %dma_wait3A_203 = arith.constant 128 : i32
        %dma_wait3A_204 = arith.constant 0 : i32
        %dma_wait3A_205 = tpu.memref_slice %arg12[%dma_wait3A_203, %dma_wait3A_204] : memref<256x64xbf16, #tpu.memory_space<vmem>> -> memref<128x64xbf16, #tpu.memory_space<vmem>>
        %dma_wait3A_206 = arith.constant 0 : i32
        %dma_wait3A_207 = tpu.memref_slice %arg11[%run_scoped3A_110, %run_scoped3A_111, %dma_wait3A_206] : memref<4x2x128xi32, #tpu.memory_space<vmem>> -> memref<1x1x128xi32, #tpu.memory_space<vmem>>
        %dma_wait3A_208 = tpu.memref_squeeze %dma_wait3A_207 : memref<1x1x128xi32, #tpu.memory_space<vmem>> -> memref<128xi32, #tpu.memory_space<vmem>>
        %dma_wait3A_209 = arith.constant 0 : i32
        %dma_wait3A_210 = arith.constant 0 : i32
        %dma_wait3A_211 = tpu.memref_slice %arg18[%dma_wait3A_209, %dma_wait3A_210] : memref<10008x64xbf16, #tpu.memory_space<vmem_shared>> -> memref<10008x64xbf16, #tpu.memory_space<vmem_shared>>
        tpu.wait_indirect_dma semaphore(%run_scoped3A_193 : memref<!tpu.dma_semaphore, #tpu.memory_space<semaphore_mem>>) src(%dma_wait3A_205 : memref<128x64xbf16, #tpu.memory_space<vmem>>) dst(%dma_wait3A_211 : memref<10008x64xbf16, #tpu.memory_space<vmem_shared>>)
        tpu.yield
      }) : () -> ()
      %convert_element_type3A_112 = arith.extui %eq3A_59 : i1 to i32
      %cond3A_113 = arith.constant 0 : i32
      %cond3A_114 = arith.cmpi ne, %convert_element_type3A_112, %cond3A_113 : i32
      scf.if %cond3A_114 {
        %run_scoped3A_193 = arith.constant 0 : i32
        %run_scoped3A_194 = arith.constant 1 : i32
        "tpu.region"() ({
          %run_scoped3A_195 = tpu.sem_alloc : memref<!tpu.dma_semaphore, #tpu.memory_space<semaphore_mem>>
          %dma_start3A_196 = arith.constant 0 : i32
          %dma_start3A_197 = arith.constant 0 : i32
          %dma_start3A_198 = tpu.memref_slice %arg16[%dma_start3A_196, %dma_start3A_197] : memref<256x32xbf16, #tpu.memory_space<vmem>> -> memref<128x32xbf16, #tpu.memory_space<vmem>>
          %dma_start3A_199 = arith.constant 0 : i32
          %dma_start3A_200 = tpu.memref_slice %arg11[%run_scoped3A_193, %run_scoped3A_194, %dma_start3A_199] : memref<4x2x128xi32, #tpu.memory_space<vmem>> -> memref<1x1x128xi32, #tpu.memory_space<vmem>>
          %dma_start3A_201 = tpu.memref_squeeze %dma_start3A_200 : memref<1x1x128xi32, #tpu.memory_space<vmem>> -> memref<128xi32, #tpu.memory_space<vmem>>
          %dma_start3A_202 = arith.constant 0 : i32
          %dma_start3A_203 = arith.constant 0 : i32
          %dma_start3A_204 = tpu.memref_slice %arg19[%dma_start3A_202, %dma_start3A_203] : memref<10008x32xbf16, #tpu.memory_space<vmem_shared>> -> memref<10008x32xbf16, #tpu.memory_space<vmem_shared>>
          tpu.enqueue_indirect_dma source(%dma_start3A_198 : memref<128x32xbf16, #tpu.memory_space<vmem>>) target(%dma_start3A_204 : memref<10008x32xbf16, #tpu.memory_space<vmem_shared>>) offsets(%dma_start3A_201 : memref<128xi32, #tpu.memory_space<vmem>>) semaphore(%run_scoped3A_195 : memref<!tpu.dma_semaphore, #tpu.memory_space<semaphore_mem>>) {add = true}
          %dma_wait3A_205 = arith.constant 0 : i32
          %dma_wait3A_206 = arith.constant 0 : i32
          %dma_wait3A_207 = tpu.memref_slice %arg16[%dma_wait3A_205, %dma_wait3A_206] : memref<256x32xbf16, #tpu.memory_space<vmem>> -> memref<128x32xbf16, #tpu.memory_space<vmem>>
          %dma_wait3A_208 = arith.constant 0 : i32
          %dma_wait3A_209 = tpu.memref_slice %arg11[%run_scoped3A_193, %run_scoped3A_194, %dma_wait3A_208] : memref<4x2x128xi32, #tpu.memory_space<vmem>> -> memref<1x1x128xi32, #tpu.memory_space<vmem>>
          %dma_wait3A_210 = tpu.memref_squeeze %dma_wait3A_209 : memref<1x1x128xi32, #tpu.memory_space<vmem>> -> memref<128xi32, #tpu.memory_space<vmem>>
          %dma_wait3A_211 = arith.constant 0 : i32
          %dma_wait3A_212 = arith.constant 0 : i32
          %dma_wait3A_213 = tpu.memref_slice %arg19[%dma_wait3A_211, %dma_wait3A_212] : memref<10008x32xbf16, #tpu.memory_space<vmem_shared>> -> memref<10008x32xbf16, #tpu.memory_space<vmem_shared>>
          tpu.wait_indirect_dma semaphore(%run_scoped3A_195 : memref<!tpu.dma_semaphore, #tpu.memory_space<semaphore_mem>>) src(%dma_wait3A_207 : memref<128x32xbf16, #tpu.memory_space<vmem>>) dst(%dma_wait3A_213 : memref<10008x32xbf16, #tpu.memory_space<vmem_shared>>)
          tpu.yield
        }) : () -> ()
      } else {
      }
      %dma_start3A_115 = arith.constant 3 : i32
      %dma_start3A_116 = arith.constant 0 : i32
      %dma_start3A_117 = arith.constant 0 : i32
      %dma_start3A_118 = tpu.memref_slice %arg10[%dma_start3A_115, %dma_start3A_116, %dma_start3A_117] : memref<4x1x256xi32, #tpu.memory_space<vmem>> -> memref<1x1x256xi32, #tpu.memory_space<vmem>>
      %dma_start3A_119 = tpu.memref_squeeze %dma_start3A_118 : memref<1x1x256xi32, #tpu.memory_space<vmem>> -> memref<256xi32, #tpu.memory_space<vmem>>
      %dma_start3A_120 = arith.constant 0 : i32
      %dma_start3A_121 = arith.constant 0 : i32
      %dma_start3A_122 = tpu.memref_slice %arg2[%arg0, %dma_start3A_120, %dma_start3A_121] : memref<2x10000x64xbf16, #tpu.memory_space<hbm>> -> memref<1x10000x64xbf16, #tpu.memory_space<hbm>>
      %dma_start3A_123 = tpu.memref_squeeze %dma_start3A_122 : memref<1x10000x64xbf16, #tpu.memory_space<hbm>> -> memref<10000x64xbf16, #tpu.memory_space<hbm>>
      %dma_start3A_124 = arith.constant 0 : i32
      %dma_start3A_125 = arith.constant 0 : i32
      %dma_start3A_126 = tpu.memref_slice %dma_start3A_123[%dma_start3A_124, %dma_start3A_125] : memref<10000x64xbf16, #tpu.memory_space<hbm>> -> memref<10000x64xbf16, #tpu.memory_space<hbm>>
      tpu.enqueue_indirect_dma source(%dma_start3A_126 : memref<10000x64xbf16, #tpu.memory_space<hbm>>) target(%arg15 : memref<256x64xbf16, #tpu.memory_space<vmem>>) offsets(%dma_start3A_119 : memref<256xi32, #tpu.memory_space<vmem>>) semaphore(%arg23 : memref<!tpu.dma_semaphore, #tpu.memory_space<semaphore_mem>>)
      %dma_wait3A_127 = arith.constant 1 : i32
      %dma_wait3A_128 = arith.constant 0 : i32
      %dma_wait3A_129 = arith.constant 0 : i32
      %dma_wait3A_130 = tpu.memref_slice %arg10[%dma_wait3A_127, %dma_wait3A_128, %dma_wait3A_129] : memref<4x1x256xi32, #tpu.memory_space<vmem>> -> memref<1x1x256xi32, #tpu.memory_space<vmem>>
      %dma_wait3A_131 = tpu.memref_squeeze %dma_wait3A_130 : memref<1x1x256xi32, #tpu.memory_space<vmem>> -> memref<256xi32, #tpu.memory_space<vmem>>
      %dma_wait3A_132 = arith.constant 0 : i32
      %dma_wait3A_133 = arith.constant 0 : i32
      %dma_wait3A_134 = tpu.memref_slice %arg2[%arg0, %dma_wait3A_132, %dma_wait3A_133] : memref<2x10000x64xbf16, #tpu.memory_space<hbm>> -> memref<1x10000x64xbf16, #tpu.memory_space<hbm>>
      %dma_wait3A_135 = tpu.memref_squeeze %dma_wait3A_134 : memref<1x10000x64xbf16, #tpu.memory_space<hbm>> -> memref<10000x64xbf16, #tpu.memory_space<hbm>>
      %dma_wait3A_136 = arith.constant 0 : i32
      %dma_wait3A_137 = arith.constant 0 : i32
      %dma_wait3A_138 = tpu.memref_slice %dma_wait3A_135[%dma_wait3A_136, %dma_wait3A_137] : memref<10000x64xbf16, #tpu.memory_space<hbm>> -> memref<10000x64xbf16, #tpu.memory_space<hbm>>
      tpu.wait_indirect_dma semaphore(%arg21 : memref<!tpu.dma_semaphore, #tpu.memory_space<semaphore_mem>>) src(%dma_wait3A_138 : memref<10000x64xbf16, #tpu.memory_space<hbm>>) dst(%arg13 : memref<256x64xbf16, #tpu.memory_space<vmem>>)
      %run_scoped3A_139 = arith.constant 1 : i32
      %run_scoped3A_140 = arith.constant 0 : i32
      "tpu.region"() ({
        %run_scoped3A_193 = tpu.sem_alloc : memref<!tpu.dma_semaphore, #tpu.memory_space<semaphore_mem>>
        %dma_start3A_194 = arith.constant 0 : i32
        %dma_start3A_195 = arith.constant 0 : i32
        %dma_start3A_196 = tpu.memref_slice %arg13[%dma_start3A_194, %dma_start3A_195] : memref<256x64xbf16, #tpu.memory_space<vmem>> -> memref<128x64xbf16, #tpu.memory_space<vmem>>
        %dma_start3A_197 = arith.constant 0 : i32
        %dma_start3A_198 = tpu.memref_slice %arg11[%run_scoped3A_139, %run_scoped3A_140, %dma_start3A_197] : memref<4x2x128xi32, #tpu.memory_space<vmem>> -> memref<1x1x128xi32, #tpu.memory_space<vmem>>
        %dma_start3A_199 = tpu.memref_squeeze %dma_start3A_198 : memref<1x1x128xi32, #tpu.memory_space<vmem>> -> memref<128xi32, #tpu.memory_space<vmem>>
        %dma_start3A_200 = arith.constant 0 : i32
        %dma_start3A_201 = arith.constant 0 : i32
        %dma_start3A_202 = tpu.memref_slice %arg18[%dma_start3A_200, %dma_start3A_201] : memref<10008x64xbf16, #tpu.memory_space<vmem_shared>> -> memref<10008x64xbf16, #tpu.memory_space<vmem_shared>>
        tpu.enqueue_indirect_dma source(%dma_start3A_196 : memref<128x64xbf16, #tpu.memory_space<vmem>>) target(%dma_start3A_202 : memref<10008x64xbf16, #tpu.memory_space<vmem_shared>>) offsets(%dma_start3A_199 : memref<128xi32, #tpu.memory_space<vmem>>) semaphore(%run_scoped3A_193 : memref<!tpu.dma_semaphore, #tpu.memory_space<semaphore_mem>>) {add = true}
        %dma_wait3A_203 = arith.constant 0 : i32
        %dma_wait3A_204 = arith.constant 0 : i32
        %dma_wait3A_205 = tpu.memref_slice %arg13[%dma_wait3A_203, %dma_wait3A_204] : memref<256x64xbf16, #tpu.memory_space<vmem>> -> memref<128x64xbf16, #tpu.memory_space<vmem>>
        %dma_wait3A_206 = arith.constant 0 : i32
        %dma_wait3A_207 = tpu.memref_slice %arg11[%run_scoped3A_139, %run_scoped3A_140, %dma_wait3A_206] : memref<4x2x128xi32, #tpu.memory_space<vmem>> -> memref<1x1x128xi32, #tpu.memory_space<vmem>>
        %dma_wait3A_208 = tpu.memref_squeeze %dma_wait3A_207 : memref<1x1x128xi32, #tpu.memory_space<vmem>> -> memref<128xi32, #tpu.memory_space<vmem>>
        %dma_wait3A_209 = arith.constant 0 : i32
        %dma_wait3A_210 = arith.constant 0 : i32
        %dma_wait3A_211 = tpu.memref_slice %arg18[%dma_wait3A_209, %dma_wait3A_210] : memref<10008x64xbf16, #tpu.memory_space<vmem_shared>> -> memref<10008x64xbf16, #tpu.memory_space<vmem_shared>>
        tpu.wait_indirect_dma semaphore(%run_scoped3A_193 : memref<!tpu.dma_semaphore, #tpu.memory_space<semaphore_mem>>) src(%dma_wait3A_205 : memref<128x64xbf16, #tpu.memory_space<vmem>>) dst(%dma_wait3A_211 : memref<10008x64xbf16, #tpu.memory_space<vmem_shared>>)
        tpu.yield
      }) : () -> ()
      %convert_element_type3A_141 = arith.extui %eq3A_59 : i1 to i32
      %cond3A_142 = arith.constant 0 : i32
      %cond3A_143 = arith.cmpi ne, %convert_element_type3A_141, %cond3A_142 : i32
      scf.if %cond3A_143 {
        %run_scoped3A_193 = arith.constant 1 : i32
        %run_scoped3A_194 = arith.constant 0 : i32
        "tpu.region"() ({
          %run_scoped3A_195 = tpu.sem_alloc : memref<!tpu.dma_semaphore, #tpu.memory_space<semaphore_mem>>
          %dma_start3A_196 = arith.constant 0 : i32
          %dma_start3A_197 = arith.constant 0 : i32
          %dma_start3A_198 = tpu.memref_slice %arg16[%dma_start3A_196, %dma_start3A_197] : memref<256x32xbf16, #tpu.memory_space<vmem>> -> memref<128x32xbf16, #tpu.memory_space<vmem>>
          %dma_start3A_199 = arith.constant 0 : i32
          %dma_start3A_200 = tpu.memref_slice %arg11[%run_scoped3A_193, %run_scoped3A_194, %dma_start3A_199] : memref<4x2x128xi32, #tpu.memory_space<vmem>> -> memref<1x1x128xi32, #tpu.memory_space<vmem>>
          %dma_start3A_201 = tpu.memref_squeeze %dma_start3A_200 : memref<1x1x128xi32, #tpu.memory_space<vmem>> -> memref<128xi32, #tpu.memory_space<vmem>>
          %dma_start3A_202 = arith.constant 0 : i32
          %dma_start3A_203 = arith.constant 0 : i32
          %dma_start3A_204 = tpu.memref_slice %arg19[%dma_start3A_202, %dma_start3A_203] : memref<10008x32xbf16, #tpu.memory_space<vmem_shared>> -> memref<10008x32xbf16, #tpu.memory_space<vmem_shared>>
          tpu.enqueue_indirect_dma source(%dma_start3A_198 : memref<128x32xbf16, #tpu.memory_space<vmem>>) target(%dma_start3A_204 : memref<10008x32xbf16, #tpu.memory_space<vmem_shared>>) offsets(%dma_start3A_201 : memref<128xi32, #tpu.memory_space<vmem>>) semaphore(%run_scoped3A_195 : memref<!tpu.dma_semaphore, #tpu.memory_space<semaphore_mem>>) {add = true}
          %dma_wait3A_205 = arith.constant 0 : i32
          %dma_wait3A_206 = arith.constant 0 : i32
          %dma_wait3A_207 = tpu.memref_slice %arg16[%dma_wait3A_205, %dma_wait3A_206] : memref<256x32xbf16, #tpu.memory_space<vmem>> -> memref<128x32xbf16, #tpu.memory_space<vmem>>
          %dma_wait3A_208 = arith.constant 0 : i32
          %dma_wait3A_209 = tpu.memref_slice %arg11[%run_scoped3A_193, %run_scoped3A_194, %dma_wait3A_208] : memref<4x2x128xi32, #tpu.memory_space<vmem>> -> memref<1x1x128xi32, #tpu.memory_space<vmem>>
          %dma_wait3A_210 = tpu.memref_squeeze %dma_wait3A_209 : memref<1x1x128xi32, #tpu.memory_space<vmem>> -> memref<128xi32, #tpu.memory_space<vmem>>
          %dma_wait3A_211 = arith.constant 0 : i32
          %dma_wait3A_212 = arith.constant 0 : i32
          %dma_wait3A_213 = tpu.memref_slice %arg19[%dma_wait3A_211, %dma_wait3A_212] : memref<10008x32xbf16, #tpu.memory_space<vmem_shared>> -> memref<10008x32xbf16, #tpu.memory_space<vmem_shared>>
          tpu.wait_indirect_dma semaphore(%run_scoped3A_195 : memref<!tpu.dma_semaphore, #tpu.memory_space<semaphore_mem>>) src(%dma_wait3A_207 : memref<128x32xbf16, #tpu.memory_space<vmem>>) dst(%dma_wait3A_213 : memref<10008x32xbf16, #tpu.memory_space<vmem_shared>>)
          tpu.yield
        }) : () -> ()
      } else {
      }
      %run_scoped3A_144 = arith.constant 1 : i32
      %run_scoped3A_145 = arith.constant 1 : i32
      "tpu.region"() ({
        %run_scoped3A_193 = tpu.sem_alloc : memref<!tpu.dma_semaphore, #tpu.memory_space<semaphore_mem>>
        %dma_start3A_194 = arith.constant 128 : i32
        %dma_start3A_195 = arith.constant 0 : i32
        %dma_start3A_196 = tpu.memref_slice %arg13[%dma_start3A_194, %dma_start3A_195] : memref<256x64xbf16, #tpu.memory_space<vmem>> -> memref<128x64xbf16, #tpu.memory_space<vmem>>
        %dma_start3A_197 = arith.constant 0 : i32
        %dma_start3A_198 = tpu.memref_slice %arg11[%run_scoped3A_144, %run_scoped3A_145, %dma_start3A_197] : memref<4x2x128xi32, #tpu.memory_space<vmem>> -> memref<1x1x128xi32, #tpu.memory_space<vmem>>
        %dma_start3A_199 = tpu.memref_squeeze %dma_start3A_198 : memref<1x1x128xi32, #tpu.memory_space<vmem>> -> memref<128xi32, #tpu.memory_space<vmem>>
        %dma_start3A_200 = arith.constant 0 : i32
        %dma_start3A_201 = arith.constant 0 : i32
        %dma_start3A_202 = tpu.memref_slice %arg18[%dma_start3A_200, %dma_start3A_201] : memref<10008x64xbf16, #tpu.memory_space<vmem_shared>> -> memref<10008x64xbf16, #tpu.memory_space<vmem_shared>>
        tpu.enqueue_indirect_dma source(%dma_start3A_196 : memref<128x64xbf16, #tpu.memory_space<vmem>>) target(%dma_start3A_202 : memref<10008x64xbf16, #tpu.memory_space<vmem_shared>>) offsets(%dma_start3A_199 : memref<128xi32, #tpu.memory_space<vmem>>) semaphore(%run_scoped3A_193 : memref<!tpu.dma_semaphore, #tpu.memory_space<semaphore_mem>>) {add = true}
        %dma_wait3A_203 = arith.constant 128 : i32
        %dma_wait3A_204 = arith.constant 0 : i32
        %dma_wait3A_205 = tpu.memref_slice %arg13[%dma_wait3A_203, %dma_wait3A_204] : memref<256x64xbf16, #tpu.memory_space<vmem>> -> memref<128x64xbf16, #tpu.memory_space<vmem>>
        %dma_wait3A_206 = arith.constant 0 : i32
        %dma_wait3A_207 = tpu.memref_slice %arg11[%run_scoped3A_144, %run_scoped3A_145, %dma_wait3A_206] : memref<4x2x128xi32, #tpu.memory_space<vmem>> -> memref<1x1x128xi32, #tpu.memory_space<vmem>>
        %dma_wait3A_208 = tpu.memref_squeeze %dma_wait3A_207 : memref<1x1x128xi32, #tpu.memory_space<vmem>> -> memref<128xi32, #tpu.memory_space<vmem>>
        %dma_wait3A_209 = arith.constant 0 : i32
        %dma_wait3A_210 = arith.constant 0 : i32
        %dma_wait3A_211 = tpu.memref_slice %arg18[%dma_wait3A_209, %dma_wait3A_210] : memref<10008x64xbf16, #tpu.memory_space<vmem_shared>> -> memref<10008x64xbf16, #tpu.memory_space<vmem_shared>>
        tpu.wait_indirect_dma semaphore(%run_scoped3A_193 : memref<!tpu.dma_semaphore, #tpu.memory_space<semaphore_mem>>) src(%dma_wait3A_205 : memref<128x64xbf16, #tpu.memory_space<vmem>>) dst(%dma_wait3A_211 : memref<10008x64xbf16, #tpu.memory_space<vmem_shared>>)
        tpu.yield
      }) : () -> ()
      %convert_element_type3A_146 = arith.extui %eq3A_59 : i1 to i32
      %cond3A_147 = arith.constant 0 : i32
      %cond3A_148 = arith.cmpi ne, %convert_element_type3A_146, %cond3A_147 : i32
      scf.if %cond3A_148 {
        %run_scoped3A_193 = arith.constant 1 : i32
        %run_scoped3A_194 = arith.constant 1 : i32
        "tpu.region"() ({
          %run_scoped3A_195 = tpu.sem_alloc : memref<!tpu.dma_semaphore, #tpu.memory_space<semaphore_mem>>
          %dma_start3A_196 = arith.constant 0 : i32
          %dma_start3A_197 = arith.constant 0 : i32
          %dma_start3A_198 = tpu.memref_slice %arg16[%dma_start3A_196, %dma_start3A_197] : memref<256x32xbf16, #tpu.memory_space<vmem>> -> memref<128x32xbf16, #tpu.memory_space<vmem>>
          %dma_start3A_199 = arith.constant 0 : i32
          %dma_start3A_200 = tpu.memref_slice %arg11[%run_scoped3A_193, %run_scoped3A_194, %dma_start3A_199] : memref<4x2x128xi32, #tpu.memory_space<vmem>> -> memref<1x1x128xi32, #tpu.memory_space<vmem>>
          %dma_start3A_201 = tpu.memref_squeeze %dma_start3A_200 : memref<1x1x128xi32, #tpu.memory_space<vmem>> -> memref<128xi32, #tpu.memory_space<vmem>>
          %dma_start3A_202 = arith.constant 0 : i32
          %dma_start3A_203 = arith.constant 0 : i32
          %dma_start3A_204 = tpu.memref_slice %arg19[%dma_start3A_202, %dma_start3A_203] : memref<10008x32xbf16, #tpu.memory_space<vmem_shared>> -> memref<10008x32xbf16, #tpu.memory_space<vmem_shared>>
          tpu.enqueue_indirect_dma source(%dma_start3A_198 : memref<128x32xbf16, #tpu.memory_space<vmem>>) target(%dma_start3A_204 : memref<10008x32xbf16, #tpu.memory_space<vmem_shared>>) offsets(%dma_start3A_201 : memref<128xi32, #tpu.memory_space<vmem>>) semaphore(%run_scoped3A_195 : memref<!tpu.dma_semaphore, #tpu.memory_space<semaphore_mem>>) {add = true}
          %dma_wait3A_205 = arith.constant 0 : i32
          %dma_wait3A_206 = arith.constant 0 : i32
          %dma_wait3A_207 = tpu.memref_slice %arg16[%dma_wait3A_205, %dma_wait3A_206] : memref<256x32xbf16, #tpu.memory_space<vmem>> -> memref<128x32xbf16, #tpu.memory_space<vmem>>
          %dma_wait3A_208 = arith.constant 0 : i32
          %dma_wait3A_209 = tpu.memref_slice %arg11[%run_scoped3A_193, %run_scoped3A_194, %dma_wait3A_208] : memref<4x2x128xi32, #tpu.memory_space<vmem>> -> memref<1x1x128xi32, #tpu.memory_space<vmem>>
          %dma_wait3A_210 = tpu.memref_squeeze %dma_wait3A_209 : memref<1x1x128xi32, #tpu.memory_space<vmem>> -> memref<128xi32, #tpu.memory_space<vmem>>
          %dma_wait3A_211 = arith.constant 0 : i32
          %dma_wait3A_212 = arith.constant 0 : i32
          %dma_wait3A_213 = tpu.memref_slice %arg19[%dma_wait3A_211, %dma_wait3A_212] : memref<10008x32xbf16, #tpu.memory_space<vmem_shared>> -> memref<10008x32xbf16, #tpu.memory_space<vmem_shared>>
          tpu.wait_indirect_dma semaphore(%run_scoped3A_195 : memref<!tpu.dma_semaphore, #tpu.memory_space<semaphore_mem>>) src(%dma_wait3A_207 : memref<128x32xbf16, #tpu.memory_space<vmem>>) dst(%dma_wait3A_213 : memref<10008x32xbf16, #tpu.memory_space<vmem_shared>>)
          tpu.yield
        }) : () -> ()
      } else {
      }
      %dma_wait3A_149 = arith.constant 2 : i32
      %dma_wait3A_150 = arith.constant 0 : i32
      %dma_wait3A_151 = arith.constant 0 : i32
      %dma_wait3A_152 = tpu.memref_slice %arg10[%dma_wait3A_149, %dma_wait3A_150, %dma_wait3A_151] : memref<4x1x256xi32, #tpu.memory_space<vmem>> -> memref<1x1x256xi32, #tpu.memory_space<vmem>>
      %dma_wait3A_153 = tpu.memref_squeeze %dma_wait3A_152 : memref<1x1x256xi32, #tpu.memory_space<vmem>> -> memref<256xi32, #tpu.memory_space<vmem>>
      %dma_wait3A_154 = arith.constant 0 : i32
      %dma_wait3A_155 = arith.constant 0 : i32
      %dma_wait3A_156 = tpu.memref_slice %arg2[%arg0, %dma_wait3A_154, %dma_wait3A_155] : memref<2x10000x64xbf16, #tpu.memory_space<hbm>> -> memref<1x10000x64xbf16, #tpu.memory_space<hbm>>
      %dma_wait3A_157 = tpu.memref_squeeze %dma_wait3A_156 : memref<1x10000x64xbf16, #tpu.memory_space<hbm>> -> memref<10000x64xbf16, #tpu.memory_space<hbm>>
      %dma_wait3A_158 = arith.constant 0 : i32
      %dma_wait3A_159 = arith.constant 0 : i32
      %dma_wait3A_160 = tpu.memref_slice %dma_wait3A_157[%dma_wait3A_158, %dma_wait3A_159] : memref<10000x64xbf16, #tpu.memory_space<hbm>> -> memref<10000x64xbf16, #tpu.memory_space<hbm>>
      tpu.wait_indirect_dma semaphore(%arg22 : memref<!tpu.dma_semaphore, #tpu.memory_space<semaphore_mem>>) src(%dma_wait3A_160 : memref<10000x64xbf16, #tpu.memory_space<hbm>>) dst(%arg14 : memref<256x64xbf16, #tpu.memory_space<vmem>>)
      %run_scoped3A_161 = arith.constant 2 : i32
      %run_scoped3A_162 = arith.constant 0 : i32
      "tpu.region"() ({
        %run_scoped3A_193 = tpu.sem_alloc : memref<!tpu.dma_semaphore, #tpu.memory_space<semaphore_mem>>
        %dma_start3A_194 = arith.constant 0 : i32
        %dma_start3A_195 = arith.constant 0 : i32
        %dma_start3A_196 = tpu.memref_slice %arg14[%dma_start3A_194, %dma_start3A_195] : memref<256x64xbf16, #tpu.memory_space<vmem>> -> memref<128x64xbf16, #tpu.memory_space<vmem>>
        %dma_start3A_197 = arith.constant 0 : i32
        %dma_start3A_198 = tpu.memref_slice %arg11[%run_scoped3A_161, %run_scoped3A_162, %dma_start3A_197] : memref<4x2x128xi32, #tpu.memory_space<vmem>> -> memref<1x1x128xi32, #tpu.memory_space<vmem>>
        %dma_start3A_199 = tpu.memref_squeeze %dma_start3A_198 : memref<1x1x128xi32, #tpu.memory_space<vmem>> -> memref<128xi32, #tpu.memory_space<vmem>>
        %dma_start3A_200 = arith.constant 0 : i32
        %dma_start3A_201 = arith.constant 0 : i32
        %dma_start3A_202 = tpu.memref_slice %arg18[%dma_start3A_200, %dma_start3A_201] : memref<10008x64xbf16, #tpu.memory_space<vmem_shared>> -> memref<10008x64xbf16, #tpu.memory_space<vmem_shared>>
        tpu.enqueue_indirect_dma source(%dma_start3A_196 : memref<128x64xbf16, #tpu.memory_space<vmem>>) target(%dma_start3A_202 : memref<10008x64xbf16, #tpu.memory_space<vmem_shared>>) offsets(%dma_start3A_199 : memref<128xi32, #tpu.memory_space<vmem>>) semaphore(%run_scoped3A_193 : memref<!tpu.dma_semaphore, #tpu.memory_space<semaphore_mem>>) {add = true}
        %dma_wait3A_203 = arith.constant 0 : i32
        %dma_wait3A_204 = arith.constant 0 : i32
        %dma_wait3A_205 = tpu.memref_slice %arg14[%dma_wait3A_203, %dma_wait3A_204] : memref<256x64xbf16, #tpu.memory_space<vmem>> -> memref<128x64xbf16, #tpu.memory_space<vmem>>
        %dma_wait3A_206 = arith.constant 0 : i32
        %dma_wait3A_207 = tpu.memref_slice %arg11[%run_scoped3A_161, %run_scoped3A_162, %dma_wait3A_206] : memref<4x2x128xi32, #tpu.memory_space<vmem>> -> memref<1x1x128xi32, #tpu.memory_space<vmem>>
        %dma_wait3A_208 = tpu.memref_squeeze %dma_wait3A_207 : memref<1x1x128xi32, #tpu.memory_space<vmem>> -> memref<128xi32, #tpu.memory_space<vmem>>
        %dma_wait3A_209 = arith.constant 0 : i32
        %dma_wait3A_210 = arith.constant 0 : i32
        %dma_wait3A_211 = tpu.memref_slice %arg18[%dma_wait3A_209, %dma_wait3A_210] : memref<10008x64xbf16, #tpu.memory_space<vmem_shared>> -> memref<10008x64xbf16, #tpu.memory_space<vmem_shared>>
        tpu.wait_indirect_dma semaphore(%run_scoped3A_193 : memref<!tpu.dma_semaphore, #tpu.memory_space<semaphore_mem>>) src(%dma_wait3A_205 : memref<128x64xbf16, #tpu.memory_space<vmem>>) dst(%dma_wait3A_211 : memref<10008x64xbf16, #tpu.memory_space<vmem_shared>>)
        tpu.yield
      }) : () -> ()
      %convert_element_type3A_163 = arith.extui %eq3A_59 : i1 to i32
      %cond3A_164 = arith.constant 0 : i32
      %cond3A_165 = arith.cmpi ne, %convert_element_type3A_163, %cond3A_164 : i32
      scf.if %cond3A_165 {
        %run_scoped3A_193 = arith.constant 2 : i32
        %run_scoped3A_194 = arith.constant 0 : i32
        "tpu.region"() ({
          %run_scoped3A_195 = tpu.sem_alloc : memref<!tpu.dma_semaphore, #tpu.memory_space<semaphore_mem>>
          %dma_start3A_196 = arith.constant 0 : i32
          %dma_start3A_197 = arith.constant 0 : i32
          %dma_start3A_198 = tpu.memref_slice %arg16[%dma_start3A_196, %dma_start3A_197] : memref<256x32xbf16, #tpu.memory_space<vmem>> -> memref<128x32xbf16, #tpu.memory_space<vmem>>
          %dma_start3A_199 = arith.constant 0 : i32
          %dma_start3A_200 = tpu.memref_slice %arg11[%run_scoped3A_193, %run_scoped3A_194, %dma_start3A_199] : memref<4x2x128xi32, #tpu.memory_space<vmem>> -> memref<1x1x128xi32, #tpu.memory_space<vmem>>
          %dma_start3A_201 = tpu.memref_squeeze %dma_start3A_200 : memref<1x1x128xi32, #tpu.memory_space<vmem>> -> memref<128xi32, #tpu.memory_space<vmem>>
          %dma_start3A_202 = arith.constant 0 : i32
          %dma_start3A_203 = arith.constant 0 : i32
          %dma_start3A_204 = tpu.memref_slice %arg19[%dma_start3A_202, %dma_start3A_203] : memref<10008x32xbf16, #tpu.memory_space<vmem_shared>> -> memref<10008x32xbf16, #tpu.memory_space<vmem_shared>>
          tpu.enqueue_indirect_dma source(%dma_start3A_198 : memref<128x32xbf16, #tpu.memory_space<vmem>>) target(%dma_start3A_204 : memref<10008x32xbf16, #tpu.memory_space<vmem_shared>>) offsets(%dma_start3A_201 : memref<128xi32, #tpu.memory_space<vmem>>) semaphore(%run_scoped3A_195 : memref<!tpu.dma_semaphore, #tpu.memory_space<semaphore_mem>>) {add = true}
          %dma_wait3A_205 = arith.constant 0 : i32
          %dma_wait3A_206 = arith.constant 0 : i32
          %dma_wait3A_207 = tpu.memref_slice %arg16[%dma_wait3A_205, %dma_wait3A_206] : memref<256x32xbf16, #tpu.memory_space<vmem>> -> memref<128x32xbf16, #tpu.memory_space<vmem>>
          %dma_wait3A_208 = arith.constant 0 : i32
          %dma_wait3A_209 = tpu.memref_slice %arg11[%run_scoped3A_193, %run_scoped3A_194, %dma_wait3A_208] : memref<4x2x128xi32, #tpu.memory_space<vmem>> -> memref<1x1x128xi32, #tpu.memory_space<vmem>>
          %dma_wait3A_210 = tpu.memref_squeeze %dma_wait3A_209 : memref<1x1x128xi32, #tpu.memory_space<vmem>> -> memref<128xi32, #tpu.memory_space<vmem>>
          %dma_wait3A_211 = arith.constant 0 : i32
          %dma_wait3A_212 = arith.constant 0 : i32
          %dma_wait3A_213 = tpu.memref_slice %arg19[%dma_wait3A_211, %dma_wait3A_212] : memref<10008x32xbf16, #tpu.memory_space<vmem_shared>> -> memref<10008x32xbf16, #tpu.memory_space<vmem_shared>>
          tpu.wait_indirect_dma semaphore(%run_scoped3A_195 : memref<!tpu.dma_semaphore, #tpu.memory_space<semaphore_mem>>) src(%dma_wait3A_207 : memref<128x32xbf16, #tpu.memory_space<vmem>>) dst(%dma_wait3A_213 : memref<10008x32xbf16, #tpu.memory_space<vmem_shared>>)
          tpu.yield
        }) : () -> ()
      } else {
      }
      %run_scoped3A_166 = arith.constant 2 : i32
      %run_scoped3A_167 = arith.constant 1 : i32
      "tpu.region"() ({
        %run_scoped3A_193 = tpu.sem_alloc : memref<!tpu.dma_semaphore, #tpu.memory_space<semaphore_mem>>
        %dma_start3A_194 = arith.constant 128 : i32
        %dma_start3A_195 = arith.constant 0 : i32
        %dma_start3A_196 = tpu.memref_slice %arg14[%dma_start3A_194, %dma_start3A_195] : memref<256x64xbf16, #tpu.memory_space<vmem>> -> memref<128x64xbf16, #tpu.memory_space<vmem>>
        %dma_start3A_197 = arith.constant 0 : i32
        %dma_start3A_198 = tpu.memref_slice %arg11[%run_scoped3A_166, %run_scoped3A_167, %dma_start3A_197] : memref<4x2x128xi32, #tpu.memory_space<vmem>> -> memref<1x1x128xi32, #tpu.memory_space<vmem>>
        %dma_start3A_199 = tpu.memref_squeeze %dma_start3A_198 : memref<1x1x128xi32, #tpu.memory_space<vmem>> -> memref<128xi32, #tpu.memory_space<vmem>>
        %dma_start3A_200 = arith.constant 0 : i32
        %dma_start3A_201 = arith.constant 0 : i32
        %dma_start3A_202 = tpu.memref_slice %arg18[%dma_start3A_200, %dma_start3A_201] : memref<10008x64xbf16, #tpu.memory_space<vmem_shared>> -> memref<10008x64xbf16, #tpu.memory_space<vmem_shared>>
        tpu.enqueue_indirect_dma source(%dma_start3A_196 : memref<128x64xbf16, #tpu.memory_space<vmem>>) target(%dma_start3A_202 : memref<10008x64xbf16, #tpu.memory_space<vmem_shared>>) offsets(%dma_start3A_199 : memref<128xi32, #tpu.memory_space<vmem>>) semaphore(%run_scoped3A_193 : memref<!tpu.dma_semaphore, #tpu.memory_space<semaphore_mem>>) {add = true}
        %dma_wait3A_203 = arith.constant 128 : i32
        %dma_wait3A_204 = arith.constant 0 : i32
        %dma_wait3A_205 = tpu.memref_slice %arg14[%dma_wait3A_203, %dma_wait3A_204] : memref<256x64xbf16, #tpu.memory_space<vmem>> -> memref<128x64xbf16, #tpu.memory_space<vmem>>
        %dma_wait3A_206 = arith.constant 0 : i32
        %dma_wait3A_207 = tpu.memref_slice %arg11[%run_scoped3A_166, %run_scoped3A_167, %dma_wait3A_206] : memref<4x2x128xi32, #tpu.memory_space<vmem>> -> memref<1x1x128xi32, #tpu.memory_space<vmem>>
        %dma_wait3A_208 = tpu.memref_squeeze %dma_wait3A_207 : memref<1x1x128xi32, #tpu.memory_space<vmem>> -> memref<128xi32, #tpu.memory_space<vmem>>
        %dma_wait3A_209 = arith.constant 0 : i32
        %dma_wait3A_210 = arith.constant 0 : i32
        %dma_wait3A_211 = tpu.memref_slice %arg18[%dma_wait3A_209, %dma_wait3A_210] : memref<10008x64xbf16, #tpu.memory_space<vmem_shared>> -> memref<10008x64xbf16, #tpu.memory_space<vmem_shared>>
        tpu.wait_indirect_dma semaphore(%run_scoped3A_193 : memref<!tpu.dma_semaphore, #tpu.memory_space<semaphore_mem>>) src(%dma_wait3A_205 : memref<128x64xbf16, #tpu.memory_space<vmem>>) dst(%dma_wait3A_211 : memref<10008x64xbf16, #tpu.memory_space<vmem_shared>>)
        tpu.yield
      }) : () -> ()
      %convert_element_type3A_168 = arith.extui %eq3A_59 : i1 to i32
      %cond3A_169 = arith.constant 0 : i32
      %cond3A_170 = arith.cmpi ne, %convert_element_type3A_168, %cond3A_169 : i32
      scf.if %cond3A_170 {
        %run_scoped3A_193 = arith.constant 2 : i32
        %run_scoped3A_194 = arith.constant 1 : i32
        "tpu.region"() ({
          %run_scoped3A_195 = tpu.sem_alloc : memref<!tpu.dma_semaphore, #tpu.memory_space<semaphore_mem>>
          %dma_start3A_196 = arith.constant 0 : i32
          %dma_start3A_197 = arith.constant 0 : i32
          %dma_start3A_198 = tpu.memref_slice %arg16[%dma_start3A_196, %dma_start3A_197] : memref<256x32xbf16, #tpu.memory_space<vmem>> -> memref<128x32xbf16, #tpu.memory_space<vmem>>
          %dma_start3A_199 = arith.constant 0 : i32
          %dma_start3A_200 = tpu.memref_slice %arg11[%run_scoped3A_193, %run_scoped3A_194, %dma_start3A_199] : memref<4x2x128xi32, #tpu.memory_space<vmem>> -> memref<1x1x128xi32, #tpu.memory_space<vmem>>
          %dma_start3A_201 = tpu.memref_squeeze %dma_start3A_200 : memref<1x1x128xi32, #tpu.memory_space<vmem>> -> memref<128xi32, #tpu.memory_space<vmem>>
          %dma_start3A_202 = arith.constant 0 : i32
          %dma_start3A_203 = arith.constant 0 : i32
          %dma_start3A_204 = tpu.memref_slice %arg19[%dma_start3A_202, %dma_start3A_203] : memref<10008x32xbf16, #tpu.memory_space<vmem_shared>> -> memref<10008x32xbf16, #tpu.memory_space<vmem_shared>>
          tpu.enqueue_indirect_dma source(%dma_start3A_198 : memref<128x32xbf16, #tpu.memory_space<vmem>>) target(%dma_start3A_204 : memref<10008x32xbf16, #tpu.memory_space<vmem_shared>>) offsets(%dma_start3A_201 : memref<128xi32, #tpu.memory_space<vmem>>) semaphore(%run_scoped3A_195 : memref<!tpu.dma_semaphore, #tpu.memory_space<semaphore_mem>>) {add = true}
          %dma_wait3A_205 = arith.constant 0 : i32
          %dma_wait3A_206 = arith.constant 0 : i32
          %dma_wait3A_207 = tpu.memref_slice %arg16[%dma_wait3A_205, %dma_wait3A_206] : memref<256x32xbf16, #tpu.memory_space<vmem>> -> memref<128x32xbf16, #tpu.memory_space<vmem>>
          %dma_wait3A_208 = arith.constant 0 : i32
          %dma_wait3A_209 = tpu.memref_slice %arg11[%run_scoped3A_193, %run_scoped3A_194, %dma_wait3A_208] : memref<4x2x128xi32, #tpu.memory_space<vmem>> -> memref<1x1x128xi32, #tpu.memory_space<vmem>>
          %dma_wait3A_210 = tpu.memref_squeeze %dma_wait3A_209 : memref<1x1x128xi32, #tpu.memory_space<vmem>> -> memref<128xi32, #tpu.memory_space<vmem>>
          %dma_wait3A_211 = arith.constant 0 : i32
          %dma_wait3A_212 = arith.constant 0 : i32
          %dma_wait3A_213 = tpu.memref_slice %arg19[%dma_wait3A_211, %dma_wait3A_212] : memref<10008x32xbf16, #tpu.memory_space<vmem_shared>> -> memref<10008x32xbf16, #tpu.memory_space<vmem_shared>>
          tpu.wait_indirect_dma semaphore(%run_scoped3A_195 : memref<!tpu.dma_semaphore, #tpu.memory_space<semaphore_mem>>) src(%dma_wait3A_207 : memref<128x32xbf16, #tpu.memory_space<vmem>>) dst(%dma_wait3A_213 : memref<10008x32xbf16, #tpu.memory_space<vmem_shared>>)
          tpu.yield
        }) : () -> ()
      } else {
      }
      %dma_wait3A_171 = arith.constant 3 : i32
      %dma_wait3A_172 = arith.constant 0 : i32
      %dma_wait3A_173 = arith.constant 0 : i32
      %dma_wait3A_174 = tpu.memref_slice %arg10[%dma_wait3A_171, %dma_wait3A_172, %dma_wait3A_173] : memref<4x1x256xi32, #tpu.memory_space<vmem>> -> memref<1x1x256xi32, #tpu.memory_space<vmem>>
      %dma_wait3A_175 = tpu.memref_squeeze %dma_wait3A_174 : memref<1x1x256xi32, #tpu.memory_space<vmem>> -> memref<256xi32, #tpu.memory_space<vmem>>
      %dma_wait3A_176 = arith.constant 0 : i32
      %dma_wait3A_177 = arith.constant 0 : i32
      %dma_wait3A_178 = tpu.memref_slice %arg2[%arg0, %dma_wait3A_176, %dma_wait3A_177] : memref<2x10000x64xbf16, #tpu.memory_space<hbm>> -> memref<1x10000x64xbf16, #tpu.memory_space<hbm>>
      %dma_wait3A_179 = tpu.memref_squeeze %dma_wait3A_178 : memref<1x10000x64xbf16, #tpu.memory_space<hbm>> -> memref<10000x64xbf16, #tpu.memory_space<hbm>>
      %dma_wait3A_180 = arith.constant 0 : i32
      %dma_wait3A_181 = arith.constant 0 : i32
      %dma_wait3A_182 = tpu.memref_slice %dma_wait3A_179[%dma_wait3A_180, %dma_wait3A_181] : memref<10000x64xbf16, #tpu.memory_space<hbm>> -> memref<10000x64xbf16, #tpu.memory_space<hbm>>
      tpu.wait_indirect_dma semaphore(%arg23 : memref<!tpu.dma_semaphore, #tpu.memory_space<semaphore_mem>>) src(%dma_wait3A_182 : memref<10000x64xbf16, #tpu.memory_space<hbm>>) dst(%arg15 : memref<256x64xbf16, #tpu.memory_space<vmem>>)
      %run_scoped3A_183 = arith.constant 3 : i32
      %run_scoped3A_184 = arith.constant 0 : i32
      "tpu.region"() ({
        %run_scoped3A_193 = tpu.sem_alloc : memref<!tpu.dma_semaphore, #tpu.memory_space<semaphore_mem>>
        %dma_start3A_194 = arith.constant 0 : i32
        %dma_start3A_195 = arith.constant 0 : i32
        %dma_start3A_196 = tpu.memref_slice %arg15[%dma_start3A_194, %dma_start3A_195] : memref<256x64xbf16, #tpu.memory_space<vmem>> -> memref<128x64xbf16, #tpu.memory_space<vmem>>
        %dma_start3A_197 = arith.constant 0 : i32
        %dma_start3A_198 = tpu.memref_slice %arg11[%run_scoped3A_183, %run_scoped3A_184, %dma_start3A_197] : memref<4x2x128xi32, #tpu.memory_space<vmem>> -> memref<1x1x128xi32, #tpu.memory_space<vmem>>
        %dma_start3A_199 = tpu.memref_squeeze %dma_start3A_198 : memref<1x1x128xi32, #tpu.memory_space<vmem>> -> memref<128xi32, #tpu.memory_space<vmem>>
        %dma_start3A_200 = arith.constant 0 : i32
        %dma_start3A_201 = arith.constant 0 : i32
        %dma_start3A_202 = tpu.memref_slice %arg18[%dma_start3A_200, %dma_start3A_201] : memref<10008x64xbf16, #tpu.memory_space<vmem_shared>> -> memref<10008x64xbf16, #tpu.memory_space<vmem_shared>>
        tpu.enqueue_indirect_dma source(%dma_start3A_196 : memref<128x64xbf16, #tpu.memory_space<vmem>>) target(%dma_start3A_202 : memref<10008x64xbf16, #tpu.memory_space<vmem_shared>>) offsets(%dma_start3A_199 : memref<128xi32, #tpu.memory_space<vmem>>) semaphore(%run_scoped3A_193 : memref<!tpu.dma_semaphore, #tpu.memory_space<semaphore_mem>>) {add = true}
        %dma_wait3A_203 = arith.constant 0 : i32
        %dma_wait3A_204 = arith.constant 0 : i32
        %dma_wait3A_205 = tpu.memref_slice %arg15[%dma_wait3A_203, %dma_wait3A_204] : memref<256x64xbf16, #tpu.memory_space<vmem>> -> memref<128x64xbf16, #tpu.memory_space<vmem>>
        %dma_wait3A_206 = arith.constant 0 : i32
        %dma_wait3A_207 = tpu.memref_slice %arg11[%run_scoped3A_183, %run_scoped3A_184, %dma_wait3A_206] : memref<4x2x128xi32, #tpu.memory_space<vmem>> -> memref<1x1x128xi32, #tpu.memory_space<vmem>>
        %dma_wait3A_208 = tpu.memref_squeeze %dma_wait3A_207 : memref<1x1x128xi32, #tpu.memory_space<vmem>> -> memref<128xi32, #tpu.memory_space<vmem>>
        %dma_wait3A_209 = arith.constant 0 : i32
        %dma_wait3A_210 = arith.constant 0 : i32
        %dma_wait3A_211 = tpu.memref_slice %arg18[%dma_wait3A_209, %dma_wait3A_210] : memref<10008x64xbf16, #tpu.memory_space<vmem_shared>> -> memref<10008x64xbf16, #tpu.memory_space<vmem_shared>>
        tpu.wait_indirect_dma semaphore(%run_scoped3A_193 : memref<!tpu.dma_semaphore, #tpu.memory_space<semaphore_mem>>) src(%dma_wait3A_205 : memref<128x64xbf16, #tpu.memory_space<vmem>>) dst(%dma_wait3A_211 : memref<10008x64xbf16, #tpu.memory_space<vmem_shared>>)
        tpu.yield
      }) : () -> ()
      %convert_element_type3A_185 = arith.extui %eq3A_59 : i1 to i32
      %cond3A_186 = arith.constant 0 : i32
      %cond3A_187 = arith.cmpi ne, %convert_element_type3A_185, %cond3A_186 : i32
      scf.if %cond3A_187 {
        %run_scoped3A_193 = arith.constant 3 : i32
        %run_scoped3A_194 = arith.constant 0 : i32
        "tpu.region"() ({
          %run_scoped3A_195 = tpu.sem_alloc : memref<!tpu.dma_semaphore, #tpu.memory_space<semaphore_mem>>
          %dma_start3A_196 = arith.constant 0 : i32
          %dma_start3A_197 = arith.constant 0 : i32
          %dma_start3A_198 = tpu.memref_slice %arg16[%dma_start3A_196, %dma_start3A_197] : memref<256x32xbf16, #tpu.memory_space<vmem>> -> memref<128x32xbf16, #tpu.memory_space<vmem>>
          %dma_start3A_199 = arith.constant 0 : i32
          %dma_start3A_200 = tpu.memref_slice %arg11[%run_scoped3A_193, %run_scoped3A_194, %dma_start3A_199] : memref<4x2x128xi32, #tpu.memory_space<vmem>> -> memref<1x1x128xi32, #tpu.memory_space<vmem>>
          %dma_start3A_201 = tpu.memref_squeeze %dma_start3A_200 : memref<1x1x128xi32, #tpu.memory_space<vmem>> -> memref<128xi32, #tpu.memory_space<vmem>>
          %dma_start3A_202 = arith.constant 0 : i32
          %dma_start3A_203 = arith.constant 0 : i32
          %dma_start3A_204 = tpu.memref_slice %arg19[%dma_start3A_202, %dma_start3A_203] : memref<10008x32xbf16, #tpu.memory_space<vmem_shared>> -> memref<10008x32xbf16, #tpu.memory_space<vmem_shared>>
          tpu.enqueue_indirect_dma source(%dma_start3A_198 : memref<128x32xbf16, #tpu.memory_space<vmem>>) target(%dma_start3A_204 : memref<10008x32xbf16, #tpu.memory_space<vmem_shared>>) offsets(%dma_start3A_201 : memref<128xi32, #tpu.memory_space<vmem>>) semaphore(%run_scoped3A_195 : memref<!tpu.dma_semaphore, #tpu.memory_space<semaphore_mem>>) {add = true}
          %dma_wait3A_205 = arith.constant 0 : i32
          %dma_wait3A_206 = arith.constant 0 : i32
          %dma_wait3A_207 = tpu.memref_slice %arg16[%dma_wait3A_205, %dma_wait3A_206] : memref<256x32xbf16, #tpu.memory_space<vmem>> -> memref<128x32xbf16, #tpu.memory_space<vmem>>
          %dma_wait3A_208 = arith.constant 0 : i32
          %dma_wait3A_209 = tpu.memref_slice %arg11[%run_scoped3A_193, %run_scoped3A_194, %dma_wait3A_208] : memref<4x2x128xi32, #tpu.memory_space<vmem>> -> memref<1x1x128xi32, #tpu.memory_space<vmem>>
          %dma_wait3A_210 = tpu.memref_squeeze %dma_wait3A_209 : memref<1x1x128xi32, #tpu.memory_space<vmem>> -> memref<128xi32, #tpu.memory_space<vmem>>
          %dma_wait3A_211 = arith.constant 0 : i32
          %dma_wait3A_212 = arith.constant 0 : i32
          %dma_wait3A_213 = tpu.memref_slice %arg19[%dma_wait3A_211, %dma_wait3A_212] : memref<10008x32xbf16, #tpu.memory_space<vmem_shared>> -> memref<10008x32xbf16, #tpu.memory_space<vmem_shared>>
          tpu.wait_indirect_dma semaphore(%run_scoped3A_195 : memref<!tpu.dma_semaphore, #tpu.memory_space<semaphore_mem>>) src(%dma_wait3A_207 : memref<128x32xbf16, #tpu.memory_space<vmem>>) dst(%dma_wait3A_213 : memref<10008x32xbf16, #tpu.memory_space<vmem_shared>>)
          tpu.yield
        }) : () -> ()
      } else {
      }
      %run_scoped3A_188 = arith.constant 3 : i32
      %run_scoped3A_189 = arith.constant 1 : i32
      "tpu.region"() ({
        %run_scoped3A_193 = tpu.sem_alloc : memref<!tpu.dma_semaphore, #tpu.memory_space<semaphore_mem>>
        %dma_start3A_194 = arith.constant 128 : i32
        %dma_start3A_195 = arith.constant 0 : i32
        %dma_start3A_196 = tpu.memref_slice %arg15[%dma_start3A_194, %dma_start3A_195] : memref<256x64xbf16, #tpu.memory_space<vmem>> -> memref<128x64xbf16, #tpu.memory_space<vmem>>
        %dma_start3A_197 = arith.constant 0 : i32
        %dma_start3A_198 = tpu.memref_slice %arg11[%run_scoped3A_188, %run_scoped3A_189, %dma_start3A_197] : memref<4x2x128xi32, #tpu.memory_space<vmem>> -> memref<1x1x128xi32, #tpu.memory_space<vmem>>
        %dma_start3A_199 = tpu.memref_squeeze %dma_start3A_198 : memref<1x1x128xi32, #tpu.memory_space<vmem>> -> memref<128xi32, #tpu.memory_space<vmem>>
        %dma_start3A_200 = arith.constant 0 : i32
        %dma_start3A_201 = arith.constant 0 : i32
        %dma_start3A_202 = tpu.memref_slice %arg18[%dma_start3A_200, %dma_start3A_201] : memref<10008x64xbf16, #tpu.memory_space<vmem_shared>> -> memref<10008x64xbf16, #tpu.memory_space<vmem_shared>>
        tpu.enqueue_indirect_dma source(%dma_start3A_196 : memref<128x64xbf16, #tpu.memory_space<vmem>>) target(%dma_start3A_202 : memref<10008x64xbf16, #tpu.memory_space<vmem_shared>>) offsets(%dma_start3A_199 : memref<128xi32, #tpu.memory_space<vmem>>) semaphore(%run_scoped3A_193 : memref<!tpu.dma_semaphore, #tpu.memory_space<semaphore_mem>>) {add = true}
        %dma_wait3A_203 = arith.constant 128 : i32
        %dma_wait3A_204 = arith.constant 0 : i32
        %dma_wait3A_205 = tpu.memref_slice %arg15[%dma_wait3A_203, %dma_wait3A_204] : memref<256x64xbf16, #tpu.memory_space<vmem>> -> memref<128x64xbf16, #tpu.memory_space<vmem>>
        %dma_wait3A_206 = arith.constant 0 : i32
        %dma_wait3A_207 = tpu.memref_slice %arg11[%run_scoped3A_188, %run_scoped3A_189, %dma_wait3A_206] : memref<4x2x128xi32, #tpu.memory_space<vmem>> -> memref<1x1x128xi32, #tpu.memory_space<vmem>>
        %dma_wait3A_208 = tpu.memref_squeeze %dma_wait3A_207 : memref<1x1x128xi32, #tpu.memory_space<vmem>> -> memref<128xi32, #tpu.memory_space<vmem>>
        %dma_wait3A_209 = arith.constant 0 : i32
        %dma_wait3A_210 = arith.constant 0 : i32
        %dma_wait3A_211 = tpu.memref_slice %arg18[%dma_wait3A_209, %dma_wait3A_210] : memref<10008x64xbf16, #tpu.memory_space<vmem_shared>> -> memref<10008x64xbf16, #tpu.memory_space<vmem_shared>>
        tpu.wait_indirect_dma semaphore(%run_scoped3A_193 : memref<!tpu.dma_semaphore, #tpu.memory_space<semaphore_mem>>) src(%dma_wait3A_205 : memref<128x64xbf16, #tpu.memory_space<vmem>>) dst(%dma_wait3A_211 : memref<10008x64xbf16, #tpu.memory_space<vmem_shared>>)
        tpu.yield
      }) : () -> ()
      %convert_element_type3A_190 = arith.extui %eq3A_59 : i1 to i32
      %cond3A_191 = arith.constant 0 : i32
      %cond3A_192 = arith.cmpi ne, %convert_element_type3A_190, %cond3A_191 : i32
      scf.if %cond3A_192 {
        %run_scoped3A_193 = arith.constant 3 : i32
        %run_scoped3A_194 = arith.constant 1 : i32
        "tpu.region"() ({
          %run_scoped3A_195 = tpu.sem_alloc : memref<!tpu.dma_semaphore, #tpu.memory_space<semaphore_mem>>
          %dma_start3A_196 = arith.constant 0 : i32
          %dma_start3A_197 = arith.constant 0 : i32
          %dma_start3A_198 = tpu.memref_slice %arg16[%dma_start3A_196, %dma_start3A_197] : memref<256x32xbf16, #tpu.memory_space<vmem>> -> memref<128x32xbf16, #tpu.memory_space<vmem>>
          %dma_start3A_199 = arith.constant 0 : i32
          %dma_start3A_200 = tpu.memref_slice %arg11[%run_scoped3A_193, %run_scoped3A_194, %dma_start3A_199] : memref<4x2x128xi32, #tpu.memory_space<vmem>> -> memref<1x1x128xi32, #tpu.memory_space<vmem>>
          %dma_start3A_201 = tpu.memref_squeeze %dma_start3A_200 : memref<1x1x128xi32, #tpu.memory_space<vmem>> -> memref<128xi32, #tpu.memory_space<vmem>>
          %dma_start3A_202 = arith.constant 0 : i32
          %dma_start3A_203 = arith.constant 0 : i32
          %dma_start3A_204 = tpu.memref_slice %arg19[%dma_start3A_202, %dma_start3A_203] : memref<10008x32xbf16, #tpu.memory_space<vmem_shared>> -> memref<10008x32xbf16, #tpu.memory_space<vmem_shared>>
          tpu.enqueue_indirect_dma source(%dma_start3A_198 : memref<128x32xbf16, #tpu.memory_space<vmem>>) target(%dma_start3A_204 : memref<10008x32xbf16, #tpu.memory_space<vmem_shared>>) offsets(%dma_start3A_201 : memref<128xi32, #tpu.memory_space<vmem>>) semaphore(%run_scoped3A_195 : memref<!tpu.dma_semaphore, #tpu.memory_space<semaphore_mem>>) {add = true}
          %dma_wait3A_205 = arith.constant 0 : i32
          %dma_wait3A_206 = arith.constant 0 : i32
          %dma_wait3A_207 = tpu.memref_slice %arg16[%dma_wait3A_205, %dma_wait3A_206] : memref<256x32xbf16, #tpu.memory_space<vmem>> -> memref<128x32xbf16, #tpu.memory_space<vmem>>
          %dma_wait3A_208 = arith.constant 0 : i32
          %dma_wait3A_209 = tpu.memref_slice %arg11[%run_scoped3A_193, %run_scoped3A_194, %dma_wait3A_208] : memref<4x2x128xi32, #tpu.memory_space<vmem>> -> memref<1x1x128xi32, #tpu.memory_space<vmem>>
          %dma_wait3A_210 = tpu.memref_squeeze %dma_wait3A_209 : memref<1x1x128xi32, #tpu.memory_space<vmem>> -> memref<128xi32, #tpu.memory_space<vmem>>
          %dma_wait3A_211 = arith.constant 0 : i32
          %dma_wait3A_212 = arith.constant 0 : i32
          %dma_wait3A_213 = tpu.memref_slice %arg19[%dma_wait3A_211, %dma_wait3A_212] : memref<10008x32xbf16, #tpu.memory_space<vmem_shared>> -> memref<10008x32xbf16, #tpu.memory_space<vmem_shared>>
          tpu.wait_indirect_dma semaphore(%run_scoped3A_195 : memref<!tpu.dma_semaphore, #tpu.memory_space<semaphore_mem>>) src(%dma_wait3A_207 : memref<128x32xbf16, #tpu.memory_space<vmem>>) dst(%dma_wait3A_213 : memref<10008x32xbf16, #tpu.memory_space<vmem_shared>>)
          tpu.yield
        }) : () -> ()
      } else {
      }
    }
    %scan3A_28 = arith.constant 20 : i32
    %barrier3A_29 = arith.constant 0 : index
    tpu.barrier barrier_id(%barrier3A_29)
    %add3A_30 = arith.constant 0 : i32
    %add3A_31 = arith.addi %mul3A_2, %add3A_30 : i32
    "tpu.region"() ({
      %run_scoped3A = tpu.sem_alloc : memref<!tpu.dma_semaphore, #tpu.memory_space<semaphore_mem>>
      %dma_start3A = arith.constant 0 : i32
      %dma_start3A_45 = arith.constant 0 : i32
      %dma_start3A_46 = tpu.memref_slice %arg12[%dma_start3A, %dma_start3A_45] : memref<256x64xbf16, #tpu.memory_space<vmem>> -> memref<128x64xbf16, #tpu.memory_space<vmem>>
      %dma_start3A_47 = arith.constant 0 : i32
      %dma_start3A_48 = tpu.memref_slice %arg18[%add3A_31, %dma_start3A_47] : memref<10008x64xbf16, #tpu.memory_space<vmem_shared>> -> memref<128x64xbf16, #tpu.memory_space<vmem_shared>>
      %dma_start3A_49 = arith.constant 0 : i32
      %dma_start3A_50 = arith.constant 0 : i32
      %dma_start3A_51 = tpu.memref_slice %arg12[%dma_start3A_49, %dma_start3A_50] : memref<256x64xbf16, #tpu.memory_space<vmem>> -> memref<128x64xbf16, #tpu.memory_space<vmem>>
      %dma_start3A_52 = arith.constant 0 : i32
      %dma_start3A_53 = tpu.memref_slice %arg18[%add3A_31, %dma_start3A_52] : memref<10008x64xbf16, #tpu.memory_space<vmem_shared>> -> memref<128x64xbf16, #tpu.memory_space<vmem_shared>>
      tpu.enqueue_dma source(%dma_start3A_53 : memref<128x64xbf16, #tpu.memory_space<vmem_shared>>) target(%dma_start3A_51 : memref<128x64xbf16, #tpu.memory_space<vmem>>) target_semaphore(%run_scoped3A : memref<!tpu.dma_semaphore, #tpu.memory_space<semaphore_mem>>)
      %dma_wait3A = arith.constant 0 : i32
      %dma_wait3A_54 = arith.constant 0 : i32
      %dma_wait3A_55 = tpu.memref_slice %arg12[%dma_wait3A, %dma_wait3A_54] : memref<256x64xbf16, #tpu.memory_space<vmem>> -> memref<128x64xbf16, #tpu.memory_space<vmem>>
      %dma_wait3A_56 = arith.constant 0 : i32
      %dma_wait3A_57 = tpu.memref_slice %arg18[%add3A_31, %dma_wait3A_56] : memref<10008x64xbf16, #tpu.memory_space<vmem_shared>> -> memref<128x64xbf16, #tpu.memory_space<vmem_shared>>
      %dma_wait3A_58 = arith.constant 0 : i32
      %dma_wait3A_59 = arith.constant 0 : i32
      %dma_wait3A_60 = tpu.memref_slice %arg12[%dma_wait3A_58, %dma_wait3A_59] : memref<256x64xbf16, #tpu.memory_space<vmem>> -> memref<128x64xbf16, #tpu.memory_space<vmem>>
      %dma_wait3A_61 = arith.constant 0 : i32
      %dma_wait3A_62 = tpu.memref_slice %arg18[%add3A_31, %dma_wait3A_61] : memref<10008x64xbf16, #tpu.memory_space<vmem_shared>> -> memref<128x64xbf16, #tpu.memory_space<vmem_shared>>
      tpu.wait_dma2 semaphore(%run_scoped3A : memref<!tpu.dma_semaphore, #tpu.memory_space<semaphore_mem>>) src(%dma_wait3A_62 : memref<128x64xbf16, #tpu.memory_space<vmem_shared>>) dst(%dma_wait3A_60 : memref<128x64xbf16, #tpu.memory_space<vmem>>)
      tpu.yield
    }) : () -> ()
    "tpu.region"() ({
      %run_scoped3A = tpu.sem_alloc : memref<!tpu.dma_semaphore, #tpu.memory_space<semaphore_mem>>
      %dma_start3A = arith.constant 0 : i32
      %dma_start3A_45 = arith.constant 0 : i32
      %dma_start3A_46 = tpu.memref_slice %arg12[%dma_start3A, %dma_start3A_45] : memref<256x64xbf16, #tpu.memory_space<vmem>> -> memref<128x64xbf16, #tpu.memory_space<vmem>>
      %dma_start3A_47 = arith.constant 0 : i32
      %dma_start3A_48 = tpu.memref_slice %arg8[%arg0, %add3A_31, %dma_start3A_47] : memref<2x10000x64xbf16, #tpu.memory_space<hbm>> -> memref<1x128x64xbf16, #tpu.memory_space<hbm>>
      %dma_start3A_49 = tpu.memref_squeeze %dma_start3A_48 : memref<1x128x64xbf16, #tpu.memory_space<hbm>> -> memref<128x64xbf16, #tpu.memory_space<hbm>>
      %dma_start3A_50 = arith.constant 0 : i32
      %dma_start3A_51 = tpu.memref_slice %arg8[%arg0, %add3A_31, %dma_start3A_50] : memref<2x10000x64xbf16, #tpu.memory_space<hbm>> -> memref<1x128x64xbf16, #tpu.memory_space<hbm>>
      %dma_start3A_52 = tpu.memref_squeeze %dma_start3A_51 : memref<1x128x64xbf16, #tpu.memory_space<hbm>> -> memref<128x64xbf16, #tpu.memory_space<hbm>>
      %dma_start3A_53 = arith.constant 0 : i32
      %dma_start3A_54 = arith.constant 0 : i32
      %dma_start3A_55 = tpu.memref_slice %arg12[%dma_start3A_53, %dma_start3A_54] : memref<256x64xbf16, #tpu.memory_space<vmem>> -> memref<128x64xbf16, #tpu.memory_space<vmem>>
      tpu.enqueue_dma source(%dma_start3A_55 : memref<128x64xbf16, #tpu.memory_space<vmem>>) target(%dma_start3A_52 : memref<128x64xbf16, #tpu.memory_space<hbm>>) target_semaphore(%run_scoped3A : memref<!tpu.dma_semaphore, #tpu.memory_space<semaphore_mem>>)
      %dma_wait3A = arith.constant 0 : i32
      %dma_wait3A_56 = arith.constant 0 : i32
      %dma_wait3A_57 = tpu.memref_slice %arg12[%dma_wait3A, %dma_wait3A_56] : memref<256x64xbf16, #tpu.memory_space<vmem>> -> memref<128x64xbf16, #tpu.memory_space<vmem>>
      %dma_wait3A_58 = arith.constant 0 : i32
      %dma_wait3A_59 = tpu.memref_slice %arg8[%arg0, %add3A_31, %dma_wait3A_58] : memref<2x10000x64xbf16, #tpu.memory_space<hbm>> -> memref<1x128x64xbf16, #tpu.memory_space<hbm>>
      %dma_wait3A_60 = tpu.memref_squeeze %dma_wait3A_59 : memref<1x128x64xbf16, #tpu.memory_space<hbm>> -> memref<128x64xbf16, #tpu.memory_space<hbm>>
      %dma_wait3A_61 = arith.constant 0 : i32
      %dma_wait3A_62 = tpu.memref_slice %arg8[%arg0, %add3A_31, %dma_wait3A_61] : memref<2x10000x64xbf16, #tpu.memory_space<hbm>> -> memref<1x128x64xbf16, #tpu.memory_space<hbm>>
      %dma_wait3A_63 = tpu.memref_squeeze %dma_wait3A_62 : memref<1x128x64xbf16, #tpu.memory_space<hbm>> -> memref<128x64xbf16, #tpu.memory_space<hbm>>
      %dma_wait3A_64 = arith.constant 0 : i32
      %dma_wait3A_65 = arith.constant 0 : i32
      %dma_wait3A_66 = tpu.memref_slice %arg12[%dma_wait3A_64, %dma_wait3A_65] : memref<256x64xbf16, #tpu.memory_space<vmem>> -> memref<128x64xbf16, #tpu.memory_space<vmem>>
      tpu.wait_dma2 semaphore(%run_scoped3A : memref<!tpu.dma_semaphore, #tpu.memory_space<semaphore_mem>>) src(%dma_wait3A_66 : memref<128x64xbf16, #tpu.memory_space<vmem>>) dst(%dma_wait3A_63 : memref<128x64xbf16, #tpu.memory_space<hbm>>)
      tpu.yield
    }) : () -> ()
    "tpu.region"() ({
      %run_scoped3A = tpu.sem_alloc : memref<!tpu.dma_semaphore, #tpu.memory_space<semaphore_mem>>
      %dma_start3A = arith.constant 0 : i32
      %dma_start3A_45 = arith.constant 0 : i32
      %dma_start3A_46 = tpu.memref_slice %arg17[%dma_start3A, %dma_start3A_45] : memref<256x32xbf16, #tpu.memory_space<vmem>> -> memref<128x32xbf16, #tpu.memory_space<vmem>>
      %dma_start3A_47 = arith.constant 0 : i32
      %dma_start3A_48 = tpu.memref_slice %arg19[%add3A_31, %dma_start3A_47] : memref<10008x32xbf16, #tpu.memory_space<vmem_shared>> -> memref<128x32xbf16, #tpu.memory_space<vmem_shared>>
      %dma_start3A_49 = arith.constant 0 : i32
      %dma_start3A_50 = arith.constant 0 : i32
      %dma_start3A_51 = tpu.memref_slice %arg17[%dma_start3A_49, %dma_start3A_50] : memref<256x32xbf16, #tpu.memory_space<vmem>> -> memref<128x32xbf16, #tpu.memory_space<vmem>>
      %dma_start3A_52 = arith.constant 0 : i32
      %dma_start3A_53 = tpu.memref_slice %arg19[%add3A_31, %dma_start3A_52] : memref<10008x32xbf16, #tpu.memory_space<vmem_shared>> -> memref<128x32xbf16, #tpu.memory_space<vmem_shared>>
      tpu.enqueue_dma source(%dma_start3A_53 : memref<128x32xbf16, #tpu.memory_space<vmem_shared>>) target(%dma_start3A_51 : memref<128x32xbf16, #tpu.memory_space<vmem>>) target_semaphore(%run_scoped3A : memref<!tpu.dma_semaphore, #tpu.memory_space<semaphore_mem>>)
      %dma_wait3A = arith.constant 0 : i32
      %dma_wait3A_54 = arith.constant 0 : i32
      %dma_wait3A_55 = tpu.memref_slice %arg17[%dma_wait3A, %dma_wait3A_54] : memref<256x32xbf16, #tpu.memory_space<vmem>> -> memref<128x32xbf16, #tpu.memory_space<vmem>>
      %dma_wait3A_56 = arith.constant 0 : i32
      %dma_wait3A_57 = tpu.memref_slice %arg19[%add3A_31, %dma_wait3A_56] : memref<10008x32xbf16, #tpu.memory_space<vmem_shared>> -> memref<128x32xbf16, #tpu.memory_space<vmem_shared>>
      %dma_wait3A_58 = arith.constant 0 : i32
      %dma_wait3A_59 = arith.constant 0 : i32
      %dma_wait3A_60 = tpu.memref_slice %arg17[%dma_wait3A_58, %dma_wait3A_59] : memref<256x32xbf16, #tpu.memory_space<vmem>> -> memref<128x32xbf16, #tpu.memory_space<vmem>>
      %dma_wait3A_61 = arith.constant 0 : i32
      %dma_wait3A_62 = tpu.memref_slice %arg19[%add3A_31, %dma_wait3A_61] : memref<10008x32xbf16, #tpu.memory_space<vmem_shared>> -> memref<128x32xbf16, #tpu.memory_space<vmem_shared>>
      tpu.wait_dma2 semaphore(%run_scoped3A : memref<!tpu.dma_semaphore, #tpu.memory_space<semaphore_mem>>) src(%dma_wait3A_62 : memref<128x32xbf16, #tpu.memory_space<vmem_shared>>) dst(%dma_wait3A_60 : memref<128x32xbf16, #tpu.memory_space<vmem>>)
      tpu.yield
    }) : () -> ()
    "tpu.region"() ({
      %run_scoped3A = tpu.sem_alloc : memref<!tpu.dma_semaphore, #tpu.memory_space<semaphore_mem>>
      %dma_start3A = arith.constant 0 : i32
      %dma_start3A_45 = arith.constant 0 : i32
      %dma_start3A_46 = tpu.memref_slice %arg17[%dma_start3A, %dma_start3A_45] : memref<256x32xbf16, #tpu.memory_space<vmem>> -> memref<128x32xbf16, #tpu.memory_space<vmem>>
      %dma_start3A_47 = arith.constant 0 : i32
      %dma_start3A_48 = tpu.memref_slice %arg9[%arg0, %add3A_31, %dma_start3A_47] : memref<2x10000x32xbf16, #tpu.memory_space<hbm>> -> memref<1x128x32xbf16, #tpu.memory_space<hbm>>
      %dma_start3A_49 = tpu.memref_squeeze %dma_start3A_48 : memref<1x128x32xbf16, #tpu.memory_space<hbm>> -> memref<128x32xbf16, #tpu.memory_space<hbm>>
      %dma_start3A_50 = arith.constant 0 : i32
      %dma_start3A_51 = tpu.memref_slice %arg9[%arg0, %add3A_31, %dma_start3A_50] : memref<2x10000x32xbf16, #tpu.memory_space<hbm>> -> memref<1x128x32xbf16, #tpu.memory_space<hbm>>
      %dma_start3A_52 = tpu.memref_squeeze %dma_start3A_51 : memref<1x128x32xbf16, #tpu.memory_space<hbm>> -> memref<128x32xbf16, #tpu.memory_space<hbm>>
      %dma_start3A_53 = arith.constant 0 : i32
      %dma_start3A_54 = arith.constant 0 : i32
      %dma_start3A_55 = tpu.memref_slice %arg17[%dma_start3A_53, %dma_start3A_54] : memref<256x32xbf16, #tpu.memory_space<vmem>> -> memref<128x32xbf16, #tpu.memory_space<vmem>>
      tpu.enqueue_dma source(%dma_start3A_55 : memref<128x32xbf16, #tpu.memory_space<vmem>>) target(%dma_start3A_52 : memref<128x32xbf16, #tpu.memory_space<hbm>>) target_semaphore(%run_scoped3A : memref<!tpu.dma_semaphore, #tpu.memory_space<semaphore_mem>>)
      %dma_wait3A = arith.constant 0 : i32
      %dma_wait3A_56 = arith.constant 0 : i32
      %dma_wait3A_57 = tpu.memref_slice %arg17[%dma_wait3A, %dma_wait3A_56] : memref<256x32xbf16, #tpu.memory_space<vmem>> -> memref<128x32xbf16, #tpu.memory_space<vmem>>
      %dma_wait3A_58 = arith.constant 0 : i32
      %dma_wait3A_59 = tpu.memref_slice %arg9[%arg0, %add3A_31, %dma_wait3A_58] : memref<2x10000x32xbf16, #tpu.memory_space<hbm>> -> memref<1x128x32xbf16, #tpu.memory_space<hbm>>
      %dma_wait3A_60 = tpu.memref_squeeze %dma_wait3A_59 : memref<1x128x32xbf16, #tpu.memory_space<hbm>> -> memref<128x32xbf16, #tpu.memory_space<hbm>>
      %dma_wait3A_61 = arith.constant 0 : i32
      %dma_wait3A_62 = tpu.memref_slice %arg9[%arg0, %add3A_31, %dma_wait3A_61] : memref<2x10000x32xbf16, #tpu.memory_space<hbm>> -> memref<1x128x32xbf16, #tpu.memory_space<hbm>>
      %dma_wait3A_63 = tpu.memref_squeeze %dma_wait3A_62 : memref<1x128x32xbf16, #tpu.memory_space<hbm>> -> memref<128x32xbf16, #tpu.memory_space<hbm>>
      %dma_wait3A_64 = arith.constant 0 : i32
      %dma_wait3A_65 = arith.constant 0 : i32
      %dma_wait3A_66 = tpu.memref_slice %arg17[%dma_wait3A_64, %dma_wait3A_65] : memref<256x32xbf16, #tpu.memory_space<vmem>> -> memref<128x32xbf16, #tpu.memory_space<vmem>>
      tpu.wait_dma2 semaphore(%run_scoped3A : memref<!tpu.dma_semaphore, #tpu.memory_space<semaphore_mem>>) src(%dma_wait3A_66 : memref<128x32xbf16, #tpu.memory_space<vmem>>) dst(%dma_wait3A_63 : memref<128x32xbf16, #tpu.memory_space<hbm>>)
      tpu.yield
    }) : () -> ()
    %add3A_32 = arith.constant 128 : i32
    %add3A_33 = arith.addi %mul3A_2, %add3A_32 : i32
    "tpu.region"() ({
      %run_scoped3A = tpu.sem_alloc : memref<!tpu.dma_semaphore, #tpu.memory_space<semaphore_mem>>
      %dma_start3A = arith.constant 0 : i32
      %dma_start3A_45 = arith.constant 0 : i32
      %dma_start3A_46 = tpu.memref_slice %arg12[%dma_start3A, %dma_start3A_45] : memref<256x64xbf16, #tpu.memory_space<vmem>> -> memref<128x64xbf16, #tpu.memory_space<vmem>>
      %dma_start3A_47 = arith.constant 0 : i32
      %dma_start3A_48 = tpu.memref_slice %arg18[%add3A_33, %dma_start3A_47] : memref<10008x64xbf16, #tpu.memory_space<vmem_shared>> -> memref<128x64xbf16, #tpu.memory_space<vmem_shared>>
      %dma_start3A_49 = arith.constant 0 : i32
      %dma_start3A_50 = arith.constant 0 : i32
      %dma_start3A_51 = tpu.memref_slice %arg12[%dma_start3A_49, %dma_start3A_50] : memref<256x64xbf16, #tpu.memory_space<vmem>> -> memref<128x64xbf16, #tpu.memory_space<vmem>>
      %dma_start3A_52 = arith.constant 0 : i32
      %dma_start3A_53 = tpu.memref_slice %arg18[%add3A_33, %dma_start3A_52] : memref<10008x64xbf16, #tpu.memory_space<vmem_shared>> -> memref<128x64xbf16, #tpu.memory_space<vmem_shared>>
      tpu.enqueue_dma source(%dma_start3A_53 : memref<128x64xbf16, #tpu.memory_space<vmem_shared>>) target(%dma_start3A_51 : memref<128x64xbf16, #tpu.memory_space<vmem>>) target_semaphore(%run_scoped3A : memref<!tpu.dma_semaphore, #tpu.memory_space<semaphore_mem>>)
      %dma_wait3A = arith.constant 0 : i32
      %dma_wait3A_54 = arith.constant 0 : i32
      %dma_wait3A_55 = tpu.memref_slice %arg12[%dma_wait3A, %dma_wait3A_54] : memref<256x64xbf16, #tpu.memory_space<vmem>> -> memref<128x64xbf16, #tpu.memory_space<vmem>>
      %dma_wait3A_56 = arith.constant 0 : i32
      %dma_wait3A_57 = tpu.memref_slice %arg18[%add3A_33, %dma_wait3A_56] : memref<10008x64xbf16, #tpu.memory_space<vmem_shared>> -> memref<128x64xbf16, #tpu.memory_space<vmem_shared>>
      %dma_wait3A_58 = arith.constant 0 : i32
      %dma_wait3A_59 = arith.constant 0 : i32
      %dma_wait3A_60 = tpu.memref_slice %arg12[%dma_wait3A_58, %dma_wait3A_59] : memref<256x64xbf16, #tpu.memory_space<vmem>> -> memref<128x64xbf16, #tpu.memory_space<vmem>>
      %dma_wait3A_61 = arith.constant 0 : i32
      %dma_wait3A_62 = tpu.memref_slice %arg18[%add3A_33, %dma_wait3A_61] : memref<10008x64xbf16, #tpu.memory_space<vmem_shared>> -> memref<128x64xbf16, #tpu.memory_space<vmem_shared>>
      tpu.wait_dma2 semaphore(%run_scoped3A : memref<!tpu.dma_semaphore, #tpu.memory_space<semaphore_mem>>) src(%dma_wait3A_62 : memref<128x64xbf16, #tpu.memory_space<vmem_shared>>) dst(%dma_wait3A_60 : memref<128x64xbf16, #tpu.memory_space<vmem>>)
      tpu.yield
    }) : () -> ()
    "tpu.region"() ({
      %run_scoped3A = tpu.sem_alloc : memref<!tpu.dma_semaphore, #tpu.memory_space<semaphore_mem>>
      %dma_start3A = arith.constant 0 : i32
      %dma_start3A_45 = arith.constant 0 : i32
      %dma_start3A_46 = tpu.memref_slice %arg12[%dma_start3A, %dma_start3A_45] : memref<256x64xbf16, #tpu.memory_space<vmem>> -> memref<128x64xbf16, #tpu.memory_space<vmem>>
      %dma_start3A_47 = arith.constant 0 : i32
      %dma_start3A_48 = tpu.memref_slice %arg8[%arg0, %add3A_33, %dma_start3A_47] : memref<2x10000x64xbf16, #tpu.memory_space<hbm>> -> memref<1x128x64xbf16, #tpu.memory_space<hbm>>
      %dma_start3A_49 = tpu.memref_squeeze %dma_start3A_48 : memref<1x128x64xbf16, #tpu.memory_space<hbm>> -> memref<128x64xbf16, #tpu.memory_space<hbm>>
      %dma_start3A_50 = arith.constant 0 : i32
      %dma_start3A_51 = tpu.memref_slice %arg8[%arg0, %add3A_33, %dma_start3A_50] : memref<2x10000x64xbf16, #tpu.memory_space<hbm>> -> memref<1x128x64xbf16, #tpu.memory_space<hbm>>
      %dma_start3A_52 = tpu.memref_squeeze %dma_start3A_51 : memref<1x128x64xbf16, #tpu.memory_space<hbm>> -> memref<128x64xbf16, #tpu.memory_space<hbm>>
      %dma_start3A_53 = arith.constant 0 : i32
      %dma_start3A_54 = arith.constant 0 : i32
      %dma_start3A_55 = tpu.memref_slice %arg12[%dma_start3A_53, %dma_start3A_54] : memref<256x64xbf16, #tpu.memory_space<vmem>> -> memref<128x64xbf16, #tpu.memory_space<vmem>>
      tpu.enqueue_dma source(%dma_start3A_55 : memref<128x64xbf16, #tpu.memory_space<vmem>>) target(%dma_start3A_52 : memref<128x64xbf16, #tpu.memory_space<hbm>>) target_semaphore(%run_scoped3A : memref<!tpu.dma_semaphore, #tpu.memory_space<semaphore_mem>>)
      %dma_wait3A = arith.constant 0 : i32
      %dma_wait3A_56 = arith.constant 0 : i32
      %dma_wait3A_57 = tpu.memref_slice %arg12[%dma_wait3A, %dma_wait3A_56] : memref<256x64xbf16, #tpu.memory_space<vmem>> -> memref<128x64xbf16, #tpu.memory_space<vmem>>
      %dma_wait3A_58 = arith.constant 0 : i32
      %dma_wait3A_59 = tpu.memref_slice %arg8[%arg0, %add3A_33, %dma_wait3A_58] : memref<2x10000x64xbf16, #tpu.memory_space<hbm>> -> memref<1x128x64xbf16, #tpu.memory_space<hbm>>
      %dma_wait3A_60 = tpu.memref_squeeze %dma_wait3A_59 : memref<1x128x64xbf16, #tpu.memory_space<hbm>> -> memref<128x64xbf16, #tpu.memory_space<hbm>>
      %dma_wait3A_61 = arith.constant 0 : i32
      %dma_wait3A_62 = tpu.memref_slice %arg8[%arg0, %add3A_33, %dma_wait3A_61] : memref<2x10000x64xbf16, #tpu.memory_space<hbm>> -> memref<1x128x64xbf16, #tpu.memory_space<hbm>>
      %dma_wait3A_63 = tpu.memref_squeeze %dma_wait3A_62 : memref<1x128x64xbf16, #tpu.memory_space<hbm>> -> memref<128x64xbf16, #tpu.memory_space<hbm>>
      %dma_wait3A_64 = arith.constant 0 : i32
      %dma_wait3A_65 = arith.constant 0 : i32
      %dma_wait3A_66 = tpu.memref_slice %arg12[%dma_wait3A_64, %dma_wait3A_65] : memref<256x64xbf16, #tpu.memory_space<vmem>> -> memref<128x64xbf16, #tpu.memory_space<vmem>>
      tpu.wait_dma2 semaphore(%run_scoped3A : memref<!tpu.dma_semaphore, #tpu.memory_space<semaphore_mem>>) src(%dma_wait3A_66 : memref<128x64xbf16, #tpu.memory_space<vmem>>) dst(%dma_wait3A_63 : memref<128x64xbf16, #tpu.memory_space<hbm>>)
      tpu.yield
    }) : () -> ()
    "tpu.region"() ({
      %run_scoped3A = tpu.sem_alloc : memref<!tpu.dma_semaphore, #tpu.memory_space<semaphore_mem>>
      %dma_start3A = arith.constant 0 : i32
      %dma_start3A_45 = arith.constant 0 : i32
      %dma_start3A_46 = tpu.memref_slice %arg17[%dma_start3A, %dma_start3A_45] : memref<256x32xbf16, #tpu.memory_space<vmem>> -> memref<128x32xbf16, #tpu.memory_space<vmem>>
      %dma_start3A_47 = arith.constant 0 : i32
      %dma_start3A_48 = tpu.memref_slice %arg19[%add3A_33, %dma_start3A_47] : memref<10008x32xbf16, #tpu.memory_space<vmem_shared>> -> memref<128x32xbf16, #tpu.memory_space<vmem_shared>>
      %dma_start3A_49 = arith.constant 0 : i32
      %dma_start3A_50 = arith.constant 0 : i32
      %dma_start3A_51 = tpu.memref_slice %arg17[%dma_start3A_49, %dma_start3A_50] : memref<256x32xbf16, #tpu.memory_space<vmem>> -> memref<128x32xbf16, #tpu.memory_space<vmem>>
      %dma_start3A_52 = arith.constant 0 : i32
      %dma_start3A_53 = tpu.memref_slice %arg19[%add3A_33, %dma_start3A_52] : memref<10008x32xbf16, #tpu.memory_space<vmem_shared>> -> memref<128x32xbf16, #tpu.memory_space<vmem_shared>>
      tpu.enqueue_dma source(%dma_start3A_53 : memref<128x32xbf16, #tpu.memory_space<vmem_shared>>) target(%dma_start3A_51 : memref<128x32xbf16, #tpu.memory_space<vmem>>) target_semaphore(%run_scoped3A : memref<!tpu.dma_semaphore, #tpu.memory_space<semaphore_mem>>)
      %dma_wait3A = arith.constant 0 : i32
      %dma_wait3A_54 = arith.constant 0 : i32
      %dma_wait3A_55 = tpu.memref_slice %arg17[%dma_wait3A, %dma_wait3A_54] : memref<256x32xbf16, #tpu.memory_space<vmem>> -> memref<128x32xbf16, #tpu.memory_space<vmem>>
      %dma_wait3A_56 = arith.constant 0 : i32
      %dma_wait3A_57 = tpu.memref_slice %arg19[%add3A_33, %dma_wait3A_56] : memref<10008x32xbf16, #tpu.memory_space<vmem_shared>> -> memref<128x32xbf16, #tpu.memory_space<vmem_shared>>
      %dma_wait3A_58 = arith.constant 0 : i32
      %dma_wait3A_59 = arith.constant 0 : i32
      %dma_wait3A_60 = tpu.memref_slice %arg17[%dma_wait3A_58, %dma_wait3A_59] : memref<256x32xbf16, #tpu.memory_space<vmem>> -> memref<128x32xbf16, #tpu.memory_space<vmem>>
      %dma_wait3A_61 = arith.constant 0 : i32
      %dma_wait3A_62 = tpu.memref_slice %arg19[%add3A_33, %dma_wait3A_61] : memref<10008x32xbf16, #tpu.memory_space<vmem_shared>> -> memref<128x32xbf16, #tpu.memory_space<vmem_shared>>
      tpu.wait_dma2 semaphore(%run_scoped3A : memref<!tpu.dma_semaphore, #tpu.memory_space<semaphore_mem>>) src(%dma_wait3A_62 : memref<128x32xbf16, #tpu.memory_space<vmem_shared>>) dst(%dma_wait3A_60 : memref<128x32xbf16, #tpu.memory_space<vmem>>)
      tpu.yield
    }) : () -> ()
    "tpu.region"() ({
      %run_scoped3A = tpu.sem_alloc : memref<!tpu.dma_semaphore, #tpu.memory_space<semaphore_mem>>
      %dma_start3A = arith.constant 0 : i32
      %dma_start3A_45 = arith.constant 0 : i32
      %dma_start3A_46 = tpu.memref_slice %arg17[%dma_start3A, %dma_start3A_45] : memref<256x32xbf16, #tpu.memory_space<vmem>> -> memref<128x32xbf16, #tpu.memory_space<vmem>>
      %dma_start3A_47 = arith.constant 0 : i32
      %dma_start3A_48 = tpu.memref_slice %arg9[%arg0, %add3A_33, %dma_start3A_47] : memref<2x10000x32xbf16, #tpu.memory_space<hbm>> -> memref<1x128x32xbf16, #tpu.memory_space<hbm>>
      %dma_start3A_49 = tpu.memref_squeeze %dma_start3A_48 : memref<1x128x32xbf16, #tpu.memory_space<hbm>> -> memref<128x32xbf16, #tpu.memory_space<hbm>>
      %dma_start3A_50 = arith.constant 0 : i32
      %dma_start3A_51 = tpu.memref_slice %arg9[%arg0, %add3A_33, %dma_start3A_50] : memref<2x10000x32xbf16, #tpu.memory_space<hbm>> -> memref<1x128x32xbf16, #tpu.memory_space<hbm>>
      %dma_start3A_52 = tpu.memref_squeeze %dma_start3A_51 : memref<1x128x32xbf16, #tpu.memory_space<hbm>> -> memref<128x32xbf16, #tpu.memory_space<hbm>>
      %dma_start3A_53 = arith.constant 0 : i32
      %dma_start3A_54 = arith.constant 0 : i32
      %dma_start3A_55 = tpu.memref_slice %arg17[%dma_start3A_53, %dma_start3A_54] : memref<256x32xbf16, #tpu.memory_space<vmem>> -> memref<128x32xbf16, #tpu.memory_space<vmem>>
      tpu.enqueue_dma source(%dma_start3A_55 : memref<128x32xbf16, #tpu.memory_space<vmem>>) target(%dma_start3A_52 : memref<128x32xbf16, #tpu.memory_space<hbm>>) target_semaphore(%run_scoped3A : memref<!tpu.dma_semaphore, #tpu.memory_space<semaphore_mem>>)
      %dma_wait3A = arith.constant 0 : i32
      %dma_wait3A_56 = arith.constant 0 : i32
      %dma_wait3A_57 = tpu.memref_slice %arg17[%dma_wait3A, %dma_wait3A_56] : memref<256x32xbf16, #tpu.memory_space<vmem>> -> memref<128x32xbf16, #tpu.memory_space<vmem>>
      %dma_wait3A_58 = arith.constant 0 : i32
      %dma_wait3A_59 = tpu.memref_slice %arg9[%arg0, %add3A_33, %dma_wait3A_58] : memref<2x10000x32xbf16, #tpu.memory_space<hbm>> -> memref<1x128x32xbf16, #tpu.memory_space<hbm>>
      %dma_wait3A_60 = tpu.memref_squeeze %dma_wait3A_59 : memref<1x128x32xbf16, #tpu.memory_space<hbm>> -> memref<128x32xbf16, #tpu.memory_space<hbm>>
      %dma_wait3A_61 = arith.constant 0 : i32
      %dma_wait3A_62 = tpu.memref_slice %arg9[%arg0, %add3A_33, %dma_wait3A_61] : memref<2x10000x32xbf16, #tpu.memory_space<hbm>> -> memref<1x128x32xbf16, #tpu.memory_space<hbm>>
      %dma_wait3A_63 = tpu.memref_squeeze %dma_wait3A_62 : memref<1x128x32xbf16, #tpu.memory_space<hbm>> -> memref<128x32xbf16, #tpu.memory_space<hbm>>
      %dma_wait3A_64 = arith.constant 0 : i32
      %dma_wait3A_65 = arith.constant 0 : i32
      %dma_wait3A_66 = tpu.memref_slice %arg17[%dma_wait3A_64, %dma_wait3A_65] : memref<256x32xbf16, #tpu.memory_space<vmem>> -> memref<128x32xbf16, #tpu.memory_space<vmem>>
      tpu.wait_dma2 semaphore(%run_scoped3A : memref<!tpu.dma_semaphore, #tpu.memory_space<semaphore_mem>>) src(%dma_wait3A_66 : memref<128x32xbf16, #tpu.memory_space<vmem>>) dst(%dma_wait3A_63 : memref<128x32xbf16, #tpu.memory_space<hbm>>)
      tpu.yield
    }) : () -> ()
    %add3A_34 = arith.constant 256 : i32
    %add3A_35 = arith.addi %mul3A_2, %add3A_34 : i32
    "tpu.region"() ({
      %run_scoped3A = tpu.sem_alloc : memref<!tpu.dma_semaphore, #tpu.memory_space<semaphore_mem>>
      %dma_start3A = arith.constant 0 : i32
      %dma_start3A_45 = arith.constant 0 : i32
      %dma_start3A_46 = tpu.memref_slice %arg12[%dma_start3A, %dma_start3A_45] : memref<256x64xbf16, #tpu.memory_space<vmem>> -> memref<128x64xbf16, #tpu.memory_space<vmem>>
      %dma_start3A_47 = arith.constant 0 : i32
      %dma_start3A_48 = tpu.memref_slice %arg18[%add3A_35, %dma_start3A_47] : memref<10008x64xbf16, #tpu.memory_space<vmem_shared>> -> memref<128x64xbf16, #tpu.memory_space<vmem_shared>>
      %dma_start3A_49 = arith.constant 0 : i32
      %dma_start3A_50 = arith.constant 0 : i32
      %dma_start3A_51 = tpu.memref_slice %arg12[%dma_start3A_49, %dma_start3A_50] : memref<256x64xbf16, #tpu.memory_space<vmem>> -> memref<128x64xbf16, #tpu.memory_space<vmem>>
      %dma_start3A_52 = arith.constant 0 : i32
      %dma_start3A_53 = tpu.memref_slice %arg18[%add3A_35, %dma_start3A_52] : memref<10008x64xbf16, #tpu.memory_space<vmem_shared>> -> memref<128x64xbf16, #tpu.memory_space<vmem_shared>>
      tpu.enqueue_dma source(%dma_start3A_53 : memref<128x64xbf16, #tpu.memory_space<vmem_shared>>) target(%dma_start3A_51 : memref<128x64xbf16, #tpu.memory_space<vmem>>) target_semaphore(%run_scoped3A : memref<!tpu.dma_semaphore, #tpu.memory_space<semaphore_mem>>)
      %dma_wait3A = arith.constant 0 : i32
      %dma_wait3A_54 = arith.constant 0 : i32
      %dma_wait3A_55 = tpu.memref_slice %arg12[%dma_wait3A, %dma_wait3A_54] : memref<256x64xbf16, #tpu.memory_space<vmem>> -> memref<128x64xbf16, #tpu.memory_space<vmem>>
      %dma_wait3A_56 = arith.constant 0 : i32
      %dma_wait3A_57 = tpu.memref_slice %arg18[%add3A_35, %dma_wait3A_56] : memref<10008x64xbf16, #tpu.memory_space<vmem_shared>> -> memref<128x64xbf16, #tpu.memory_space<vmem_shared>>
      %dma_wait3A_58 = arith.constant 0 : i32
      %dma_wait3A_59 = arith.constant 0 : i32
      %dma_wait3A_60 = tpu.memref_slice %arg12[%dma_wait3A_58, %dma_wait3A_59] : memref<256x64xbf16, #tpu.memory_space<vmem>> -> memref<128x64xbf16, #tpu.memory_space<vmem>>
      %dma_wait3A_61 = arith.constant 0 : i32
      %dma_wait3A_62 = tpu.memref_slice %arg18[%add3A_35, %dma_wait3A_61] : memref<10008x64xbf16, #tpu.memory_space<vmem_shared>> -> memref<128x64xbf16, #tpu.memory_space<vmem_shared>>
      tpu.wait_dma2 semaphore(%run_scoped3A : memref<!tpu.dma_semaphore, #tpu.memory_space<semaphore_mem>>) src(%dma_wait3A_62 : memref<128x64xbf16, #tpu.memory_space<vmem_shared>>) dst(%dma_wait3A_60 : memref<128x64xbf16, #tpu.memory_space<vmem>>)
      tpu.yield
    }) : () -> ()
    "tpu.region"() ({
      %run_scoped3A = tpu.sem_alloc : memref<!tpu.dma_semaphore, #tpu.memory_space<semaphore_mem>>
      %dma_start3A = arith.constant 0 : i32
      %dma_start3A_45 = arith.constant 0 : i32
      %dma_start3A_46 = tpu.memref_slice %arg12[%dma_start3A, %dma_start3A_45] : memref<256x64xbf16, #tpu.memory_space<vmem>> -> memref<128x64xbf16, #tpu.memory_space<vmem>>
      %dma_start3A_47 = arith.constant 0 : i32
      %dma_start3A_48 = tpu.memref_slice %arg8[%arg0, %add3A_35, %dma_start3A_47] : memref<2x10000x64xbf16, #tpu.memory_space<hbm>> -> memref<1x128x64xbf16, #tpu.memory_space<hbm>>
      %dma_start3A_49 = tpu.memref_squeeze %dma_start3A_48 : memref<1x128x64xbf16, #tpu.memory_space<hbm>> -> memref<128x64xbf16, #tpu.memory_space<hbm>>
      %dma_start3A_50 = arith.constant 0 : i32
      %dma_start3A_51 = tpu.memref_slice %arg8[%arg0, %add3A_35, %dma_start3A_50] : memref<2x10000x64xbf16, #tpu.memory_space<hbm>> -> memref<1x128x64xbf16, #tpu.memory_space<hbm>>
      %dma_start3A_52 = tpu.memref_squeeze %dma_start3A_51 : memref<1x128x64xbf16, #tpu.memory_space<hbm>> -> memref<128x64xbf16, #tpu.memory_space<hbm>>
      %dma_start3A_53 = arith.constant 0 : i32
      %dma_start3A_54 = arith.constant 0 : i32
      %dma_start3A_55 = tpu.memref_slice %arg12[%dma_start3A_53, %dma_start3A_54] : memref<256x64xbf16, #tpu.memory_space<vmem>> -> memref<128x64xbf16, #tpu.memory_space<vmem>>
      tpu.enqueue_dma source(%dma_start3A_55 : memref<128x64xbf16, #tpu.memory_space<vmem>>) target(%dma_start3A_52 : memref<128x64xbf16, #tpu.memory_space<hbm>>) target_semaphore(%run_scoped3A : memref<!tpu.dma_semaphore, #tpu.memory_space<semaphore_mem>>)
      %dma_wait3A = arith.constant 0 : i32
      %dma_wait3A_56 = arith.constant 0 : i32
      %dma_wait3A_57 = tpu.memref_slice %arg12[%dma_wait3A, %dma_wait3A_56] : memref<256x64xbf16, #tpu.memory_space<vmem>> -> memref<128x64xbf16, #tpu.memory_space<vmem>>
      %dma_wait3A_58 = arith.constant 0 : i32
      %dma_wait3A_59 = tpu.memref_slice %arg8[%arg0, %add3A_35, %dma_wait3A_58] : memref<2x10000x64xbf16, #tpu.memory_space<hbm>> -> memref<1x128x64xbf16, #tpu.memory_space<hbm>>
      %dma_wait3A_60 = tpu.memref_squeeze %dma_wait3A_59 : memref<1x128x64xbf16, #tpu.memory_space<hbm>> -> memref<128x64xbf16, #tpu.memory_space<hbm>>
      %dma_wait3A_61 = arith.constant 0 : i32
      %dma_wait3A_62 = tpu.memref_slice %arg8[%arg0, %add3A_35, %dma_wait3A_61] : memref<2x10000x64xbf16, #tpu.memory_space<hbm>> -> memref<1x128x64xbf16, #tpu.memory_space<hbm>>
      %dma_wait3A_63 = tpu.memref_squeeze %dma_wait3A_62 : memref<1x128x64xbf16, #tpu.memory_space<hbm>> -> memref<128x64xbf16, #tpu.memory_space<hbm>>
      %dma_wait3A_64 = arith.constant 0 : i32
      %dma_wait3A_65 = arith.constant 0 : i32
      %dma_wait3A_66 = tpu.memref_slice %arg12[%dma_wait3A_64, %dma_wait3A_65] : memref<256x64xbf16, #tpu.memory_space<vmem>> -> memref<128x64xbf16, #tpu.memory_space<vmem>>
      tpu.wait_dma2 semaphore(%run_scoped3A : memref<!tpu.dma_semaphore, #tpu.memory_space<semaphore_mem>>) src(%dma_wait3A_66 : memref<128x64xbf16, #tpu.memory_space<vmem>>) dst(%dma_wait3A_63 : memref<128x64xbf16, #tpu.memory_space<hbm>>)
      tpu.yield
    }) : () -> ()
    "tpu.region"() ({
      %run_scoped3A = tpu.sem_alloc : memref<!tpu.dma_semaphore, #tpu.memory_space<semaphore_mem>>
      %dma_start3A = arith.constant 0 : i32
      %dma_start3A_45 = arith.constant 0 : i32
      %dma_start3A_46 = tpu.memref_slice %arg17[%dma_start3A, %dma_start3A_45] : memref<256x32xbf16, #tpu.memory_space<vmem>> -> memref<128x32xbf16, #tpu.memory_space<vmem>>
      %dma_start3A_47 = arith.constant 0 : i32
      %dma_start3A_48 = tpu.memref_slice %arg19[%add3A_35, %dma_start3A_47] : memref<10008x32xbf16, #tpu.memory_space<vmem_shared>> -> memref<128x32xbf16, #tpu.memory_space<vmem_shared>>
      %dma_start3A_49 = arith.constant 0 : i32
      %dma_start3A_50 = arith.constant 0 : i32
      %dma_start3A_51 = tpu.memref_slice %arg17[%dma_start3A_49, %dma_start3A_50] : memref<256x32xbf16, #tpu.memory_space<vmem>> -> memref<128x32xbf16, #tpu.memory_space<vmem>>
      %dma_start3A_52 = arith.constant 0 : i32
      %dma_start3A_53 = tpu.memref_slice %arg19[%add3A_35, %dma_start3A_52] : memref<10008x32xbf16, #tpu.memory_space<vmem_shared>> -> memref<128x32xbf16, #tpu.memory_space<vmem_shared>>
      tpu.enqueue_dma source(%dma_start3A_53 : memref<128x32xbf16, #tpu.memory_space<vmem_shared>>) target(%dma_start3A_51 : memref<128x32xbf16, #tpu.memory_space<vmem>>) target_semaphore(%run_scoped3A : memref<!tpu.dma_semaphore, #tpu.memory_space<semaphore_mem>>)
      %dma_wait3A = arith.constant 0 : i32
      %dma_wait3A_54 = arith.constant 0 : i32
      %dma_wait3A_55 = tpu.memref_slice %arg17[%dma_wait3A, %dma_wait3A_54] : memref<256x32xbf16, #tpu.memory_space<vmem>> -> memref<128x32xbf16, #tpu.memory_space<vmem>>
      %dma_wait3A_56 = arith.constant 0 : i32
      %dma_wait3A_57 = tpu.memref_slice %arg19[%add3A_35, %dma_wait3A_56] : memref<10008x32xbf16, #tpu.memory_space<vmem_shared>> -> memref<128x32xbf16, #tpu.memory_space<vmem_shared>>
      %dma_wait3A_58 = arith.constant 0 : i32
      %dma_wait3A_59 = arith.constant 0 : i32
      %dma_wait3A_60 = tpu.memref_slice %arg17[%dma_wait3A_58, %dma_wait3A_59] : memref<256x32xbf16, #tpu.memory_space<vmem>> -> memref<128x32xbf16, #tpu.memory_space<vmem>>
      %dma_wait3A_61 = arith.constant 0 : i32
      %dma_wait3A_62 = tpu.memref_slice %arg19[%add3A_35, %dma_wait3A_61] : memref<10008x32xbf16, #tpu.memory_space<vmem_shared>> -> memref<128x32xbf16, #tpu.memory_space<vmem_shared>>
      tpu.wait_dma2 semaphore(%run_scoped3A : memref<!tpu.dma_semaphore, #tpu.memory_space<semaphore_mem>>) src(%dma_wait3A_62 : memref<128x32xbf16, #tpu.memory_space<vmem_shared>>) dst(%dma_wait3A_60 : memref<128x32xbf16, #tpu.memory_space<vmem>>)
      tpu.yield
    }) : () -> ()
    "tpu.region"() ({
      %run_scoped3A = tpu.sem_alloc : memref<!tpu.dma_semaphore, #tpu.memory_space<semaphore_mem>>
      %dma_start3A = arith.constant 0 : i32
      %dma_start3A_45 = arith.constant 0 : i32
      %dma_start3A_46 = tpu.memref_slice %arg17[%dma_start3A, %dma_start3A_45] : memref<256x32xbf16, #tpu.memory_space<vmem>> -> memref<128x32xbf16, #tpu.memory_space<vmem>>
      %dma_start3A_47 = arith.constant 0 : i32
      %dma_start3A_48 = tpu.memref_slice %arg9[%arg0, %add3A_35, %dma_start3A_47] : memref<2x10000x32xbf16, #tpu.memory_space<hbm>> -> memref<1x128x32xbf16, #tpu.memory_space<hbm>>
      %dma_start3A_49 = tpu.memref_squeeze %dma_start3A_48 : memref<1x128x32xbf16, #tpu.memory_space<hbm>> -> memref<128x32xbf16, #tpu.memory_space<hbm>>
      %dma_start3A_50 = arith.constant 0 : i32
      %dma_start3A_51 = tpu.memref_slice %arg9[%arg0, %add3A_35, %dma_start3A_50] : memref<2x10000x32xbf16, #tpu.memory_space<hbm>> -> memref<1x128x32xbf16, #tpu.memory_space<hbm>>
      %dma_start3A_52 = tpu.memref_squeeze %dma_start3A_51 : memref<1x128x32xbf16, #tpu.memory_space<hbm>> -> memref<128x32xbf16, #tpu.memory_space<hbm>>
      %dma_start3A_53 = arith.constant 0 : i32
      %dma_start3A_54 = arith.constant 0 : i32
      %dma_start3A_55 = tpu.memref_slice %arg17[%dma_start3A_53, %dma_start3A_54] : memref<256x32xbf16, #tpu.memory_space<vmem>> -> memref<128x32xbf16, #tpu.memory_space<vmem>>
      tpu.enqueue_dma source(%dma_start3A_55 : memref<128x32xbf16, #tpu.memory_space<vmem>>) target(%dma_start3A_52 : memref<128x32xbf16, #tpu.memory_space<hbm>>) target_semaphore(%run_scoped3A : memref<!tpu.dma_semaphore, #tpu.memory_space<semaphore_mem>>)
      %dma_wait3A = arith.constant 0 : i32
      %dma_wait3A_56 = arith.constant 0 : i32
      %dma_wait3A_57 = tpu.memref_slice %arg17[%dma_wait3A, %dma_wait3A_56] : memref<256x32xbf16, #tpu.memory_space<vmem>> -> memref<128x32xbf16, #tpu.memory_space<vmem>>
      %dma_wait3A_58 = arith.constant 0 : i32
      %dma_wait3A_59 = tpu.memref_slice %arg9[%arg0, %add3A_35, %dma_wait3A_58] : memref<2x10000x32xbf16, #tpu.memory_space<hbm>> -> memref<1x128x32xbf16, #tpu.memory_space<hbm>>
      %dma_wait3A_60 = tpu.memref_squeeze %dma_wait3A_59 : memref<1x128x32xbf16, #tpu.memory_space<hbm>> -> memref<128x32xbf16, #tpu.memory_space<hbm>>
      %dma_wait3A_61 = arith.constant 0 : i32
      %dma_wait3A_62 = tpu.memref_slice %arg9[%arg0, %add3A_35, %dma_wait3A_61] : memref<2x10000x32xbf16, #tpu.memory_space<hbm>> -> memref<1x128x32xbf16, #tpu.memory_space<hbm>>
      %dma_wait3A_63 = tpu.memref_squeeze %dma_wait3A_62 : memref<1x128x32xbf16, #tpu.memory_space<hbm>> -> memref<128x32xbf16, #tpu.memory_space<hbm>>
      %dma_wait3A_64 = arith.constant 0 : i32
      %dma_wait3A_65 = arith.constant 0 : i32
      %dma_wait3A_66 = tpu.memref_slice %arg17[%dma_wait3A_64, %dma_wait3A_65] : memref<256x32xbf16, #tpu.memory_space<vmem>> -> memref<128x32xbf16, #tpu.memory_space<vmem>>
      tpu.wait_dma2 semaphore(%run_scoped3A : memref<!tpu.dma_semaphore, #tpu.memory_space<semaphore_mem>>) src(%dma_wait3A_66 : memref<128x32xbf16, #tpu.memory_space<vmem>>) dst(%dma_wait3A_63 : memref<128x32xbf16, #tpu.memory_space<hbm>>)
      tpu.yield
    }) : () -> ()
    %add3A_36 = arith.constant 384 : i32
    %add3A_37 = arith.addi %mul3A_2, %add3A_36 : i32
    "tpu.region"() ({
      %run_scoped3A = tpu.sem_alloc : memref<!tpu.dma_semaphore, #tpu.memory_space<semaphore_mem>>
      %dma_start3A = arith.constant 0 : i32
      %dma_start3A_45 = arith.constant 0 : i32
      %dma_start3A_46 = tpu.memref_slice %arg12[%dma_start3A, %dma_start3A_45] : memref<256x64xbf16, #tpu.memory_space<vmem>> -> memref<128x64xbf16, #tpu.memory_space<vmem>>
      %dma_start3A_47 = arith.constant 0 : i32
      %dma_start3A_48 = tpu.memref_slice %arg18[%add3A_37, %dma_start3A_47] : memref<10008x64xbf16, #tpu.memory_space<vmem_shared>> -> memref<128x64xbf16, #tpu.memory_space<vmem_shared>>
      %dma_start3A_49 = arith.constant 0 : i32
      %dma_start3A_50 = arith.constant 0 : i32
      %dma_start3A_51 = tpu.memref_slice %arg12[%dma_start3A_49, %dma_start3A_50] : memref<256x64xbf16, #tpu.memory_space<vmem>> -> memref<128x64xbf16, #tpu.memory_space<vmem>>
      %dma_start3A_52 = arith.constant 0 : i32
      %dma_start3A_53 = tpu.memref_slice %arg18[%add3A_37, %dma_start3A_52] : memref<10008x64xbf16, #tpu.memory_space<vmem_shared>> -> memref<128x64xbf16, #tpu.memory_space<vmem_shared>>
      tpu.enqueue_dma source(%dma_start3A_53 : memref<128x64xbf16, #tpu.memory_space<vmem_shared>>) target(%dma_start3A_51 : memref<128x64xbf16, #tpu.memory_space<vmem>>) target_semaphore(%run_scoped3A : memref<!tpu.dma_semaphore, #tpu.memory_space<semaphore_mem>>)
      %dma_wait3A = arith.constant 0 : i32
      %dma_wait3A_54 = arith.constant 0 : i32
      %dma_wait3A_55 = tpu.memref_slice %arg12[%dma_wait3A, %dma_wait3A_54] : memref<256x64xbf16, #tpu.memory_space<vmem>> -> memref<128x64xbf16, #tpu.memory_space<vmem>>
      %dma_wait3A_56 = arith.constant 0 : i32
      %dma_wait3A_57 = tpu.memref_slice %arg18[%add3A_37, %dma_wait3A_56] : memref<10008x64xbf16, #tpu.memory_space<vmem_shared>> -> memref<128x64xbf16, #tpu.memory_space<vmem_shared>>
      %dma_wait3A_58 = arith.constant 0 : i32
      %dma_wait3A_59 = arith.constant 0 : i32
      %dma_wait3A_60 = tpu.memref_slice %arg12[%dma_wait3A_58, %dma_wait3A_59] : memref<256x64xbf16, #tpu.memory_space<vmem>> -> memref<128x64xbf16, #tpu.memory_space<vmem>>
      %dma_wait3A_61 = arith.constant 0 : i32
      %dma_wait3A_62 = tpu.memref_slice %arg18[%add3A_37, %dma_wait3A_61] : memref<10008x64xbf16, #tpu.memory_space<vmem_shared>> -> memref<128x64xbf16, #tpu.memory_space<vmem_shared>>
      tpu.wait_dma2 semaphore(%run_scoped3A : memref<!tpu.dma_semaphore, #tpu.memory_space<semaphore_mem>>) src(%dma_wait3A_62 : memref<128x64xbf16, #tpu.memory_space<vmem_shared>>) dst(%dma_wait3A_60 : memref<128x64xbf16, #tpu.memory_space<vmem>>)
      tpu.yield
    }) : () -> ()
    "tpu.region"() ({
      %run_scoped3A = tpu.sem_alloc : memref<!tpu.dma_semaphore, #tpu.memory_space<semaphore_mem>>
      %dma_start3A = arith.constant 0 : i32
      %dma_start3A_45 = arith.constant 0 : i32
      %dma_start3A_46 = tpu.memref_slice %arg12[%dma_start3A, %dma_start3A_45] : memref<256x64xbf16, #tpu.memory_space<vmem>> -> memref<128x64xbf16, #tpu.memory_space<vmem>>
      %dma_start3A_47 = arith.constant 0 : i32
      %dma_start3A_48 = tpu.memref_slice %arg8[%arg0, %add3A_37, %dma_start3A_47] : memref<2x10000x64xbf16, #tpu.memory_space<hbm>> -> memref<1x128x64xbf16, #tpu.memory_space<hbm>>
      %dma_start3A_49 = tpu.memref_squeeze %dma_start3A_48 : memref<1x128x64xbf16, #tpu.memory_space<hbm>> -> memref<128x64xbf16, #tpu.memory_space<hbm>>
      %dma_start3A_50 = arith.constant 0 : i32
      %dma_start3A_51 = tpu.memref_slice %arg8[%arg0, %add3A_37, %dma_start3A_50] : memref<2x10000x64xbf16, #tpu.memory_space<hbm>> -> memref<1x128x64xbf16, #tpu.memory_space<hbm>>
      %dma_start3A_52 = tpu.memref_squeeze %dma_start3A_51 : memref<1x128x64xbf16, #tpu.memory_space<hbm>> -> memref<128x64xbf16, #tpu.memory_space<hbm>>
      %dma_start3A_53 = arith.constant 0 : i32
      %dma_start3A_54 = arith.constant 0 : i32
      %dma_start3A_55 = tpu.memref_slice %arg12[%dma_start3A_53, %dma_start3A_54] : memref<256x64xbf16, #tpu.memory_space<vmem>> -> memref<128x64xbf16, #tpu.memory_space<vmem>>
      tpu.enqueue_dma source(%dma_start3A_55 : memref<128x64xbf16, #tpu.memory_space<vmem>>) target(%dma_start3A_52 : memref<128x64xbf16, #tpu.memory_space<hbm>>) target_semaphore(%run_scoped3A : memref<!tpu.dma_semaphore, #tpu.memory_space<semaphore_mem>>)
      %dma_wait3A = arith.constant 0 : i32
      %dma_wait3A_56 = arith.constant 0 : i32
      %dma_wait3A_57 = tpu.memref_slice %arg12[%dma_wait3A, %dma_wait3A_56] : memref<256x64xbf16, #tpu.memory_space<vmem>> -> memref<128x64xbf16, #tpu.memory_space<vmem>>
      %dma_wait3A_58 = arith.constant 0 : i32
      %dma_wait3A_59 = tpu.memref_slice %arg8[%arg0, %add3A_37, %dma_wait3A_58] : memref<2x10000x64xbf16, #tpu.memory_space<hbm>> -> memref<1x128x64xbf16, #tpu.memory_space<hbm>>
      %dma_wait3A_60 = tpu.memref_squeeze %dma_wait3A_59 : memref<1x128x64xbf16, #tpu.memory_space<hbm>> -> memref<128x64xbf16, #tpu.memory_space<hbm>>
      %dma_wait3A_61 = arith.constant 0 : i32
      %dma_wait3A_62 = tpu.memref_slice %arg8[%arg0, %add3A_37, %dma_wait3A_61] : memref<2x10000x64xbf16, #tpu.memory_space<hbm>> -> memref<1x128x64xbf16, #tpu.memory_space<hbm>>
      %dma_wait3A_63 = tpu.memref_squeeze %dma_wait3A_62 : memref<1x128x64xbf16, #tpu.memory_space<hbm>> -> memref<128x64xbf16, #tpu.memory_space<hbm>>
      %dma_wait3A_64 = arith.constant 0 : i32
      %dma_wait3A_65 = arith.constant 0 : i32
      %dma_wait3A_66 = tpu.memref_slice %arg12[%dma_wait3A_64, %dma_wait3A_65] : memref<256x64xbf16, #tpu.memory_space<vmem>> -> memref<128x64xbf16, #tpu.memory_space<vmem>>
      tpu.wait_dma2 semaphore(%run_scoped3A : memref<!tpu.dma_semaphore, #tpu.memory_space<semaphore_mem>>) src(%dma_wait3A_66 : memref<128x64xbf16, #tpu.memory_space<vmem>>) dst(%dma_wait3A_63 : memref<128x64xbf16, #tpu.memory_space<hbm>>)
      tpu.yield
    }) : () -> ()
    "tpu.region"() ({
      %run_scoped3A = tpu.sem_alloc : memref<!tpu.dma_semaphore, #tpu.memory_space<semaphore_mem>>
      %dma_start3A = arith.constant 0 : i32
      %dma_start3A_45 = arith.constant 0 : i32
      %dma_start3A_46 = tpu.memref_slice %arg17[%dma_start3A, %dma_start3A_45] : memref<256x32xbf16, #tpu.memory_space<vmem>> -> memref<128x32xbf16, #tpu.memory_space<vmem>>
      %dma_start3A_47 = arith.constant 0 : i32
      %dma_start3A_48 = tpu.memref_slice %arg19[%add3A_37, %dma_start3A_47] : memref<10008x32xbf16, #tpu.memory_space<vmem_shared>> -> memref<128x32xbf16, #tpu.memory_space<vmem_shared>>
      %dma_start3A_49 = arith.constant 0 : i32
      %dma_start3A_50 = arith.constant 0 : i32
      %dma_start3A_51 = tpu.memref_slice %arg17[%dma_start3A_49, %dma_start3A_50] : memref<256x32xbf16, #tpu.memory_space<vmem>> -> memref<128x32xbf16, #tpu.memory_space<vmem>>
      %dma_start3A_52 = arith.constant 0 : i32
      %dma_start3A_53 = tpu.memref_slice %arg19[%add3A_37, %dma_start3A_52] : memref<10008x32xbf16, #tpu.memory_space<vmem_shared>> -> memref<128x32xbf16, #tpu.memory_space<vmem_shared>>
      tpu.enqueue_dma source(%dma_start3A_53 : memref<128x32xbf16, #tpu.memory_space<vmem_shared>>) target(%dma_start3A_51 : memref<128x32xbf16, #tpu.memory_space<vmem>>) target_semaphore(%run_scoped3A : memref<!tpu.dma_semaphore, #tpu.memory_space<semaphore_mem>>)
      %dma_wait3A = arith.constant 0 : i32
      %dma_wait3A_54 = arith.constant 0 : i32
      %dma_wait3A_55 = tpu.memref_slice %arg17[%dma_wait3A, %dma_wait3A_54] : memref<256x32xbf16, #tpu.memory_space<vmem>> -> memref<128x32xbf16, #tpu.memory_space<vmem>>
      %dma_wait3A_56 = arith.constant 0 : i32
      %dma_wait3A_57 = tpu.memref_slice %arg19[%add3A_37, %dma_wait3A_56] : memref<10008x32xbf16, #tpu.memory_space<vmem_shared>> -> memref<128x32xbf16, #tpu.memory_space<vmem_shared>>
      %dma_wait3A_58 = arith.constant 0 : i32
      %dma_wait3A_59 = arith.constant 0 : i32
      %dma_wait3A_60 = tpu.memref_slice %arg17[%dma_wait3A_58, %dma_wait3A_59] : memref<256x32xbf16, #tpu.memory_space<vmem>> -> memref<128x32xbf16, #tpu.memory_space<vmem>>
      %dma_wait3A_61 = arith.constant 0 : i32
      %dma_wait3A_62 = tpu.memref_slice %arg19[%add3A_37, %dma_wait3A_61] : memref<10008x32xbf16, #tpu.memory_space<vmem_shared>> -> memref<128x32xbf16, #tpu.memory_space<vmem_shared>>
      tpu.wait_dma2 semaphore(%run_scoped3A : memref<!tpu.dma_semaphore, #tpu.memory_space<semaphore_mem>>) src(%dma_wait3A_62 : memref<128x32xbf16, #tpu.memory_space<vmem_shared>>) dst(%dma_wait3A_60 : memref<128x32xbf16, #tpu.memory_space<vmem>>)
      tpu.yield
    }) : () -> ()
    "tpu.region"() ({
      %run_scoped3A = tpu.sem_alloc : memref<!tpu.dma_semaphore, #tpu.memory_space<semaphore_mem>>
      %dma_start3A = arith.constant 0 : i32
      %dma_start3A_45 = arith.constant 0 : i32
      %dma_start3A_46 = tpu.memref_slice %arg17[%dma_start3A, %dma_start3A_45] : memref<256x32xbf16, #tpu.memory_space<vmem>> -> memref<128x32xbf16, #tpu.memory_space<vmem>>
      %dma_start3A_47 = arith.constant 0 : i32
      %dma_start3A_48 = tpu.memref_slice %arg9[%arg0, %add3A_37, %dma_start3A_47] : memref<2x10000x32xbf16, #tpu.memory_space<hbm>> -> memref<1x128x32xbf16, #tpu.memory_space<hbm>>
      %dma_start3A_49 = tpu.memref_squeeze %dma_start3A_48 : memref<1x128x32xbf16, #tpu.memory_space<hbm>> -> memref<128x32xbf16, #tpu.memory_space<hbm>>
      %dma_start3A_50 = arith.constant 0 : i32
      %dma_start3A_51 = tpu.memref_slice %arg9[%arg0, %add3A_37, %dma_start3A_50] : memref<2x10000x32xbf16, #tpu.memory_space<hbm>> -> memref<1x128x32xbf16, #tpu.memory_space<hbm>>
      %dma_start3A_52 = tpu.memref_squeeze %dma_start3A_51 : memref<1x128x32xbf16, #tpu.memory_space<hbm>> -> memref<128x32xbf16, #tpu.memory_space<hbm>>
      %dma_start3A_53 = arith.constant 0 : i32
      %dma_start3A_54 = arith.constant 0 : i32
      %dma_start3A_55 = tpu.memref_slice %arg17[%dma_start3A_53, %dma_start3A_54] : memref<256x32xbf16, #tpu.memory_space<vmem>> -> memref<128x32xbf16, #tpu.memory_space<vmem>>
      tpu.enqueue_dma source(%dma_start3A_55 : memref<128x32xbf16, #tpu.memory_space<vmem>>) target(%dma_start3A_52 : memref<128x32xbf16, #tpu.memory_space<hbm>>) target_semaphore(%run_scoped3A : memref<!tpu.dma_semaphore, #tpu.memory_space<semaphore_mem>>)
      %dma_wait3A = arith.constant 0 : i32
      %dma_wait3A_56 = arith.constant 0 : i32
      %dma_wait3A_57 = tpu.memref_slice %arg17[%dma_wait3A, %dma_wait3A_56] : memref<256x32xbf16, #tpu.memory_space<vmem>> -> memref<128x32xbf16, #tpu.memory_space<vmem>>
      %dma_wait3A_58 = arith.constant 0 : i32
      %dma_wait3A_59 = tpu.memref_slice %arg9[%arg0, %add3A_37, %dma_wait3A_58] : memref<2x10000x32xbf16, #tpu.memory_space<hbm>> -> memref<1x128x32xbf16, #tpu.memory_space<hbm>>
      %dma_wait3A_60 = tpu.memref_squeeze %dma_wait3A_59 : memref<1x128x32xbf16, #tpu.memory_space<hbm>> -> memref<128x32xbf16, #tpu.memory_space<hbm>>
      %dma_wait3A_61 = arith.constant 0 : i32
      %dma_wait3A_62 = tpu.memref_slice %arg9[%arg0, %add3A_37, %dma_wait3A_61] : memref<2x10000x32xbf16, #tpu.memory_space<hbm>> -> memref<1x128x32xbf16, #tpu.memory_space<hbm>>
      %dma_wait3A_63 = tpu.memref_squeeze %dma_wait3A_62 : memref<1x128x32xbf16, #tpu.memory_space<hbm>> -> memref<128x32xbf16, #tpu.memory_space<hbm>>
      %dma_wait3A_64 = arith.constant 0 : i32
      %dma_wait3A_65 = arith.constant 0 : i32
      %dma_wait3A_66 = tpu.memref_slice %arg17[%dma_wait3A_64, %dma_wait3A_65] : memref<256x32xbf16, #tpu.memory_space<vmem>> -> memref<128x32xbf16, #tpu.memory_space<vmem>>
      tpu.wait_dma2 semaphore(%run_scoped3A : memref<!tpu.dma_semaphore, #tpu.memory_space<semaphore_mem>>) src(%dma_wait3A_66 : memref<128x32xbf16, #tpu.memory_space<vmem>>) dst(%dma_wait3A_63 : memref<128x32xbf16, #tpu.memory_space<hbm>>)
      tpu.yield
    }) : () -> ()
    %add3A_38 = arith.constant 512 : i32
    %add3A_39 = arith.addi %mul3A_2, %add3A_38 : i32
    "tpu.region"() ({
      %run_scoped3A = tpu.sem_alloc : memref<!tpu.dma_semaphore, #tpu.memory_space<semaphore_mem>>
      %dma_start3A = arith.constant 0 : i32
      %dma_start3A_45 = arith.constant 0 : i32
      %dma_start3A_46 = tpu.memref_slice %arg12[%dma_start3A, %dma_start3A_45] : memref<256x64xbf16, #tpu.memory_space<vmem>> -> memref<112x64xbf16, #tpu.memory_space<vmem>>
      %dma_start3A_47 = arith.constant 0 : i32
      %dma_start3A_48 = tpu.memref_slice %arg18[%add3A_39, %dma_start3A_47] : memref<10008x64xbf16, #tpu.memory_space<vmem_shared>> -> memref<112x64xbf16, #tpu.memory_space<vmem_shared>>
      %dma_start3A_49 = arith.constant 0 : i32
      %dma_start3A_50 = arith.constant 0 : i32
      %dma_start3A_51 = tpu.memref_slice %arg12[%dma_start3A_49, %dma_start3A_50] : memref<256x64xbf16, #tpu.memory_space<vmem>> -> memref<112x64xbf16, #tpu.memory_space<vmem>>
      %dma_start3A_52 = arith.constant 0 : i32
      %dma_start3A_53 = tpu.memref_slice %arg18[%add3A_39, %dma_start3A_52] : memref<10008x64xbf16, #tpu.memory_space<vmem_shared>> -> memref<112x64xbf16, #tpu.memory_space<vmem_shared>>
      tpu.enqueue_dma source(%dma_start3A_53 : memref<112x64xbf16, #tpu.memory_space<vmem_shared>>) target(%dma_start3A_51 : memref<112x64xbf16, #tpu.memory_space<vmem>>) target_semaphore(%run_scoped3A : memref<!tpu.dma_semaphore, #tpu.memory_space<semaphore_mem>>)
      %dma_wait3A = arith.constant 0 : i32
      %dma_wait3A_54 = arith.constant 0 : i32
      %dma_wait3A_55 = tpu.memref_slice %arg12[%dma_wait3A, %dma_wait3A_54] : memref<256x64xbf16, #tpu.memory_space<vmem>> -> memref<112x64xbf16, #tpu.memory_space<vmem>>
      %dma_wait3A_56 = arith.constant 0 : i32
      %dma_wait3A_57 = tpu.memref_slice %arg18[%add3A_39, %dma_wait3A_56] : memref<10008x64xbf16, #tpu.memory_space<vmem_shared>> -> memref<112x64xbf16, #tpu.memory_space<vmem_shared>>
      %dma_wait3A_58 = arith.constant 0 : i32
      %dma_wait3A_59 = arith.constant 0 : i32
      %dma_wait3A_60 = tpu.memref_slice %arg12[%dma_wait3A_58, %dma_wait3A_59] : memref<256x64xbf16, #tpu.memory_space<vmem>> -> memref<112x64xbf16, #tpu.memory_space<vmem>>
      %dma_wait3A_61 = arith.constant 0 : i32
      %dma_wait3A_62 = tpu.memref_slice %arg18[%add3A_39, %dma_wait3A_61] : memref<10008x64xbf16, #tpu.memory_space<vmem_shared>> -> memref<112x64xbf16, #tpu.memory_space<vmem_shared>>
      tpu.wait_dma2 semaphore(%run_scoped3A : memref<!tpu.dma_semaphore, #tpu.memory_space<semaphore_mem>>) src(%dma_wait3A_62 : memref<112x64xbf16, #tpu.memory_space<vmem_shared>>) dst(%dma_wait3A_60 : memref<112x64xbf16, #tpu.memory_space<vmem>>)
      tpu.yield
    }) : () -> ()
    "tpu.region"() ({
      %run_scoped3A = tpu.sem_alloc : memref<!tpu.dma_semaphore, #tpu.memory_space<semaphore_mem>>
      %dma_start3A = arith.constant 0 : i32
      %dma_start3A_45 = arith.constant 0 : i32
      %dma_start3A_46 = tpu.memref_slice %arg12[%dma_start3A, %dma_start3A_45] : memref<256x64xbf16, #tpu.memory_space<vmem>> -> memref<112x64xbf16, #tpu.memory_space<vmem>>
      %dma_start3A_47 = arith.constant 0 : i32
      %dma_start3A_48 = tpu.memref_slice %arg8[%arg0, %add3A_39, %dma_start3A_47] : memref<2x10000x64xbf16, #tpu.memory_space<hbm>> -> memref<1x112x64xbf16, #tpu.memory_space<hbm>>
      %dma_start3A_49 = tpu.memref_squeeze %dma_start3A_48 : memref<1x112x64xbf16, #tpu.memory_space<hbm>> -> memref<112x64xbf16, #tpu.memory_space<hbm>>
      %dma_start3A_50 = arith.constant 0 : i32
      %dma_start3A_51 = tpu.memref_slice %arg8[%arg0, %add3A_39, %dma_start3A_50] : memref<2x10000x64xbf16, #tpu.memory_space<hbm>> -> memref<1x112x64xbf16, #tpu.memory_space<hbm>>
      %dma_start3A_52 = tpu.memref_squeeze %dma_start3A_51 : memref<1x112x64xbf16, #tpu.memory_space<hbm>> -> memref<112x64xbf16, #tpu.memory_space<hbm>>
      %dma_start3A_53 = arith.constant 0 : i32
      %dma_start3A_54 = arith.constant 0 : i32
      %dma_start3A_55 = tpu.memref_slice %arg12[%dma_start3A_53, %dma_start3A_54] : memref<256x64xbf16, #tpu.memory_space<vmem>> -> memref<112x64xbf16, #tpu.memory_space<vmem>>
      tpu.enqueue_dma source(%dma_start3A_55 : memref<112x64xbf16, #tpu.memory_space<vmem>>) target(%dma_start3A_52 : memref<112x64xbf16, #tpu.memory_space<hbm>>) target_semaphore(%run_scoped3A : memref<!tpu.dma_semaphore, #tpu.memory_space<semaphore_mem>>)
      %dma_wait3A = arith.constant 0 : i32
      %dma_wait3A_56 = arith.constant 0 : i32
      %dma_wait3A_57 = tpu.memref_slice %arg12[%dma_wait3A, %dma_wait3A_56] : memref<256x64xbf16, #tpu.memory_space<vmem>> -> memref<112x64xbf16, #tpu.memory_space<vmem>>
      %dma_wait3A_58 = arith.constant 0 : i32
      %dma_wait3A_59 = tpu.memref_slice %arg8[%arg0, %add3A_39, %dma_wait3A_58] : memref<2x10000x64xbf16, #tpu.memory_space<hbm>> -> memref<1x112x64xbf16, #tpu.memory_space<hbm>>
      %dma_wait3A_60 = tpu.memref_squeeze %dma_wait3A_59 : memref<1x112x64xbf16, #tpu.memory_space<hbm>> -> memref<112x64xbf16, #tpu.memory_space<hbm>>
      %dma_wait3A_61 = arith.constant 0 : i32
      %dma_wait3A_62 = tpu.memref_slice %arg8[%arg0, %add3A_39, %dma_wait3A_61] : memref<2x10000x64xbf16, #tpu.memory_space<hbm>> -> memref<1x112x64xbf16, #tpu.memory_space<hbm>>
      %dma_wait3A_63 = tpu.memref_squeeze %dma_wait3A_62 : memref<1x112x64xbf16, #tpu.memory_space<hbm>> -> memref<112x64xbf16, #tpu.memory_space<hbm>>
      %dma_wait3A_64 = arith.constant 0 : i32
      %dma_wait3A_65 = arith.constant 0 : i32
      %dma_wait3A_66 = tpu.memref_slice %arg12[%dma_wait3A_64, %dma_wait3A_65] : memref<256x64xbf16, #tpu.memory_space<vmem>> -> memref<112x64xbf16, #tpu.memory_space<vmem>>
      tpu.wait_dma2 semaphore(%run_scoped3A : memref<!tpu.dma_semaphore, #tpu.memory_space<semaphore_mem>>) src(%dma_wait3A_66 : memref<112x64xbf16, #tpu.memory_space<vmem>>) dst(%dma_wait3A_63 : memref<112x64xbf16, #tpu.memory_space<hbm>>)
      tpu.yield
    }) : () -> ()
    "tpu.region"() ({
      %run_scoped3A = tpu.sem_alloc : memref<!tpu.dma_semaphore, #tpu.memory_space<semaphore_mem>>
      %dma_start3A = arith.constant 0 : i32
      %dma_start3A_45 = arith.constant 0 : i32
      %dma_start3A_46 = tpu.memref_slice %arg17[%dma_start3A, %dma_start3A_45] : memref<256x32xbf16, #tpu.memory_space<vmem>> -> memref<112x32xbf16, #tpu.memory_space<vmem>>
      %dma_start3A_47 = arith.constant 0 : i32
      %dma_start3A_48 = tpu.memref_slice %arg19[%add3A_39, %dma_start3A_47] : memref<10008x32xbf16, #tpu.memory_space<vmem_shared>> -> memref<112x32xbf16, #tpu.memory_space<vmem_shared>>
      %dma_start3A_49 = arith.constant 0 : i32
      %dma_start3A_50 = arith.constant 0 : i32
      %dma_start3A_51 = tpu.memref_slice %arg17[%dma_start3A_49, %dma_start3A_50] : memref<256x32xbf16, #tpu.memory_space<vmem>> -> memref<112x32xbf16, #tpu.memory_space<vmem>>
      %dma_start3A_52 = arith.constant 0 : i32
      %dma_start3A_53 = tpu.memref_slice %arg19[%add3A_39, %dma_start3A_52] : memref<10008x32xbf16, #tpu.memory_space<vmem_shared>> -> memref<112x32xbf16, #tpu.memory_space<vmem_shared>>
      tpu.enqueue_dma source(%dma_start3A_53 : memref<112x32xbf16, #tpu.memory_space<vmem_shared>>) target(%dma_start3A_51 : memref<112x32xbf16, #tpu.memory_space<vmem>>) target_semaphore(%run_scoped3A : memref<!tpu.dma_semaphore, #tpu.memory_space<semaphore_mem>>)
      %dma_wait3A = arith.constant 0 : i32
      %dma_wait3A_54 = arith.constant 0 : i32
      %dma_wait3A_55 = tpu.memref_slice %arg17[%dma_wait3A, %dma_wait3A_54] : memref<256x32xbf16, #tpu.memory_space<vmem>> -> memref<112x32xbf16, #tpu.memory_space<vmem>>
      %dma_wait3A_56 = arith.constant 0 : i32
      %dma_wait3A_57 = tpu.memref_slice %arg19[%add3A_39, %dma_wait3A_56] : memref<10008x32xbf16, #tpu.memory_space<vmem_shared>> -> memref<112x32xbf16, #tpu.memory_space<vmem_shared>>
      %dma_wait3A_58 = arith.constant 0 : i32
      %dma_wait3A_59 = arith.constant 0 : i32
      %dma_wait3A_60 = tpu.memref_slice %arg17[%dma_wait3A_58, %dma_wait3A_59] : memref<256x32xbf16, #tpu.memory_space<vmem>> -> memref<112x32xbf16, #tpu.memory_space<vmem>>
      %dma_wait3A_61 = arith.constant 0 : i32
      %dma_wait3A_62 = tpu.memref_slice %arg19[%add3A_39, %dma_wait3A_61] : memref<10008x32xbf16, #tpu.memory_space<vmem_shared>> -> memref<112x32xbf16, #tpu.memory_space<vmem_shared>>
      tpu.wait_dma2 semaphore(%run_scoped3A : memref<!tpu.dma_semaphore, #tpu.memory_space<semaphore_mem>>) src(%dma_wait3A_62 : memref<112x32xbf16, #tpu.memory_space<vmem_shared>>) dst(%dma_wait3A_60 : memref<112x32xbf16, #tpu.memory_space<vmem>>)
      tpu.yield
    }) : () -> ()
    "tpu.region"() ({
      %run_scoped3A = tpu.sem_alloc : memref<!tpu.dma_semaphore, #tpu.memory_space<semaphore_mem>>
      %dma_start3A = arith.constant 0 : i32
      %dma_start3A_45 = arith.constant 0 : i32
      %dma_start3A_46 = tpu.memref_slice %arg17[%dma_start3A, %dma_start3A_45] : memref<256x32xbf16, #tpu.memory_space<vmem>> -> memref<112x32xbf16, #tpu.memory_space<vmem>>
      %dma_start3A_47 = arith.constant 0 : i32
      %dma_start3A_48 = tpu.memref_slice %arg9[%arg0, %add3A_39, %dma_start3A_47] : memref<2x10000x32xbf16, #tpu.memory_space<hbm>> -> memref<1x112x32xbf16, #tpu.memory_space<hbm>>
      %dma_start3A_49 = tpu.memref_squeeze %dma_start3A_48 : memref<1x112x32xbf16, #tpu.memory_space<hbm>> -> memref<112x32xbf16, #tpu.memory_space<hbm>>
      %dma_start3A_50 = arith.constant 0 : i32
      %dma_start3A_51 = tpu.memref_slice %arg9[%arg0, %add3A_39, %dma_start3A_50] : memref<2x10000x32xbf16, #tpu.memory_space<hbm>> -> memref<1x112x32xbf16, #tpu.memory_space<hbm>>
      %dma_start3A_52 = tpu.memref_squeeze %dma_start3A_51 : memref<1x112x32xbf16, #tpu.memory_space<hbm>> -> memref<112x32xbf16, #tpu.memory_space<hbm>>
      %dma_start3A_53 = arith.constant 0 : i32
      %dma_start3A_54 = arith.constant 0 : i32
      %dma_start3A_55 = tpu.memref_slice %arg17[%dma_start3A_53, %dma_start3A_54] : memref<256x32xbf16, #tpu.memory_space<vmem>> -> memref<112x32xbf16, #tpu.memory_space<vmem>>
      tpu.enqueue_dma source(%dma_start3A_55 : memref<112x32xbf16, #tpu.memory_space<vmem>>) target(%dma_start3A_52 : memref<112x32xbf16, #tpu.memory_space<hbm>>) target_semaphore(%run_scoped3A : memref<!tpu.dma_semaphore, #tpu.memory_space<semaphore_mem>>)
      %dma_wait3A = arith.constant 0 : i32
      %dma_wait3A_56 = arith.constant 0 : i32
      %dma_wait3A_57 = tpu.memref_slice %arg17[%dma_wait3A, %dma_wait3A_56] : memref<256x32xbf16, #tpu.memory_space<vmem>> -> memref<112x32xbf16, #tpu.memory_space<vmem>>
      %dma_wait3A_58 = arith.constant 0 : i32
      %dma_wait3A_59 = tpu.memref_slice %arg9[%arg0, %add3A_39, %dma_wait3A_58] : memref<2x10000x32xbf16, #tpu.memory_space<hbm>> -> memref<1x112x32xbf16, #tpu.memory_space<hbm>>
      %dma_wait3A_60 = tpu.memref_squeeze %dma_wait3A_59 : memref<1x112x32xbf16, #tpu.memory_space<hbm>> -> memref<112x32xbf16, #tpu.memory_space<hbm>>
      %dma_wait3A_61 = arith.constant 0 : i32
      %dma_wait3A_62 = tpu.memref_slice %arg9[%arg0, %add3A_39, %dma_wait3A_61] : memref<2x10000x32xbf16, #tpu.memory_space<hbm>> -> memref<1x112x32xbf16, #tpu.memory_space<hbm>>
      %dma_wait3A_63 = tpu.memref_squeeze %dma_wait3A_62 : memref<1x112x32xbf16, #tpu.memory_space<hbm>> -> memref<112x32xbf16, #tpu.memory_space<hbm>>
      %dma_wait3A_64 = arith.constant 0 : i32
      %dma_wait3A_65 = arith.constant 0 : i32
      %dma_wait3A_66 = tpu.memref_slice %arg17[%dma_wait3A_64, %dma_wait3A_65] : memref<256x32xbf16, #tpu.memory_space<vmem>> -> memref<112x32xbf16, #tpu.memory_space<vmem>>
      tpu.wait_dma2 semaphore(%run_scoped3A : memref<!tpu.dma_semaphore, #tpu.memory_space<semaphore_mem>>) src(%dma_wait3A_66 : memref<112x32xbf16, #tpu.memory_space<vmem>>) dst(%dma_wait3A_63 : memref<112x32xbf16, #tpu.memory_space<hbm>>)
      tpu.yield
    }) : () -> ()
    %eq3A_40 = arith.constant 15 : i32
    %eq3A_41 = arith.cmpi eq, %arg1, %eq3A_40 : i32
    %convert_element_type3A_42 = arith.extui %eq3A_41 : i1 to i32
    %cond3A_43 = arith.constant 0 : i32
    %cond3A_44 = arith.cmpi ne, %convert_element_type3A_42, %cond3A_43 : i32
    scf.if %cond3A_44 {
      "tpu.region"() ({
        %run_scoped3A = tpu.sem_alloc : memref<!tpu.dma_semaphore, #tpu.memory_space<semaphore_mem>>
        %dma_start3A = arith.constant 0 : i32
        %dma_start3A_45 = arith.constant 0 : i32
        %dma_start3A_46 = tpu.memref_slice %arg12[%dma_start3A, %dma_start3A_45] : memref<256x64xbf16, #tpu.memory_space<vmem>> -> memref<16x64xbf16, #tpu.memory_space<vmem>>
        %dma_start3A_47 = arith.constant 9984 : i32
        %dma_start3A_48 = arith.constant 0 : i32
        %dma_start3A_49 = tpu.memref_slice %arg18[%dma_start3A_47, %dma_start3A_48] : memref<10008x64xbf16, #tpu.memory_space<vmem_shared>> -> memref<16x64xbf16, #tpu.memory_space<vmem_shared>>
        %dma_start3A_50 = arith.constant 0 : i32
        %dma_start3A_51 = arith.constant 0 : i32
        %dma_start3A_52 = tpu.memref_slice %arg12[%dma_start3A_50, %dma_start3A_51] : memref<256x64xbf16, #tpu.memory_space<vmem>> -> memref<16x64xbf16, #tpu.memory_space<vmem>>
        %dma_start3A_53 = arith.constant 9984 : i32
        %dma_start3A_54 = arith.constant 0 : i32
        %dma_start3A_55 = tpu.memref_slice %arg18[%dma_start3A_53, %dma_start3A_54] : memref<10008x64xbf16, #tpu.memory_space<vmem_shared>> -> memref<16x64xbf16, #tpu.memory_space<vmem_shared>>
        tpu.enqueue_dma source(%dma_start3A_55 : memref<16x64xbf16, #tpu.memory_space<vmem_shared>>) target(%dma_start3A_52 : memref<16x64xbf16, #tpu.memory_space<vmem>>) target_semaphore(%run_scoped3A : memref<!tpu.dma_semaphore, #tpu.memory_space<semaphore_mem>>)
        %dma_wait3A = arith.constant 0 : i32
        %dma_wait3A_56 = arith.constant 0 : i32
        %dma_wait3A_57 = tpu.memref_slice %arg12[%dma_wait3A, %dma_wait3A_56] : memref<256x64xbf16, #tpu.memory_space<vmem>> -> memref<16x64xbf16, #tpu.memory_space<vmem>>
        %dma_wait3A_58 = arith.constant 9984 : i32
        %dma_wait3A_59 = arith.constant 0 : i32
        %dma_wait3A_60 = tpu.memref_slice %arg18[%dma_wait3A_58, %dma_wait3A_59] : memref<10008x64xbf16, #tpu.memory_space<vmem_shared>> -> memref<16x64xbf16, #tpu.memory_space<vmem_shared>>
        %dma_wait3A_61 = arith.constant 0 : i32
        %dma_wait3A_62 = arith.constant 0 : i32
        %dma_wait3A_63 = tpu.memref_slice %arg12[%dma_wait3A_61, %dma_wait3A_62] : memref<256x64xbf16, #tpu.memory_space<vmem>> -> memref<16x64xbf16, #tpu.memory_space<vmem>>
        %dma_wait3A_64 = arith.constant 9984 : i32
        %dma_wait3A_65 = arith.constant 0 : i32
        %dma_wait3A_66 = tpu.memref_slice %arg18[%dma_wait3A_64, %dma_wait3A_65] : memref<10008x64xbf16, #tpu.memory_space<vmem_shared>> -> memref<16x64xbf16, #tpu.memory_space<vmem_shared>>
        tpu.wait_dma2 semaphore(%run_scoped3A : memref<!tpu.dma_semaphore, #tpu.memory_space<semaphore_mem>>) src(%dma_wait3A_66 : memref<16x64xbf16, #tpu.memory_space<vmem_shared>>) dst(%dma_wait3A_63 : memref<16x64xbf16, #tpu.memory_space<vmem>>)
        tpu.yield
      }) : () -> ()
      "tpu.region"() ({
        %run_scoped3A = tpu.sem_alloc : memref<!tpu.dma_semaphore, #tpu.memory_space<semaphore_mem>>
        %dma_start3A = arith.constant 0 : i32
        %dma_start3A_45 = arith.constant 0 : i32
        %dma_start3A_46 = tpu.memref_slice %arg12[%dma_start3A, %dma_start3A_45] : memref<256x64xbf16, #tpu.memory_space<vmem>> -> memref<16x64xbf16, #tpu.memory_space<vmem>>
        %dma_start3A_47 = arith.constant 9984 : i32
        %dma_start3A_48 = arith.constant 0 : i32
        %dma_start3A_49 = tpu.memref_slice %arg8[%arg0, %dma_start3A_47, %dma_start3A_48] : memref<2x10000x64xbf16, #tpu.memory_space<hbm>> -> memref<1x16x64xbf16, #tpu.memory_space<hbm>>
        %dma_start3A_50 = tpu.memref_squeeze %dma_start3A_49 : memref<1x16x64xbf16, #tpu.memory_space<hbm>> -> memref<16x64xbf16, #tpu.memory_space<hbm>>
        %dma_start3A_51 = arith.constant 9984 : i32
        %dma_start3A_52 = arith.constant 0 : i32
        %dma_start3A_53 = tpu.memref_slice %arg8[%arg0, %dma_start3A_51, %dma_start3A_52] : memref<2x10000x64xbf16, #tpu.memory_space<hbm>> -> memref<1x16x64xbf16, #tpu.memory_space<hbm>>
        %dma_start3A_54 = tpu.memref_squeeze %dma_start3A_53 : memref<1x16x64xbf16, #tpu.memory_space<hbm>> -> memref<16x64xbf16, #tpu.memory_space<hbm>>
        %dma_start3A_55 = arith.constant 0 : i32
        %dma_start3A_56 = arith.constant 0 : i32
        %dma_start3A_57 = tpu.memref_slice %arg12[%dma_start3A_55, %dma_start3A_56] : memref<256x64xbf16, #tpu.memory_space<vmem>> -> memref<16x64xbf16, #tpu.memory_space<vmem>>
        tpu.enqueue_dma source(%dma_start3A_57 : memref<16x64xbf16, #tpu.memory_space<vmem>>) target(%dma_start3A_54 : memref<16x64xbf16, #tpu.memory_space<hbm>>) target_semaphore(%run_scoped3A : memref<!tpu.dma_semaphore, #tpu.memory_space<semaphore_mem>>)
        %dma_wait3A = arith.constant 0 : i32
        %dma_wait3A_58 = arith.constant 0 : i32
        %dma_wait3A_59 = tpu.memref_slice %arg12[%dma_wait3A, %dma_wait3A_58] : memref<256x64xbf16, #tpu.memory_space<vmem>> -> memref<16x64xbf16, #tpu.memory_space<vmem>>
        %dma_wait3A_60 = arith.constant 9984 : i32
        %dma_wait3A_61 = arith.constant 0 : i32
        %dma_wait3A_62 = tpu.memref_slice %arg8[%arg0, %dma_wait3A_60, %dma_wait3A_61] : memref<2x10000x64xbf16, #tpu.memory_space<hbm>> -> memref<1x16x64xbf16, #tpu.memory_space<hbm>>
        %dma_wait3A_63 = tpu.memref_squeeze %dma_wait3A_62 : memref<1x16x64xbf16, #tpu.memory_space<hbm>> -> memref<16x64xbf16, #tpu.memory_space<hbm>>
        %dma_wait3A_64 = arith.constant 9984 : i32
        %dma_wait3A_65 = arith.constant 0 : i32
        %dma_wait3A_66 = tpu.memref_slice %arg8[%arg0, %dma_wait3A_64, %dma_wait3A_65] : memref<2x10000x64xbf16, #tpu.memory_space<hbm>> -> memref<1x16x64xbf16, #tpu.memory_space<hbm>>
        %dma_wait3A_67 = tpu.memref_squeeze %dma_wait3A_66 : memref<1x16x64xbf16, #tpu.memory_space<hbm>> -> memref<16x64xbf16, #tpu.memory_space<hbm>>
        %dma_wait3A_68 = arith.constant 0 : i32
        %dma_wait3A_69 = arith.constant 0 : i32
        %dma_wait3A_70 = tpu.memref_slice %arg12[%dma_wait3A_68, %dma_wait3A_69] : memref<256x64xbf16, #tpu.memory_space<vmem>> -> memref<16x64xbf16, #tpu.memory_space<vmem>>
        tpu.wait_dma2 semaphore(%run_scoped3A : memref<!tpu.dma_semaphore, #tpu.memory_space<semaphore_mem>>) src(%dma_wait3A_70 : memref<16x64xbf16, #tpu.memory_space<vmem>>) dst(%dma_wait3A_67 : memref<16x64xbf16, #tpu.memory_space<hbm>>)
        tpu.yield
      }) : () -> ()
      "tpu.region"() ({
        %run_scoped3A = tpu.sem_alloc : memref<!tpu.dma_semaphore, #tpu.memory_space<semaphore_mem>>
        %dma_start3A = arith.constant 0 : i32
        %dma_start3A_45 = arith.constant 0 : i32
        %dma_start3A_46 = tpu.memref_slice %arg17[%dma_start3A, %dma_start3A_45] : memref<256x32xbf16, #tpu.memory_space<vmem>> -> memref<16x32xbf16, #tpu.memory_space<vmem>>
        %dma_start3A_47 = arith.constant 9984 : i32
        %dma_start3A_48 = arith.constant 0 : i32
        %dma_start3A_49 = tpu.memref_slice %arg19[%dma_start3A_47, %dma_start3A_48] : memref<10008x32xbf16, #tpu.memory_space<vmem_shared>> -> memref<16x32xbf16, #tpu.memory_space<vmem_shared>>
        %dma_start3A_50 = arith.constant 0 : i32
        %dma_start3A_51 = arith.constant 0 : i32
        %dma_start3A_52 = tpu.memref_slice %arg17[%dma_start3A_50, %dma_start3A_51] : memref<256x32xbf16, #tpu.memory_space<vmem>> -> memref<16x32xbf16, #tpu.memory_space<vmem>>
        %dma_start3A_53 = arith.constant 9984 : i32
        %dma_start3A_54 = arith.constant 0 : i32
        %dma_start3A_55 = tpu.memref_slice %arg19[%dma_start3A_53, %dma_start3A_54] : memref<10008x32xbf16, #tpu.memory_space<vmem_shared>> -> memref<16x32xbf16, #tpu.memory_space<vmem_shared>>
        tpu.enqueue_dma source(%dma_start3A_55 : memref<16x32xbf16, #tpu.memory_space<vmem_shared>>) target(%dma_start3A_52 : memref<16x32xbf16, #tpu.memory_space<vmem>>) target_semaphore(%run_scoped3A : memref<!tpu.dma_semaphore, #tpu.memory_space<semaphore_mem>>)
        %dma_wait3A = arith.constant 0 : i32
        %dma_wait3A_56 = arith.constant 0 : i32
        %dma_wait3A_57 = tpu.memref_slice %arg17[%dma_wait3A, %dma_wait3A_56] : memref<256x32xbf16, #tpu.memory_space<vmem>> -> memref<16x32xbf16, #tpu.memory_space<vmem>>
        %dma_wait3A_58 = arith.constant 9984 : i32
        %dma_wait3A_59 = arith.constant 0 : i32
        %dma_wait3A_60 = tpu.memref_slice %arg19[%dma_wait3A_58, %dma_wait3A_59] : memref<10008x32xbf16, #tpu.memory_space<vmem_shared>> -> memref<16x32xbf16, #tpu.memory_space<vmem_shared>>
        %dma_wait3A_61 = arith.constant 0 : i32
        %dma_wait3A_62 = arith.constant 0 : i32
        %dma_wait3A_63 = tpu.memref_slice %arg17[%dma_wait3A_61, %dma_wait3A_62] : memref<256x32xbf16, #tpu.memory_space<vmem>> -> memref<16x32xbf16, #tpu.memory_space<vmem>>
        %dma_wait3A_64 = arith.constant 9984 : i32
        %dma_wait3A_65 = arith.constant 0 : i32
        %dma_wait3A_66 = tpu.memref_slice %arg19[%dma_wait3A_64, %dma_wait3A_65] : memref<10008x32xbf16, #tpu.memory_space<vmem_shared>> -> memref<16x32xbf16, #tpu.memory_space<vmem_shared>>
        tpu.wait_dma2 semaphore(%run_scoped3A : memref<!tpu.dma_semaphore, #tpu.memory_space<semaphore_mem>>) src(%dma_wait3A_66 : memref<16x32xbf16, #tpu.memory_space<vmem_shared>>) dst(%dma_wait3A_63 : memref<16x32xbf16, #tpu.memory_space<vmem>>)
        tpu.yield
      }) : () -> ()
      "tpu.region"() ({
        %run_scoped3A = tpu.sem_alloc : memref<!tpu.dma_semaphore, #tpu.memory_space<semaphore_mem>>
        %dma_start3A = arith.constant 0 : i32
        %dma_start3A_45 = arith.constant 0 : i32
        %dma_start3A_46 = tpu.memref_slice %arg17[%dma_start3A, %dma_start3A_45] : memref<256x32xbf16, #tpu.memory_space<vmem>> -> memref<16x32xbf16, #tpu.memory_space<vmem>>
        %dma_start3A_47 = arith.constant 9984 : i32
        %dma_start3A_48 = arith.constant 0 : i32
        %dma_start3A_49 = tpu.memref_slice %arg9[%arg0, %dma_start3A_47, %dma_start3A_48] : memref<2x10000x32xbf16, #tpu.memory_space<hbm>> -> memref<1x16x32xbf16, #tpu.memory_space<hbm>>
        %dma_start3A_50 = tpu.memref_squeeze %dma_start3A_49 : memref<1x16x32xbf16, #tpu.memory_space<hbm>> -> memref<16x32xbf16, #tpu.memory_space<hbm>>
        %dma_start3A_51 = arith.constant 9984 : i32
        %dma_start3A_52 = arith.constant 0 : i32
        %dma_start3A_53 = tpu.memref_slice %arg9[%arg0, %dma_start3A_51, %dma_start3A_52] : memref<2x10000x32xbf16, #tpu.memory_space<hbm>> -> memref<1x16x32xbf16, #tpu.memory_space<hbm>>
        %dma_start3A_54 = tpu.memref_squeeze %dma_start3A_53 : memref<1x16x32xbf16, #tpu.memory_space<hbm>> -> memref<16x32xbf16, #tpu.memory_space<hbm>>
        %dma_start3A_55 = arith.constant 0 : i32
        %dma_start3A_56 = arith.constant 0 : i32
        %dma_start3A_57 = tpu.memref_slice %arg17[%dma_start3A_55, %dma_start3A_56] : memref<256x32xbf16, #tpu.memory_space<vmem>> -> memref<16x32xbf16, #tpu.memory_space<vmem>>
        tpu.enqueue_dma source(%dma_start3A_57 : memref<16x32xbf16, #tpu.memory_space<vmem>>) target(%dma_start3A_54 : memref<16x32xbf16, #tpu.memory_space<hbm>>) target_semaphore(%run_scoped3A : memref<!tpu.dma_semaphore, #tpu.memory_space<semaphore_mem>>)
        %dma_wait3A = arith.constant 0 : i32
        %dma_wait3A_58 = arith.constant 0 : i32
        %dma_wait3A_59 = tpu.memref_slice %arg17[%dma_wait3A, %dma_wait3A_58] : memref<256x32xbf16, #tpu.memory_space<vmem>> -> memref<16x32xbf16, #tpu.memory_space<vmem>>
        %dma_wait3A_60 = arith.constant 9984 : i32
        %dma_wait3A_61 = arith.constant 0 : i32
        %dma_wait3A_62 = tpu.memref_slice %arg9[%arg0, %dma_wait3A_60, %dma_wait3A_61] : memref<2x10000x32xbf16, #tpu.memory_space<hbm>> -> memref<1x16x32xbf16, #tpu.memory_space<hbm>>
        %dma_wait3A_63 = tpu.memref_squeeze %dma_wait3A_62 : memref<1x16x32xbf16, #tpu.memory_space<hbm>> -> memref<16x32xbf16, #tpu.memory_space<hbm>>
        %dma_wait3A_64 = arith.constant 9984 : i32
        %dma_wait3A_65 = arith.constant 0 : i32
        %dma_wait3A_66 = tpu.memref_slice %arg9[%arg0, %dma_wait3A_64, %dma_wait3A_65] : memref<2x10000x32xbf16, #tpu.memory_space<hbm>> -> memref<1x16x32xbf16, #tpu.memory_space<hbm>>
        %dma_wait3A_67 = tpu.memref_squeeze %dma_wait3A_66 : memref<1x16x32xbf16, #tpu.memory_space<hbm>> -> memref<16x32xbf16, #tpu.memory_space<hbm>>
        %dma_wait3A_68 = arith.constant 0 : i32
        %dma_wait3A_69 = arith.constant 0 : i32
        %dma_wait3A_70 = tpu.memref_slice %arg17[%dma_wait3A_68, %dma_wait3A_69] : memref<256x32xbf16, #tpu.memory_space<vmem>> -> memref<16x32xbf16, #tpu.memory_space<vmem>>
        tpu.wait_dma2 semaphore(%run_scoped3A : memref<!tpu.dma_semaphore, #tpu.memory_space<semaphore_mem>>) src(%dma_wait3A_70 : memref<16x32xbf16, #tpu.memory_space<vmem>>) dst(%dma_wait3A_67 : memref<16x32xbf16, #tpu.memory_space<hbm>>)
        tpu.yield
      }) : () -> ()
    } else {
    }
    return
  }
}

module attributes {stable_mosaic.version = 14 : i64} {
  func.func @_tc_body(%arg0: i32, %arg1: memref<2000x128xf32, #tpu.memory_space<vmem>>, %arg2: memref<2x2000x64xbf16, #tpu.memory_space<vmem>>, %arg3: memref<2x2000x32xbf16, #tpu.memory_space<vmem>>, %arg4: memref<128x128xf32, #tpu.memory_space<vmem>>, %arg5: memref<128x128xf32, #tpu.memory_space<vmem>>, %arg6: memref<1x128xf32, #tpu.memory_space<vmem>>, %arg7: memref<1x128xf32, #tpu.memory_space<vmem>>, %arg8: memref<1x128xf32, #tpu.memory_space<vmem>>, %arg9: memref<128x128xf32, #tpu.memory_space<vmem>>, %arg10: memref<1x128xf32, #tpu.memory_space<vmem>>, %arg11: memref<1x128xf32, #tpu.memory_space<vmem>>, %arg12: memref<1x128xf32, #tpu.memory_space<vmem>>, %arg13: memref<1x128xf32, #tpu.memory_space<vmem>>, %arg14: memref<1x128xf32, #tpu.memory_space<vmem>>, %arg15: memref<1x128xf32, #tpu.memory_space<vmem>>) attributes {dimension_semantics = [#tpu.dimension_semantics<arbitrary>], iteration_bounds = array<i64: 5>, scalar_prefetch = 0 : i64, scratch_operands = 1 : i64, tpu.core_type = #tpu.core_type<tc>, window_params = [{transform_indices = @transform_0, window_bounds = array<i64: 2000, 128>}, {transform_indices = @transform_1, window_bounds = array<i64: 2, 2000, 64>}, {transform_indices = @transform_2, window_bounds = array<i64: 2, 2000, 32>}, {pipeline_mode = #tpu.pipeline_mode<synchronous>, transform_indices = @transform_3, window_bounds = array<i64: 128, 128>}, {pipeline_mode = #tpu.pipeline_mode<synchronous>, transform_indices = @transform_4, window_bounds = array<i64: 128, 128>}, {pipeline_mode = #tpu.pipeline_mode<synchronous>, transform_indices = @transform_5, window_bounds = array<i64: 1, 128>}, {pipeline_mode = #tpu.pipeline_mode<synchronous>, transform_indices = @transform_6, window_bounds = array<i64: 1, 128>}, {pipeline_mode = #tpu.pipeline_mode<synchronous>, transform_indices = @transform_7, window_bounds = array<i64: 1, 128>}, {pipeline_mode = #tpu.pipeline_mode<synchronous>, transform_indices = @transform_8, window_bounds = array<i64: 128, 128>}, {pipeline_mode = #tpu.pipeline_mode<synchronous>, transform_indices = @transform_9, window_bounds = array<i64: 1, 128>}, {pipeline_mode = #tpu.pipeline_mode<synchronous>, transform_indices = @transform_10, window_bounds = array<i64: 1, 128>}, {pipeline_mode = #tpu.pipeline_mode<synchronous>, transform_indices = @transform_11, window_bounds = array<i64: 1, 128>}, {pipeline_mode = #tpu.pipeline_mode<synchronous>, transform_indices = @transform_12, window_bounds = array<i64: 1, 128>}, {pipeline_mode = #tpu.pipeline_mode<synchronous>, transform_indices = @transform_13, window_bounds = array<i64: 1, 128>}]} {
    %eq3A = arith.constant 0 : i32
    %eq3A_0 = arith.cmpi eq, %arg0, %eq3A : i32
    %convert_element_type3A = arith.extui %eq3A_0 : i1 to i32
    %cond3A = arith.constant 0 : i32
    %cond3A_1 = arith.cmpi ne, %convert_element_type3A, %cond3A : i32
    scf.if %cond3A_1 {
      %broadcast_in_dim3A_72 = arith.constant 0.000000e+00 : f32
      %broadcast_in_dim3A_73 = vector.broadcast %broadcast_in_dim3A_72 : f32 to vector<1x128xf32>
      %swap3A_74 = arith.constant 0 : index
      %swap3A_75 = arith.constant 0 : index
      %swap3A_76 = vector.load %arg15[%swap3A_74, %swap3A_75] : memref<1x128xf32, #tpu.memory_space<vmem>>, vector<1x128xf32>
      tpu.vector_store %arg15[%swap3A_74, %swap3A_75], %broadcast_in_dim3A_73 {strides = array<i32>} : memref<1x128xf32, #tpu.memory_space<vmem>>, vector<1x128xf32>,
    } else {
    }
    %get3A = arith.constant 0 : index
    %get3A_2 = arith.constant 0 : index
    %get3A_3 = arith.constant 0 : index
    %get3A_4 = vector.load %arg2[%get3A, %get3A_2, %get3A_3] : memref<2x2000x64xbf16, #tpu.memory_space<vmem>>, vector<1x2000x64xbf16>
    %get3A_5 = vector.shape_cast %get3A_4 : vector<1x2000x64xbf16> to vector<2000x64xbf16>
    %get3A_6 = arith.constant 1 : index
    %get3A_7 = arith.constant 0 : index
    %get3A_8 = arith.constant 0 : index
    %get3A_9 = vector.load %arg2[%get3A_6, %get3A_7, %get3A_8] : memref<2x2000x64xbf16, #tpu.memory_space<vmem>>, vector<1x2000x64xbf16>
    %get3A_10 = vector.shape_cast %get3A_9 : vector<1x2000x64xbf16> to vector<2000x64xbf16>
    %concatenate3A = tpu.concatenate %get3A_5, %get3A_10 in 1 : vector<2000x64xbf16>, vector<2000x64xbf16> -> vector<2000x128xbf16>
    %convert_element_type3A_11 = arith.extf %concatenate3A : vector<2000x128xbf16> to vector<2000x128xf32>
    %get3A_12 = arith.constant 0 : index
    %get3A_13 = arith.constant 0 : index
    %get3A_14 = arith.constant 0 : index
    %get3A_15 = vector.load %arg3[%get3A_12, %get3A_13, %get3A_14] : memref<2x2000x32xbf16, #tpu.memory_space<vmem>>, vector<1x2000x1xbf16>
    %get3A_16 = vector.shape_cast %get3A_15 : vector<1x2000x1xbf16> to vector<2000x1xbf16>
    %convert_element_type3A_17 = arith.extf %get3A_16 : vector<2000x1xbf16> to vector<2000x1xf32>
    %get3A_18 = arith.constant 1 : index
    %get3A_19 = arith.constant 0 : index
    %get3A_20 = arith.constant 0 : index
    %get3A_21 = vector.load %arg3[%get3A_18, %get3A_19, %get3A_20] : memref<2x2000x32xbf16, #tpu.memory_space<vmem>>, vector<1x2000x1xbf16>
    %get3A_22 = vector.shape_cast %get3A_21 : vector<1x2000x1xbf16> to vector<2000x1xbf16>
    %convert_element_type3A_23 = arith.extf %get3A_22 : vector<2000x1xbf16> to vector<2000x1xf32>
    %add3A = arith.addf %convert_element_type3A_17, %convert_element_type3A_23 : vector<2000x1xf32>
    %max3A = arith.constant 1.000000e+00 : f32
    %max3A_24 = vector.broadcast %max3A : f32 to vector<2000x1xf32>
    %max3A_25 = arith.maximumf %add3A, %max3A_24 : vector<2000x1xf32>
    %div3A = vector.broadcast %max3A_25 : vector<2000x1xf32> to vector<2000x128xf32>
    %div3A_26 = arith.divf %convert_element_type3A_11, %div3A : vector<2000x128xf32>
    %get3A_27 = arith.constant 0 : index
    %get3A_28 = arith.constant 0 : index
    %get3A_29 = vector.load %arg1[%get3A_27, %get3A_28] : memref<2000x128xf32, #tpu.memory_space<vmem>>, vector<2000x128xf32>
    %get3A_30 = arith.constant 0 : index
    %get3A_31 = arith.constant 0 : index
    %get3A_32 = vector.load %arg4[%get3A_30, %get3A_31] : memref<128x128xf32, #tpu.memory_space<vmem>>, vector<128x128xf32>
    %dot_general3A = arith.constant dense<0.000000e+00> : vector<2000x128xf32>
    %dot_general3A_33 = tpu.matmul %get3A_29, %get3A_32, %dot_general3A {dimension_numbers = #tpu.dot_dimension_numbers<[1], [0], [0], [1], [0, 0, 1, 1], [], []>, transpose_lhs_hint = false} : vector<2000x128xf32>, vector<128x128xf32>, vector<2000x128xf32> -> vector<2000x128xf32>
    %get3A_34 = arith.constant 0 : index
    %get3A_35 = arith.constant 0 : index
    %get3A_36 = vector.load %arg5[%get3A_34, %get3A_35] : memref<128x128xf32, #tpu.memory_space<vmem>>, vector<128x128xf32>
    %dot_general3A_37 = arith.constant dense<0.000000e+00> : vector<2000x128xf32>
    %dot_general3A_38 = tpu.matmul %div3A_26, %get3A_36, %dot_general3A_37 {dimension_numbers = #tpu.dot_dimension_numbers<[1], [0], [0], [1], [0, 0, 1, 1], [], []>, transpose_lhs_hint = false} : vector<2000x128xf32>, vector<128x128xf32>, vector<2000x128xf32> -> vector<2000x128xf32>
    %add3A_39 = arith.addf %dot_general3A_33, %dot_general3A_38 : vector<2000x128xf32>
    %get3A_40 = arith.constant 0 : index
    %get3A_41 = arith.constant 0 : index
    %get3A_42 = vector.load %arg6[%get3A_40, %get3A_41] : memref<1x128xf32, #tpu.memory_space<vmem>>, vector<1x128xf32>
    %add3A_43 = vector.broadcast %get3A_42 : vector<1x128xf32> to vector<2000x128xf32>
    %add3A_44 = arith.addf %add3A_39, %add3A_43 : vector<2000x128xf32>
    %mul3A = arith.constant 0.999994993 : f32
    %mul3A_45 = vector.broadcast %mul3A : f32 to vector<2000x128xf32>
    %mul3A_46 = arith.mulf %add3A_44, %mul3A_45 : vector<2000x128xf32>
    %get3A_47 = arith.constant 0 : index
    %get3A_48 = arith.constant 0 : index
    %get3A_49 = vector.load %arg7[%get3A_47, %get3A_48] : memref<1x128xf32, #tpu.memory_space<vmem>>, vector<1x128xf32>
    %mul3A_50 = vector.broadcast %get3A_49 : vector<1x128xf32> to vector<2000x128xf32>
    %mul3A_51 = arith.mulf %mul3A_46, %mul3A_50 : vector<2000x128xf32>
    %get3A_52 = arith.constant 0 : index
    %get3A_53 = arith.constant 0 : index
    %get3A_54 = vector.load %arg8[%get3A_52, %get3A_53] : memref<1x128xf32, #tpu.memory_space<vmem>>, vector<1x128xf32>
    %add3A_55 = vector.broadcast %get3A_54 : vector<1x128xf32> to vector<2000x128xf32>
    %add3A_56 = arith.addf %mul3A_51, %add3A_55 : vector<2000x128xf32>
    %max3A_57 = arith.constant 0.000000e+00 : f32
    %max3A_58 = vector.broadcast %max3A_57 : f32 to vector<2000x128xf32>
    %max3A_59 = arith.maximumf %add3A_56, %max3A_58 : vector<2000x128xf32>
    %get3A_60 = arith.constant 0 : index
    %get3A_61 = arith.constant 0 : index
    %get3A_62 = vector.load %arg15[%get3A_60, %get3A_61] : memref<1x128xf32, #tpu.memory_space<vmem>>, vector<1x128xf32>
    %reduce_sum3A = arith.constant dense<0.000000e+00> : vector<128xf32>
    %reduce_sum3A_63 = vector.multi_reduction <add>, %max3A_59, %reduce_sum3A [0] : vector<2000x128xf32> to vector<128xf32>
    %broadcast_in_dim3A = vector.shape_cast %reduce_sum3A_63 : vector<128xf32> to vector<1x128xf32>
    %add3A_64 = arith.addf %get3A_62, %broadcast_in_dim3A : vector<1x128xf32>
    %swap3A = arith.constant 0 : index
    %swap3A_65 = arith.constant 0 : index
    %swap3A_66 = vector.load %arg15[%swap3A, %swap3A_65] : memref<1x128xf32, #tpu.memory_space<vmem>>, vector<1x128xf32>
    tpu.vector_store %arg15[%swap3A, %swap3A_65], %add3A_64 {strides = array<i32>} : memref<1x128xf32, #tpu.memory_space<vmem>>, vector<1x128xf32>,
    %eq3A_67 = arith.constant 4 : i32
    %eq3A_68 = arith.cmpi eq, %arg0, %eq3A_67 : i32
    %convert_element_type3A_69 = arith.extui %eq3A_68 : i1 to i32
    %cond3A_70 = arith.constant 0 : i32
    %cond3A_71 = arith.cmpi ne, %convert_element_type3A_69, %cond3A_70 : i32
    scf.if %cond3A_71 {
      %get3A_72 = arith.constant 0 : index
      %get3A_73 = arith.constant 0 : index
      %get3A_74 = vector.load %arg15[%get3A_72, %get3A_73] : memref<1x128xf32, #tpu.memory_space<vmem>>, vector<1x128xf32>
      %get3A_75 = arith.constant 0 : index
      %get3A_76 = arith.constant 0 : index
      %get3A_77 = vector.load %arg9[%get3A_75, %get3A_76] : memref<128x128xf32, #tpu.memory_space<vmem>>, vector<128x128xf32>
      %dot_general3A_78 = arith.constant dense<0.000000e+00> : vector<1x128xf32>
      %dot_general3A_79 = tpu.matmul %get3A_74, %get3A_77, %dot_general3A_78 {dimension_numbers = #tpu.dot_dimension_numbers<[1], [0], [0], [1], [0, 0, 1, 1], [], []>, transpose_lhs_hint = false} : vector<1x128xf32>, vector<128x128xf32>, vector<1x128xf32> -> vector<1x128xf32>
      %get3A_80 = arith.constant 0 : index
      %get3A_81 = arith.constant 0 : index
      %get3A_82 = vector.load %arg10[%get3A_80, %get3A_81] : memref<1x128xf32, #tpu.memory_space<vmem>>, vector<1x128xf32>
      %add3A_83 = arith.addf %dot_general3A_79, %get3A_82 : vector<1x128xf32>
      %max3A_84 = arith.constant 0.000000e+00 : f32
      %max3A_85 = vector.broadcast %max3A_84 : f32 to vector<1x128xf32>
      %max3A_86 = arith.maximumf %add3A_83, %max3A_85 : vector<1x128xf32>
      %mul3A_87 = arith.constant 0.999994993 : f32
      %mul3A_88 = vector.broadcast %mul3A_87 : f32 to vector<1x128xf32>
      %mul3A_89 = arith.mulf %max3A_86, %mul3A_88 : vector<1x128xf32>
      %get3A_90 = arith.constant 0 : index
      %get3A_91 = arith.constant 0 : index
      %get3A_92 = vector.load %arg11[%get3A_90, %get3A_91] : memref<1x128xf32, #tpu.memory_space<vmem>>, vector<1x128xf32>
      %mul3A_93 = arith.mulf %mul3A_89, %get3A_92 : vector<1x128xf32>
      %get3A_94 = arith.constant 0 : index
      %get3A_95 = arith.constant 0 : index
      %get3A_96 = vector.load %arg12[%get3A_94, %get3A_95] : memref<1x128xf32, #tpu.memory_space<vmem>>, vector<1x128xf32>
      %add3A_97 = arith.addf %mul3A_93, %get3A_96 : vector<1x128xf32>
      %swap3A_98 = arith.constant 0 : index
      %swap3A_99 = arith.constant 0 : index
      %swap3A_100 = vector.load %arg14[%swap3A_98, %swap3A_99] : memref<1x128xf32, #tpu.memory_space<vmem>>, vector<1x128xf32>
      tpu.vector_store %arg14[%swap3A_98, %swap3A_99], %add3A_97 {strides = array<i32>} : memref<1x128xf32, #tpu.memory_space<vmem>>, vector<1x128xf32>,
      %dot_general3A_101 = arith.constant dense<0.000000e+00> : vector<1x128xf32>
      %dot_general3A_102 = tpu.matmul %add3A_97, %get3A_77, %dot_general3A_101 {dimension_numbers = #tpu.dot_dimension_numbers<[1], [0], [0], [1], [0, 0, 1, 1], [], []>, transpose_lhs_hint = false} : vector<1x128xf32>, vector<128x128xf32>, vector<1x128xf32> -> vector<1x128xf32>
      %get3A_103 = arith.constant 0 : index
      %get3A_104 = arith.constant 0 : index
      %get3A_105 = vector.load %arg10[%get3A_103, %get3A_104] : memref<1x128xf32, #tpu.memory_space<vmem>>, vector<1x128xf32>
      %add3A_106 = arith.addf %dot_general3A_102, %get3A_105 : vector<1x128xf32>
      %max3A_107 = arith.constant 0.000000e+00 : f32
      %max3A_108 = vector.broadcast %max3A_107 : f32 to vector<1x128xf32>
      %max3A_109 = arith.maximumf %add3A_106, %max3A_108 : vector<1x128xf32>
      %mul3A_110 = arith.constant 0.999994993 : f32
      %mul3A_111 = vector.broadcast %mul3A_110 : f32 to vector<1x128xf32>
      %mul3A_112 = arith.mulf %max3A_109, %mul3A_111 : vector<1x128xf32>
      %get3A_113 = arith.constant 0 : index
      %get3A_114 = arith.constant 0 : index
      %get3A_115 = vector.load %arg11[%get3A_113, %get3A_114] : memref<1x128xf32, #tpu.memory_space<vmem>>, vector<1x128xf32>
      %mul3A_116 = arith.mulf %mul3A_112, %get3A_115 : vector<1x128xf32>
      %get3A_117 = arith.constant 0 : index
      %get3A_118 = arith.constant 0 : index
      %get3A_119 = vector.load %arg12[%get3A_117, %get3A_118] : memref<1x128xf32, #tpu.memory_space<vmem>>, vector<1x128xf32>
      %add3A_120 = arith.addf %mul3A_116, %get3A_119 : vector<1x128xf32>
      %reduce_max3A = arith.constant dense<0xFF800000> : vector<1xf32>
      %reduce_max3A_121 = vector.multi_reduction <maximumf>, %add3A_120, %reduce_max3A [1] : vector<1x128xf32> to vector<1xf32>
      %broadcast_in_dim3A_122 = vector.shape_cast %reduce_max3A_121 : vector<1xf32> to vector<1x1xf32>
      %sub3A = vector.broadcast %broadcast_in_dim3A_122 : vector<1x1xf32> to vector<1x128xf32>
      %sub3A_123 = arith.subf %add3A_120, %sub3A : vector<1x128xf32>
      %exp3A = math.exp %sub3A_123 : vector<1x128xf32>
      %reduce_sum3A_124 = arith.constant dense<0.000000e+00> : vector<1xf32>
      %reduce_sum3A_125 = vector.multi_reduction <add>, %exp3A, %reduce_sum3A_124 [1] : vector<1x128xf32> to vector<1xf32>
      %broadcast_in_dim3A_126 = vector.shape_cast %reduce_sum3A_125 : vector<1xf32> to vector<1x1xf32>
      %log3A = math.log %broadcast_in_dim3A_126 : vector<1x1xf32>
      %add3A_127 = arith.addf %log3A, %broadcast_in_dim3A_122 : vector<1x1xf32>
      %sub3A_128 = vector.broadcast %add3A_127 : vector<1x1xf32> to vector<1x128xf32>
      %sub3A_129 = arith.subf %add3A_120, %sub3A_128 : vector<1x128xf32>
      %swap3A_130 = arith.constant 0 : index
      %swap3A_131 = arith.constant 0 : index
      %swap3A_132 = vector.load %arg13[%swap3A_130, %swap3A_131] : memref<1x128xf32, #tpu.memory_space<vmem>>, vector<1x128xf32>
      tpu.vector_store %arg13[%swap3A_130, %swap3A_131], %sub3A_129 {strides = array<i32>} : memref<1x128xf32, #tpu.memory_space<vmem>>, vector<1x128xf32>,
    } else {
    }
    return
  }
  func.func @transform_0(%arg0: i32) -> (i32, i32) {
    %c0_i32 = arith.constant 0 : i32
    %c0_i32_0 = arith.constant 0 : i32
    return %arg0, %c0_i32 : i32, i32
  }
  func.func @transform_1(%arg0: i32) -> (i32, i32, i32) {
    %c0_i32 = arith.constant 0 : i32
    %c0_i32_0 = arith.constant 0 : i32
    %c0_i32_1 = arith.constant 0 : i32
    return %c0_i32, %arg0, %c0_i32_0 : i32, i32, i32
  }
  func.func @transform_2(%arg0: i32) -> (i32, i32, i32) {
    %c0_i32 = arith.constant 0 : i32
    %c0_i32_0 = arith.constant 0 : i32
    %c0_i32_1 = arith.constant 0 : i32
    return %c0_i32, %arg0, %c0_i32_0 : i32, i32, i32
  }
  func.func @transform_3(%arg0: i32) -> (i32, i32) {
    %c0_i32 = arith.constant 0 : i32
    %c0_i32_0 = arith.constant 0 : i32
    %c0_i32_1 = arith.constant 0 : i32
    return %c0_i32, %c0_i32_0 : i32, i32
  }
  func.func @transform_4(%arg0: i32) -> (i32, i32) {
    %c0_i32 = arith.constant 0 : i32
    %c0_i32_0 = arith.constant 0 : i32
    %c0_i32_1 = arith.constant 0 : i32
    return %c0_i32, %c0_i32_0 : i32, i32
  }
  func.func @transform_5(%arg0: i32) -> (i32, i32) {
    %c0_i32 = arith.constant 0 : i32
    %c0_i32_0 = arith.constant 0 : i32
    %c0_i32_1 = arith.constant 0 : i32
    return %c0_i32, %c0_i32_0 : i32, i32
  }
  func.func @transform_6(%arg0: i32) -> (i32, i32) {
    %c0_i32 = arith.constant 0 : i32
    %c0_i32_0 = arith.constant 0 : i32
    %c0_i32_1 = arith.constant 0 : i32
    return %c0_i32, %c0_i32_0 : i32, i32
  }
  func.func @transform_7(%arg0: i32) -> (i32, i32) {
    %c0_i32 = arith.constant 0 : i32
    %c0_i32_0 = arith.constant 0 : i32
    %c0_i32_1 = arith.constant 0 : i32
    return %c0_i32, %c0_i32_0 : i32, i32
  }
  func.func @transform_8(%arg0: i32) -> (i32, i32) {
    %c0_i32 = arith.constant 0 : i32
    %c0_i32_0 = arith.constant 0 : i32
    %c0_i32_1 = arith.constant 0 : i32
    return %c0_i32, %c0_i32_0 : i32, i32
  }
  func.func @transform_9(%arg0: i32) -> (i32, i32) {
    %c0_i32 = arith.constant 0 : i32
    %c0_i32_0 = arith.constant 0 : i32
    %c0_i32_1 = arith.constant 0 : i32
    return %c0_i32, %c0_i32_0 : i32, i32
  }
  func.func @transform_10(%arg0: i32) -> (i32, i32) {
    %c0_i32 = arith.constant 0 : i32
    %c0_i32_0 = arith.constant 0 : i32
    %c0_i32_1 = arith.constant 0 : i32
    return %c0_i32, %c0_i32_0 : i32, i32
  }
  func.func @transform_11(%arg0: i32) -> (i32, i32) {
    %c0_i32 = arith.constant 0 : i32
    %c0_i32_0 = arith.constant 0 : i32
    %c0_i32_1 = arith.constant 0 : i32
    return %c0_i32, %c0_i32_0 : i32, i32
  }
  func.func @transform_12(%arg0: i32) -> (i32, i32) {
    %c0_i32 = arith.constant 0 : i32
    %c0_i32_0 = arith.constant 0 : i32
    %c0_i32_1 = arith.constant 0 : i32
    return %c0_i32, %c0_i32_0 : i32, i32
  }
  func.func @transform_13(%arg0: i32) -> (i32, i32) {
    %c0_i32 = arith.constant 0 : i32
    %c0_i32_0 = arith.constant 0 : i32
    %c0_i32_1 = arith.constant 0 : i32
    return %c0_i32, %c0_i32_0 : i32, i32
  }
}

</mosaic_0001>

<sc_bundles>
// kernel: kernel.4.cloned.1.call-start
scs
__scs_entry_jumppad:
0x0: {  	(pc) =	sbr.rel $0x88, $3  }
0x1: {  	(tag) =	ssettag $0x0;
	lr =	simm.s32 $0x1  }
0x2: {  	[smem:$0x3F96] =	sst lr;
	_ =	strace $0xD0000000  }
0x3: {  	_ = 	snop  }
0x4: {  	_ = 	snop  }
0x5: {  	_ = 	snop  }
0x6: {  	_ = 	snop  }
0x7: {  	_ = 	snop  }
__scs_overlays_trampoline_lowered:
0x8: {  	[smem:$0x3FA5] =	sst s0  }
0x9: {  	[smem:$0x3FA6] =	sst s1  }
0xa: {  	[smem:$0x3FA7] =	sst s2  }
0xb: {  	[smem:$0x3FA8] =	sst s3  }
0xc: {  	[smem:$0x3FA9] =	sst s4  }
0xd: {  	[smem:$0x3FAA] =	sst s5  }
0xe: {  	[smem:$0x3FAB] =	sst s6  }
0xf: {  	[smem:$0x3FAC] =	sst s7  }
0x10: {  	[smem:$0x3FAD] =	sst s8  }
0x11: {  	[smem:$0x3FAE] =	sst s9;
	s0 =	simm.s32 @!p0 $0x0  }
0x12: {  	s1 =	sld [smem:$0x3F94];
	s0 =	simm.s32 @p0 $0x1  }
0x13: {  	[smem:$0x3FAF] =	sst s0;
	s0 =	simm.s32 @!p1 $0x0  }
0x14: {  	s2 =	sld [smem:$0x3F93];
	s0 =	simm.s32 @p1 $0x1  }
0x15: {  	[smem:$0x3FB0] =	sst s0;
	s0 =	simm.s32 @!p2 $0x0  }
0x16: {  	s3 =	sld [smem:$0x3FDB];
	s0 =	simm.s32 @p2 $0x1  }
0x17: {  	s4 =	simm.s32 $0x1BF5;
	[smem:$0x3FB2] =	sst s0  }
0x18: {  	s0 =	sld [smem:$0x3F95];
	_ =	swait.ge [sflag:s4], $0x0  }
0x19: {  	s7 =	sld [smem:$0x3F96]  }
0x1a: {  	s8 =	sadd.s32 $0xFFFFE003, lr  }
0x1b: {  	s9 =	sadd.s32 $0xFFFFFEF7, lr;
	s5 =	simm.s32 $0xFFFFFFFF;
	p2 =	slt.u32 s8, $0xFFFFF086  }
0x1c: {  	p1 =	slt.u32 s9, $0xF7A;
	s5 =	simm.s32 @!p2 $0x0  }
0x1d: {  	s5 =	simm.s32 @p1 $0x1;
	p0 =	seq.s32 s7, s2  }
0x1e: {  	s7 =	smul.u32 @!p0 $0xF7A, s2;
	p2 =	seq.s32 @!p0 s5, $0x0  }
0x1f: {  	s9 =	smul.u32 $0xF7A, s1;
	s8 =	simm.s32 @!p0 $0x1BF5;
	p2 =	por !p2, p0  }
0x20: {  	[sflag:s8] =	ssyncset.s32 @!p0 $0xFFFFF086;
	s6 =	sadd.s32 @!p0 s3, s7;
	s7 =	simm.s32 @!p0 $0x108  }
0x21: {  	s3 =	sadd.s32 s3, s9;
	s6 =	sadd.s32 @!p0 $0x88, s6;
	s7 =	simm.s32 @p2 $0x1082  }
0x22: {  	[simem:s7], [sflag:s8] =	dma.local @!p0 [hbm:s6], $0xF7A  }
0x23: {  	s9 =	sor.u32 $0xD0000000, s2;
	s6 =	simm.s32 $0x108;
	_ =	swait.ge @!p0 [sflag:s8], $0x0  }
0x24: {  	s3 =	sadd.s32 $0x88, s3;
	s6 =	simm.s32 @!p1 $0x1082;
	[sflag:s4] =	ssyncset.s32 $0xFFFFF086  }
0x25: {  	[simem:s6], [sflag:s4] =	dma.local [hbm:s3], $0xF7A  }
0x26: {  	[smem:$0x3F96] =	sst s1;
	(tag) =	ssettag s2;
	_ =	strace s9  }
0x27: {  	s1 =	sld [smem:$0x3FA6]  }
0x28: {  	s2 =	sld [smem:$0x3FA7]  }
0x29: {  	s4 =	sld [smem:$0x3FA9]  }
0x2a: {  	p0 =	seq.s32 s5, $0x0;
	s5 =	sld [smem:$0x3FAA]  }
0x2b: {  	s6 =	sld [smem:$0x3FAB]  }
0x2c: {  	s7 =	sld [smem:$0x3FAC]  }
0x2d: {  	s3 =	simm.s32 $0x108;
	s8 =	sld [smem:$0x3FAD]  }
0x2e: {  	s3 =	simm.s32 @!p0 $0x1082;
	s9 =	sld [smem:$0x3FAE]  }
0x2f: {  	lr =	sadd.s32 s0, s3;
	s0 =	sld [smem:$0x3FA5]  }
0x30: {  	s3 =	sld [smem:$0x3FA8]  }
0x31: {  	[smem:$0x3FB1] =	sst s10  }
0x32: {  	s10 =	sld [smem:$0x3FAF];
	_ =	sdelay $0x3  }
0x33: {  	p0 =	seq.s32 s10, $0x1;
	s10 =	sld [smem:$0x3FB1];
	_ =	sdelay $0x3  }
0x34: {  	[smem:$0x3FB1] =	sst s10  }
0x35: {  	s10 =	sld [smem:$0x3FB0];
	_ =	sdelay $0x3  }
0x36: {  	p1 =	seq.s32 s10, $0x1;
	s10 =	sld [smem:$0x3FB1];
	_ =	sdelay $0x3  }
0x37: {  	[smem:$0x3FB1] =	sst s10  }
0x38: {  	s10 =	sld [smem:$0x3FB2]  }
0x39: {  	_ = 	snop;
	(pc) =	sbr.ind lr, $3  }
0x3a: {  	_ = 	snop  }
0x3b: {  	_ = 	snop  }
0x3c: {  	p2 =	seq.s32 s10, $0x1;
	s10 =	sld [smem:$0x3FB1]  }
0x3d: {  	_ =	shalt  }
0x3e: {  	_ =	shalt  }
0x3f: {  	_ =	shalt  }
0x40: {  	_ =	shalt  }
0x41: {  	_ =	shalt  }
0x42: {  	_ =	shalt  }
0x43: {  	_ =	shalt  }
0x44: {  	_ =	shalt  }
0x45: {  	_ =	shalt  }
0x46: {  	_ =	shalt  }
0x47: {  	_ =	shalt  }
0x48: {  	_ =	shalt  }
0x49: {  	_ =	shalt  }
0x4a: {  	_ =	shalt  }
0x4b: {  	_ =	shalt  }
0x4c: {  	_ =	shalt  }
0x4d: {  	_ =	shalt  }
0x4e: {  	_ =	shalt  }
0x4f: {  	_ =	shalt  }
0x50: {  	_ =	shalt  }
0x51: {  	_ =	shalt  }
0x52: {  	_ =	shalt  }
0x53: {  	_ =	shalt  }
0x54: {  	_ =	shalt  }
0x55: {  	_ =	shalt  }
0x56: {  	_ =	shalt  }
0x57: {  	_ =	shalt  }
0x58: {  	_ =	shalt  }
0x59: {  	_ =	shalt  }
0x5a: {  	_ =	shalt  }
0x5b: {  	_ =	shalt  }
0x5c: {  	_ =	shalt  }
0x5d: {  	_ =	shalt  }
0x5e: {  	_ =	shalt  }
0x5f: {  	_ =	shalt  }
0x60: {  	_ =	shalt  }
0x61: {  	_ =	shalt  }
0x62: {  	_ =	shalt  }
0x63: {  	_ =	shalt  }
0x64: {  	_ =	shalt  }
0x65: {  	_ =	shalt  }
0x66: {  	_ =	shalt  }
0x67: {  	_ =	shalt  }
0x68: {  	_ =	shalt  }
0x69: {  	_ =	shalt  }
0x6a: {  	_ =	shalt  }
0x6b: {  	_ =	shalt  }
0x6c: {  	_ =	shalt  }
0x6d: {  	_ =	shalt  }
0x6e: {  	_ =	shalt  }
0x6f: {  	_ =	shalt  }
0x70: {  	_ =	shalt  }
0x71: {  	_ =	shalt  }
0x72: {  	_ =	shalt  }
0x73: {  	_ =	shalt  }
0x74: {  	_ =	shalt  }
0x75: {  	_ =	shalt  }
0x76: {  	_ =	shalt  }
0x77: {  	_ =	shalt  }
0x78: {  	_ =	shalt  }
0x79: {  	_ =	shalt  }
0x7a: {  	_ =	shalt  }
0x7b: {  	_ =	shalt  }
0x7c: {  	_ =	shalt  }
0x7d: {  	_ =	shalt  }
0x7e: {  	_ =	shalt  }
0x7f: {  	_ =	shalt  }
0x80: {  	_ =	shalt  }
0x81: {  	_ =	shalt  }
0x82: {  	_ =	shalt  }
0x83: {  	_ =	shalt  }
0x84: {  	_ =	shalt  }
0x85: {  	_ =	shalt  }
0x86: {  	_ =	shalt  }
0x87: {  	_ =	shalt  }
.Lfunc_end0:
.L_simem_size_0:
called_computation_lowered:
.L_overlay_start_0:
0x88: {  	s2 =	sld [smem:$0x3FD9]  }
0x89: {  	s3 =	sld [smem:$0x3FFE];
	_ =	sdelay $0x1  }
0x8a: {  	s1 =	srdreg.scid  }
0x8b: {  	s0 =	sand.u32 $0x1, s1  }
0x8c: {  	s16 =	sshll.u32 s0, $0xA;
	s2 =	sadd.s32 s3, s2  }
0x8d: {  	s2 =	sadd.s32 s2, s16  }
0x8e: {  	[smem:$0x3FBD] =	sst s2  }
0x8f: {  	_ = 	snop  }
0x90: {  	(tm) =	ssettm $0x1  }
0x91: {  	s17 =	sld [smem:$0x3FFB];
	_ =	sdelay $0x3  }
0x92: {  	_ =	strace s17  }
0x93: {  	s2 =	sld [smem:$0x3FFC];
	_ =	sdelay $0x3  }
0x94: {  	_ =	strace s2  }
0x95: {  	s2 =	sld [smem:$0x3FFD];
	_ =	sdelay $0x3  }
0x96: {  	_ =	strace s2  }
0x97: {  	_ =	strace $0x8FFFFFFF  }
0x98: {  	s18 =	sld [smem:$0x3FDB];
	_ =	sdelay $0x1  }
0x99: {  	s19 =	simm.s32 $_scs_section_size  }
0x9a: {  	s4 =	simm.s32 $_size__tile_overlayer_lowered;
	s5 =	simm.s32 $_tile_overlayer_lowered  }
0x9b: {  	s22 =	simm.s32 $0x1BFF;
	s21 =	sshll.u32 s5, $0x1;
	s2 =	sadd.s32 s19, s18  }
0x9c: {  	s6 =	simm.s32 $0x0;
	s20 =	sshll.u32 s4, $0x1;
	s4 =	sadd.s32 s21, s2  }
0x9d: {  	[timem:s6], [sflag:s22] =	dma.local [hbm:s4], s20  }
0x9e: {  	_ =	swait.ge [sflag:s22], s20  }
0x9f: {  	s3 =	ssub.s32 $0x0, s20;
	[sflag:s22] =	ssyncset.done $0x0  }
0xa0: {  	[sflag:s22] =	ssyncadd.s32 s3;
	_ =	sdelay $0x1  }
0xa1: {  	s23 =	simm.s32 $0x1B8B  }
0xa2: {  	_ =	swait.ge [sflag:s23], $0x1  }
0xa3: {  	[sflag:s23] =	ssyncset.done $0x0  }
0xa4: {  	s25 =	simm.s32 $0x1B8E;
	s24 =	sld [smem:$0x3FFE];
	[sflag:s23] =	ssyncadd.s32 $0xFFFFFFFF  }
0xa5: {  	s26 =	simm.s32 $execute0_lowered;
	[smem:$0x3FD2] =	sst s25  }
0xa6: {  	s4 =	sshll.u32 s26, $0x1;
	_ =	strace $0x80000046;
	[dreg:$0x1] =	wrdreg $0xFFFFFFFF  }
0xa7: {  	s28 =	simm.s32 $_size_execute0_lowered;
	s2 =	sadd.s32 s2, s4;
	[dreg:$0x0] =	wrdreg $0x0  }
0xa8: {  	s4 =	sshll.u32 s28, $0x1;
	[dreg:$0x2] =	wrdreg s2  }
0xa9: {  	[dreg:$0x3] =	wrdreg s4  }
0xaa: {  	[dreg:$0x4] =	wrdreg $0xC0  }
0xab: {  	_ =	task [dreg:s6], $0x5FFFF  }
0xac: {  	[dreg:$0x1] =	wrdreg $0xFFFFFFFF  }
0xad: {  	[dreg:$0x0] =	wrdreg $0x60  }
0xae: {  	[dreg:$0x2] =	wrdreg s24  }
0xaf: {  	[dreg:$0x3] =	wrdreg $0xA8000  }
0xb0: {  	[dreg:$0x4] =	wrdreg $0xF6300  }
0xb1: {  	[dreg:$0x5] =	wrdreg $0x9  }
0xb2: {  	_ =	task.clear_ibuf [dreg:s6], $0x6FFFF;
	_ =	strace $0x90000046  }
0xb3: {  	s29 =	simm.s32 $0x9;
	_ =	strace $0x80000048  }
0xb4: {  	_ =	swait.ge [sflag:s29], $0x1  }
0xb5: {  	[sflag:s29] =	ssyncadd.s32 $0xFFFFFFFF  }
0xb6: {  	_ =	strace $0x90000048  }
0xb7: {  	_ =	sfence  }
0xb8: {  	s30 =	sld [smem:$0x0];
	_ =	sdelay $0x2  }
0xb9: {  	s31 =	sshll.u32 s1, $0xD;
	s1 =	sshrl.u32 s1, $0x2  }
0xba: {  	s3 =	sand.u32 $0x4000, s31;
	s1 =	sadd.s32 s1, s30  }
0xbb: {  	s0 =	sor.u32 s3, s0;
	s1 =	sshll.u32 s1, $0x11  }
0xbc: {  	s0 =	sor.u32 s1, s0  }
0xbd: {  	s0 =	sadd.s32 $0x8F2B, s0  }
0xbe: {  	[sflag:s0] =	ssyncadd.remote.s32 $0x1  }
0xbf: {  	_ =	sfence.sel $0xFFFF  }
0xc0: {  	[dreg:$0x0] =	wrdreg $0xFFFFFFFF;
	(pc) =	sbr.abs _section_cstart, $3  }
0xc1: {  	[dreg:$0x1] =	wrdreg $0xFFFFFFFF  }
0xc2: {  	_ =	task.clear_ibuf [dreg:s6], $0x2FFFF;
	_ =	strace $0x9FFFFFFF  }
0xc3: {  	(tm) =	ssettm $0x7FFFFFFF  }
tec
execute0_lowered:
.L_overlay_start_1:
0x0: {  	(tag) =	ssettag $0x1  }
0x1: {  	s3 =	rddreg [dreg:$0x0]  }
0x2: {  	s1 =	rddreg [dreg:$0x1]  }
0x3: {  	s2 =	rddreg [dreg:$0x2];
	s22 =	stileid.u32  }
0x4: {  	s0 =	srdreg.scid;
	s4 =	simm.s32 $0x0;
	s7 =	smul.u32 $0x270, s22  }
0x5: {  	s31 =	simm.s32 $0x80;
	s5 =	sand.u32 $0x1, s0;
	s14 =	smul.u32 $0x9C00, s22  }
0x6: {  	[smem:$0x7FF] =	sst s4;
	s15 =	sadd.s32 $0x29800, s3;
	s12 =	smul.u32 $0x4E00, s22  }
0x7: {  	p0 =	sne.s32 s22, $0xF;
	s0 =	ssub.s32 $0x2, s5;
	_ =	strace $0x80000047  }
0x8: {  	s17 =	smul.u32 $0x9C400, s5;
	s6 =	sshrl.u32 s0, $0x1;
	s18 =	sadd.s32 $0x80, s7  }
0x9: {  	s19 =	sadd.s32 $0x100, s7;
	s16 =	sadd.s32 $0x180, s7;
	s0 =	ssub.s32 s0, s6  }
0xa: {  	s8 =	sshll.u32 s18, $0x6;
	s9 =	sshll.u32 s18, $0x5;
	s13 =	sshll.u32 s19, $0x6  }
0xb: {  	s10 =	sshll.u32 s19, $0x5;
	s11 =	sshll.u32 s16, $0x6;
	s6 =	sshll.u32 s16, $0x5  }
0xc: {  	s16 =	sadd.s32 $0x200, s7;
	s18 =	sadd.s32 s14, s17;
	s14 =	sshrl.u32 s14, $0x1  }
0xd: {  	s7 =	sshll.u32 s16, $0x6;
	s18 =	sshrl.u32 s18, $0x4;
	s19 =	sadd.s32 s17, s8  }
0xe: {  	s21 =	sadd.s32 s17, s13;
	s24 =	sadd.s32 s17, s11;
	s0 =	smax.u32 s0, $0x1  }
0xf: {  	s18 =	sadd.s32 s15, s18;
	s20 =	sshrl.u32 s19, $0x4;
	[smem:$0x7F9] =	sst s0  }
0x10: {  	s23 =	sshrl.u32 s21, $0x4;
	s21 =	simm.s32 $0x200;
	[dreg:$0x9] =	wrdreg s18  }
0x11: {  	s25 =	sshrl.u32 s24, $0x4;
	s24 =	simm.s32 $0x500;
	[dreg:$0x4] =	wrdreg s21  }
0x12: {  	s16 =	sshll.u32 s16, $0x5;
	s18 =	sadd.s32 s15, s20;
	[dreg:$0x6] =	wrdreg s24  }
0x13: {  	s26 =	sadd.s32 s17, s7;
	[dreg:$0xa] =	wrdreg s18;
	s18 =	sadd.s32 s15, s23  }
0x14: {  	s20 =	sshrl.u32 s26, $0x4;
	[dreg:$0xb] =	wrdreg s18;
	s18 =	sadd.s32 s15, s25  }
0x15: {  	s17 =	sshrl.u32 s17, $0x4;
	[dreg:$0xc] =	wrdreg s18;
	s18 =	sadd.s32 s15, s20  }
0x16: {  	s23 =	simm.s32 $0x300;
	[dreg:$0xd] =	wrdreg s18;
	s18 =	smul.u32 $0x4E200, s5  }
0x17: {  	s0 =	simm.s32 $0x6800;
	[dreg:$0x5] =	wrdreg s23;
	s15 =	sadd.s32 s15, s17  }
0x18: {  	s20 =	sadd.s32 $0x3D200, s3;
	s25 =	sadd.s32 s12, s18;
	s26 =	sadd.s32 s18, s9  }
0x19: {  	s21 =	sadd.s32 s18, s10;
	s23 =	sadd.s32 s18, s6;
	s10 =	sshrl.u32 s10, $0x1  }
0x1a: {  	s17 =	sshrl.u32 s25, $0x4;
	s19 =	sshrl.u32 s26, $0x4;
	s29 =	sadd.s32 s10, s2  }
0x1b: {  	s24 =	sshrl.u32 s23, $0x4;
	s17 =	sadd.s32 s20, s17;
	[dreg:$0x1a] =	wrdreg s29  }
0x1c: {  	s23 =	smul.u32 $0xA00, s22;
	s19 =	sadd.s32 s20, s19;
	[dreg:$0xe] =	wrdreg s17  }
0x1d: {  	s10 =	simm.s32 $0x800;
	[dreg:$0xf] =	wrdreg s19;
	s17 =	sshrl.u32 s21, $0x4  }
0x1e: {  	s21 =	sadd.s32 s18, s16;
	s19 =	smul.u32 $0x9C40, s5;
	s18 =	sshrl.u32 s18, $0x4  }
0x1f: {  	s16 =	sshrl.u32 s16, $0x1;
	s17 =	sadd.s32 s20, s17;
	s25 =	sshrl.u32 s21, $0x4  }
0x20: {  	s18 =	sadd.s32 s20, s18;
	s21 =	sadd.s32 $0x1800, s3;
	[dreg:$0x10] =	wrdreg s17  }
0x21: {  	s17 =	sadd.s32 s20, s24;
	s26 =	sadd.s32 s20, s25;
	[dreg:$0x14] =	wrdreg s21  }
0x22: {  	s24 =	simm.s32 $0x600;
	s25 =	simm.s32 $0x700;
	[dreg:$0x11] =	wrdreg s17  }
0x23: {  	s21 =	sadd.s32 s16, s2;
	s20 =	sadd.s32 $0x4E00, s18;
	[dreg:$0x12] =	wrdreg s26  }
0x24: {  	s16 =	simm.s32 $0x2800;
	s18 =	simm.s32 $0x1;
	[dreg:$0x7] =	wrdreg s24  }
0x25: {  	[dreg:$0x8] =	wrdreg s25;
	s17 =	sadd.s32 s19, s3;
	s19 =	sadd.s32 s23, s3  }
0x26: {  	s26 =	sadd.s32 $0x1A00, s3;
	s3 =	sadd.s32 $0x1600, s3;
	[smem:$0x7F8] =	sst s20  }
0x27: {  	s23 =	sadd.s32 s14, s1;
	s24 =	sshrl.u32 s12, $0x1;
	[dreg:$0x1e] =	wrdreg s21  }
0x28: {  	s25 =	sshrl.u32 s8, $0x1;
	s12 =	sshrl.u32 s11, $0x1;
	[dreg:$0x13] =	wrdreg s26  }
0x29: {  	s14 =	sshrl.u32 s7, $0x1;
	s11 =	simm.s32 $0x5;
	[dreg:$0x15] =	wrdreg s3  }
0x2a: {  	s20 =	simm.s32 $0x4;
	[smem:$0x7F7] =	sst s23;
	s3 =	sadd.s32 s24, s2  }
0x2b: {  	s30 =	sadd.s32 $0x1E00, s17;
	s17 =	sadd.s32 $0x9C00, s15;
	[dreg:$0x16] =	wrdreg s3  }
0x2c: {  	s26 =	sshrl.u32 s9, $0x1;
	s23 =	sadd.s32 $0x15800, s19;
	[dreg:$0x1f] =	wrdreg s17  }
0x2d: {  	s9 =	sshrl.u32 s13, $0x1;
	s7 =	sadd.s32 s14, s1;
	[smem:$0x7FA] =	sst s23  }
0x2e: {  	s8 =	sadd.s32 s12, s1;
	s12 =	sadd.s32 $0x27000, s2;
	[dreg:$0x1d] =	wrdreg s7  }
0x2f: {  	s13 =	sshrl.u32 s6, $0x1;
	s3 =	sadd.s32 s25, s1;
	[smem:$0x7FD] =	sst s12  }
0x30: {  	s14 =	simm.s32 $0x400;
	s25 =	sadd.s32 $0x1F800, s19;
	[dreg:$0x17] =	wrdreg s3  }
0x31: {  	s15 =	simm.s32 $0x100;
	s26 =	sadd.s32 s26, s2;
	[smem:$0x7FB] =	sst s25  }
0x32: {  	s28 =	sadd.s32 s9, s1;
	s24 =	sadd.s32 s13, s2;
	[dreg:$0x18] =	wrdreg s26  }
0x33: {  	s22 =	smov.u32 s8;
	s8 =	sadd.s32 $0x4E000, s1;
	[dreg:$0x19] =	wrdreg s28  }
0x34: {  	s23 =	simm.s32 $0x9800;
	s13 =	simm.s32 $0x6;
	[dreg:$0x1b] =	wrdreg s22  }
0x35: {  	s17 =	simm.s32 $0x4800;
	s19 =	simm.s32 $0x3;
	[dreg:$0x1c] =	wrdreg s24  }
0x36: {  	s3 =	simm.s32 $0x2;
	s25 =	simm.s32 $0x0;
	[smem:$0x7FC] =	sst s8  }
.LBB2_1:
0x37: {  	[smem:$0x7F6] =	sst s25  }
0x38: {  	s6 =	rddreg [dreg:$0x13]  }
0x39: {  	[tilespmem:s10], [sflag:$0x5] =	stream.linear.gather [hbm4b:s6+s4], $0x2000, $0x38;
	[tilespmem:$0x11D48] =	vst v63  }
0x3a: {  	_ =	swait.ge [sflag:s11], $0x2000  }
0x3b: {  	[sflag:s11] =	ssyncset.done $0x0  }
0x3c: {  	s9 =	rddreg [dreg:$0x14];
	[sflag:s11] =	ssyncadd.s32 $0xFFFFE000  }
0x3d: {  	[tilespmem:s23], [sflag:$0x5] =	stream.linear.gather [hbm4b:s9+s4], $0x1000, $0x38;
	[tilespmem:$0x11D48] =	vst v63  }
0x3e: {  	_ =	swait.ge [sflag:s11], $0x1000  }
0x3f: {  	s9 =	sld [smem:$0x7F7]  }
0x40: {  	[sflag:s11] =	ssyncset.done $0x0  }
0x41: {  	[sflag:s11] =	ssyncadd.s32 $0xFFFFF000  }
0x42: {  	[spmem:s9] =	stream.linear.scatter [tilespmem:s10], [sflag:$0x5], $0x1000, $0x38;
	[tilespmem:$0x11D48] =	vst v63  }
0x43: {  	_ =	swait.ge [sflag:s11], $0x1000  }
0x44: {  	[sflag:s11] =	ssyncset.done $0x0  }
0x45: {  	s25 =	rddreg [dreg:$0x16];
	[sflag:s11] =	ssyncadd.s32 $0xFFFFF000  }
0x46: {  	[spmem:s25] =	stream.linear.scatter [tilespmem:s23], [sflag:$0x5], $0x800, $0x38;
	[tilespmem:$0x11D48] =	vst v63  }
0x47: {  	_ =	swait.ge [sflag:s11], $0x800  }
0x48: {  	[sflag:s11] =	ssyncset.done $0x0  }
0x49: {  	s25 =	rddreg [dreg:$0x17];
	[sflag:s11] =	ssyncadd.s32 $0xFFFFF800  }
0x4a: {  	[spmem:s25] =	stream.linear.scatter [tilespmem:s10], [sflag:$0x5], $0x1000, $0x38;
	[tilespmem:$0x11D48] =	vst v63  }
0x4b: {  	_ =	swait.ge [sflag:s11], $0x1000  }
0x4c: {  	[sflag:s11] =	ssyncset.done $0x0  }
0x4d: {  	[sflag:s11] =	ssyncadd.s32 $0xFFFFF000  }
0x4e: {  	[spmem:s26] =	stream.linear.scatter [tilespmem:s23], [sflag:$0x5], $0x800, $0x38;
	[tilespmem:$0x11D48] =	vst v63  }
0x4f: {  	_ =	swait.ge [sflag:s11], $0x800  }
0x50: {  	[sflag:s11] =	ssyncset.done $0x0  }
0x51: {  	[sflag:s11] =	ssyncadd.s32 $0xFFFFF800  }
0x52: {  	[spmem:s28] =	stream.linear.scatter [tilespmem:s10], [sflag:$0x5], $0x1000, $0x38;
	[tilespmem:$0x11D48] =	vst v63  }
0x53: {  	_ =	swait.ge [sflag:s11], $0x1000  }
0x54: {  	[sflag:s11] =	ssyncset.done $0x0  }
0x55: {  	[sflag:s11] =	ssyncadd.s32 $0xFFFFF000  }
0x56: {  	[spmem:s29] =	stream.linear.scatter [tilespmem:s23], [sflag:$0x5], $0x800, $0x38;
	[tilespmem:$0x11D48] =	vst v63  }
0x57: {  	_ =	swait.ge [sflag:s11], $0x800  }
0x58: {  	[sflag:s11] =	ssyncset.done $0x0  }
0x59: {  	[sflag:s11] =	ssyncadd.s32 $0xFFFFF800  }
0x5a: {  	[spmem:s22] =	stream.linear.scatter [tilespmem:s10], [sflag:$0x5], $0x1000, $0x38;
	[tilespmem:$0x11D48] =	vst v63  }
0x5b: {  	_ =	swait.ge [sflag:s11], $0x1000  }
0x5c: {  	[sflag:s11] =	ssyncset.done $0x0  }
0x5d: {  	s6 =	smov.u32 s24;
	[sflag:s11] =	ssyncadd.s32 $0xFFFFF000  }
0x5e: {  	[spmem:s6] =	stream.linear.scatter [tilespmem:s23], [sflag:$0x5], $0x800, $0x38;
	[tilespmem:$0x11D48] =	vst v63  }
0x5f: {  	_ =	swait.ge [sflag:s11], $0x800  }
0x60: {  	[sflag:s11] =	ssyncset.done $0x0  }
0x61: {  	[sflag:s11] =	ssyncadd.s32 $0xFFFFF800  }
0x62: {  	[spmem:s7] =	stream.linear.scatter [tilespmem:s10], [sflag:$0x5], $0xE00, $0x38;
	[tilespmem:$0x11D48] =	vst v63  }
0x63: {  	_ =	swait.ge [sflag:s11], $0xE00  }
0x64: {  	[sflag:s11] =	ssyncset.done $0x0  }
0x65: {  	[sflag:s11] =	ssyncadd.s32 $0xFFFFF200  }
0x66: {  	[spmem:s21] =	stream.linear.scatter [tilespmem:s23], [sflag:$0x5], $0x700, $0x38;
	[tilespmem:$0x11D48] =	vst v63  }
0x67: {  	_ =	swait.ge [sflag:s11], $0x700  }
0x68: {  	[sflag:s11] =	ssyncset.done $0x0  }
0x69: {  	s6 =	simm.s32 @!p0 $0x800;
	[sflag:s11] =	ssyncadd.s32 $0xFFFFF900  }
0x6a: {  	[spmem:s8] =	stream.linear.scatter @!p0 [tilespmem:s6], [sflag:$0x5], $0x200, $0x38;
	[tilespmem:$0x11D48] =	vst v63  }
0x6b: {  	s6 =	simm.s32 @!p0 $0x5  }
0x6c: {  	_ =	swait.ge @!p0 [sflag:s6], $0x200  }
0x6d: {  	[sflag:s6] =	ssyncset.done @!p0 $0x0  }
0x6e: {  	s7 =	simm.s32 @!p0 $0x9800;
	[sflag:s6] =	ssyncadd.s32 @!p0 $0xFFFFFE00  }
0x6f: {  	[spmem:s12] =	stream.linear.scatter @!p0 [tilespmem:s7], [sflag:$0x5], $0x100, $0x38;
	[tilespmem:$0x11D48] =	vst v63  }
0x70: {  	_ =	swait.ge @!p0 [sflag:s6], $0x100  }
0x71: {  	[sflag:s6] =	ssyncset.done @!p0 $0x0  }
0x72: {  	s28 =	simm.s32 $0x8800;
	s26 =	rddreg [dreg:$0x15];
	[sflag:s6] =	ssyncadd.s32 @!p0 $0xFFFFFF00  }
0x73: {  	[tilespmem:s28], [sflag:$0x5] =	stream.linear.gather [hbm4b:s26+s4], $0x1000, $0x38;
	[tilespmem:$0x11D48] =	vst v63  }
0x74: {  	_ =	swait.ge [sflag:s11], $0x1000  }
0x75: {  	[sflag:s11] =	ssyncset.done $0x0  }
0x76: {  	[sflag:s11] =	ssyncadd.s32 $0xFFFFF000  }
0x77: {  	[bflag:$0x0] =	sbarrier.arrive $0xFFFF  }
0x78: {  	s24 =	smov.u32 s9;
	s9 =	sld [smem:$0x7FB];
	_ =	sdelay $0x2  }
0x79: {  	[tilespmem:s4], [sflag:$0x6] =	stream.linear.gather [hbm4b:s9+s4], $0x400, $0x38;
	[tilespmem:$0x11D48] =	vst v63  }
0x7a: {  	_ =	swait.ge [sflag:s13], $0x400  }
0x7b: {  	s8 =	sld [smem:$0x7FA]  }
0x7c: {  	[sflag:s13] =	ssyncset.done $0x0  }
0x7d: {  	[sflag:s13] =	ssyncadd.s32 $0xFFFFFC00  }
0x7e: {  	[tilespmem:s14], [sflag:$0x6] =	stream.linear.gather [hbm4b:s8+s4], $0x400, $0x38;
	[tilespmem:$0x11D48] =	vst v63  }
0x7f: {  	_ =	swait.ge [sflag:s13], $0x400  }
0x80: {  	[sflag:s13] =	ssyncset.done $0x0  }
0x81: {  	[sflag:s13] =	ssyncadd.s32 $0xFFFFFC00  }
0x82: {  	[tilespmem:s10], [sflag:$0x1] =	stream.indirect.gather [hbm4b:s30+s15], $0x20, s4, s15, $0xb8;
	[tilespmem:$0x11D48] =	vst v63  }
0x83: {  	_ = 	snop  }
0x84: {  	[tilespmem:s16], [sflag:$0x2] =	stream.indirect.gather [hbm4b:s30+s15], $0x20, s15, s15, $0xb8;
	[tilespmem:$0x11D48] =	vst v63  }
0x85: {  	s29 =	rddreg [dreg:$0x4]  }
0x86: {  	[tilespmem:s17], [sflag:$0x3] =	stream.indirect.gather [hbm4b:s30+s15], $0x20, s29, s15, $0xb8;
	[tilespmem:$0x11D48] =	vst v63  }
0x87: {  	_ =	swait.ge [sflag:s18], $0x2000  }
0x88: {  	[sflag:s18] =	ssyncset.done $0x0  }
0x89: {  	s7 =	sand.u32 $0x1, s4;
	[sflag:s18] =	ssyncadd.s32 $0xFFFFE000  }
0x8a: {  	[spmem:s1] =	stream.indirect.scatter.add.bf16 [tilespmem:s10], [sflag:$0x6], $0x20, s14, s31, $0xb8;
	[tilespmem:$0x11D48] =	vst v63  }
0x8b: {  	p1 =	sne.s32 s7, s5;
	_ =	swait.ge [sflag:s13], $0x1000  }
0x8c: {  	s23 =	simm.s32 @p1 $0x80;
	s7 =	simm.s32 @p1 $0x1800;
	[sflag:s13] =	ssyncset.done $0x0  }
0x8d: {  	s25 =	simm.s32 @p1 $0x6;
	s6 =	simm.s32 @p1 $0x480;
	[sflag:s13] =	ssyncadd.s32 $0xFFFFF000  }
0x8e: {  	[spmem:s1] =	stream.indirect.scatter.add.bf16 @p1 [tilespmem:s7], [sflag:$0x6], $0x20, s6, s23, $0xb8;
	[tilespmem:$0x11D48] =	vst v63  }
0x8f: {  	_ =	swait.ge @p1 [sflag:s25], $0x1000  }
0x90: {  	s22 =	simm.s32 @!p1 $0x6;
	s26 =	simm.s32 @!p1 $0x400;
	[sflag:s25] =	ssyncset.done @p1 $0x0  }
0x91: {  	s6 =	simm.s32 @!p1 $0x8800;
	s7 =	simm.s32 @!p1 $0x80;
	[sflag:s25] =	ssyncadd.s32 @p1 $0xFFFFF000  }
0x92: {  	[spmem:s2] =	stream.indirect.scatter.add.bf16 @!p1 [tilespmem:s6], [sflag:$0x6], $0x10, s26, s7, $0xb8;
	[tilespmem:$0x11D48] =	vst v63  }
0x93: {  	_ =	swait.ge @!p1 [sflag:s22], $0x800  }
0x94: {  	[sflag:s22] =	ssyncset.done @!p1 $0x0  }
0x95: {  	s28 =	simm.s32 @!p1 $0x1800;
	s26 =	simm.s32 @!p1 $0x480;
	[sflag:s22] =	ssyncadd.s32 @!p1 $0xFFFFF800  }
0x96: {  	[spmem:s1] =	stream.indirect.scatter.add.bf16 @!p1 [tilespmem:s28], [sflag:$0x6], $0x20, s26, s7, $0xb8;
	[tilespmem:$0x11D48] =	vst v63  }
0x97: {  	_ =	swait.ge @!p1 [sflag:s22], $0x1000  }
0x98: {  	[sflag:s22] =	ssyncset.done @!p1 $0x0  }
0x99: {  	[sflag:s22] =	ssyncadd.s32 @!p1 $0xFFFFF000  }
0x9a: {  	[spmem:s2] =	stream.indirect.scatter.add.bf16 @!p1 [tilespmem:s6], [sflag:$0x6], $0x10, s26, s7, $0xb8;
	[tilespmem:$0x11D48] =	vst v63  }
0x9b: {  	_ =	swait.ge @!p1 [sflag:s22], $0x800  }
0x9c: {  	[sflag:s22] =	ssyncset.done @!p1 $0x0  }
0x9d: {  	s12 =	rddreg [dreg:$0x5];
	[sflag:s22] =	ssyncadd.s32 @!p1 $0xFFFFF800  }
0x9e: {  	[tilespmem:s0], [sflag:$0x4] =	stream.indirect.gather [hbm4b:s30+s15], $0x20, s12, s15, $0xb8;
	[tilespmem:$0x11D48] =	vst v63  }
0x9f: {  	_ =	swait.ge [sflag:s3], $0x2000  }
0xa0: {  	[sflag:s3] =	ssyncset.done $0x0  }
0xa1: {  	s21 =	rddreg [dreg:$0x6];
	[sflag:s3] =	ssyncadd.s32 $0xFFFFE000  }
0xa2: {  	[spmem:s1] =	stream.indirect.scatter.add.bf16 [tilespmem:s16], [sflag:$0x6], $0x20, s21, s31, $0xb8;
	[tilespmem:$0x11D48] =	vst v63  }
0xa3: {  	_ =	swait.ge [sflag:s13], $0x1000  }
0xa4: {  	[sflag:s13] =	ssyncset.done $0x0  }
0xa5: {  	s28 =	simm.s32 @p1 $0x3800;
	s26 =	simm.s32 @p1 $0x580;
	[sflag:s13] =	ssyncadd.s32 $0xFFFFF000  }
0xa6: {  	[spmem:s1] =	stream.indirect.scatter.add.bf16 @p1 [tilespmem:s28], [sflag:$0x6], $0x20, s26, s23, $0xb8;
	[tilespmem:$0x11D48] =	vst v63  }
0xa7: {  	_ =	swait.ge @p1 [sflag:s25], $0x1000  }
0xa8: {  	[sflag:s25] =	ssyncset.done @p1 $0x0  }
0xa9: {  	s26 =	simm.s32 @!p1 $0x500;
	[sflag:s25] =	ssyncadd.s32 @p1 $0xFFFFF000  }
0xaa: {  	[spmem:s2] =	stream.indirect.scatter.add.bf16 @!p1 [tilespmem:s6], [sflag:$0x6], $0x10, s26, s7, $0xb8;
	[tilespmem:$0x11D48] =	vst v63  }
0xab: {  	_ =	swait.ge @!p1 [sflag:s22], $0x800  }
0xac: {  	[sflag:s22] =	ssyncset.done @!p1 $0x0  }
0xad: {  	s28 =	simm.s32 @!p1 $0x3800;
	s26 =	simm.s32 @!p1 $0x580;
	[sflag:s22] =	ssyncadd.s32 @!p1 $0xFFFFF800  }
0xae: {  	[spmem:s1] =	stream.indirect.scatter.add.bf16 @!p1 [tilespmem:s28], [sflag:$0x6], $0x20, s26, s7, $0xb8;
	[tilespmem:$0x11D48] =	vst v63  }
0xaf: {  	_ =	swait.ge @!p1 [sflag:s22], $0x1000  }
0xb0: {  	[sflag:s22] =	ssyncset.done @!p1 $0x0  }
0xb1: {  	[sflag:s22] =	ssyncadd.s32 @!p1 $0xFFFFF000  }
0xb2: {  	[spmem:s2] =	stream.indirect.scatter.add.bf16 @!p1 [tilespmem:s6], [sflag:$0x6], $0x10, s26, s7, $0xb8;
	[tilespmem:$0x11D48] =	vst v63  }
0xb3: {  	_ =	swait.ge @!p1 [sflag:s22], $0x800  }
0xb4: {  	[sflag:s22] =	ssyncset.done @!p1 $0x0  }
0xb5: {  	[sflag:s22] =	ssyncadd.s32 @!p1 $0xFFFFF800  }
0xb6: {  	_ =	swait.ge [sflag:s19], $0x2000  }
0xb7: {  	[sflag:s19] =	ssyncset.done $0x0  }
0xb8: {  	s28 =	rddreg [dreg:$0x7];
	[sflag:s19] =	ssyncadd.s32 $0xFFFFE000  }
0xb9: {  	[spmem:s1] =	stream.indirect.scatter.add.bf16 [tilespmem:s17], [sflag:$0x6], $0x20, s28, s31, $0xb8;
	[tilespmem:$0x11D48] =	vst v63  }
0xba: {  	_ =	swait.ge [sflag:s13], $0x1000  }
0xbb: {  	[sflag:s13] =	ssyncset.done $0x0  }
0xbc: {  	s26 =	simm.s32 @p1 $0x680;
	s28 =	simm.s32 @p1 $0x5800;
	[sflag:s13] =	ssyncadd.s32 $0xFFFFF000  }
0xbd: {  	[spmem:s1] =	stream.indirect.scatter.add.bf16 @p1 [tilespmem:s28], [sflag:$0x6], $0x20, s26, s23, $0xb8;
	[tilespmem:$0x11D48] =	vst v63  }
0xbe: {  	_ =	swait.ge @p1 [sflag:s25], $0x1000  }
0xbf: {  	[sflag:s25] =	ssyncset.done @p1 $0x0  }
0xc0: {  	s26 =	simm.s32 @!p1 $0x600;
	[sflag:s25] =	ssyncadd.s32 @p1 $0xFFFFF000  }
0xc1: {  	[spmem:s2] =	stream.indirect.scatter.add.bf16 @!p1 [tilespmem:s6], [sflag:$0x6], $0x10, s26, s7, $0xb8;
	[tilespmem:$0x11D48] =	vst v63  }
0xc2: {  	_ =	swait.ge @!p1 [sflag:s22], $0x800  }
0xc3: {  	[sflag:s22] =	ssyncset.done @!p1 $0x0  }
0xc4: {  	s28 =	simm.s32 @!p1 $0x5800;
	s26 =	simm.s32 @!p1 $0x680;
	[sflag:s22] =	ssyncadd.s32 @!p1 $0xFFFFF800  }
0xc5: {  	[spmem:s1] =	stream.indirect.scatter.add.bf16 @!p1 [tilespmem:s28], [sflag:$0x6], $0x20, s26, s7, $0xb8;
	[tilespmem:$0x11D48] =	vst v63  }
0xc6: {  	_ =	swait.ge @!p1 [sflag:s22], $0x1000  }
0xc7: {  	[sflag:s22] =	ssyncset.done @!p1 $0x0  }
0xc8: {  	[sflag:s22] =	ssyncadd.s32 @!p1 $0xFFFFF000  }
0xc9: {  	[spmem:s2] =	stream.indirect.scatter.add.bf16 @!p1 [tilespmem:s6], [sflag:$0x6], $0x10, s26, s7, $0xb8;
	[tilespmem:$0x11D48] =	vst v63  }
0xca: {  	_ =	swait.ge @!p1 [sflag:s22], $0x800  }
0xcb: {  	[sflag:s22] =	ssyncset.done @!p1 $0x0  }
0xcc: {  	[sflag:s22] =	ssyncadd.s32 @!p1 $0xFFFFF800  }
0xcd: {  	_ =	swait.ge [sflag:s20], $0x2000  }
0xce: {  	[sflag:s20] =	ssyncset.done $0x0  }
0xcf: {  	s29 =	rddreg [dreg:$0x8];
	[sflag:s20] =	ssyncadd.s32 $0xFFFFE000  }
0xd0: {  	[spmem:s1] =	stream.indirect.scatter.add.bf16 [tilespmem:s0], [sflag:$0x6], $0x20, s29, s31, $0xb8;
	[tilespmem:$0x11D48] =	vst v63  }
0xd1: {  	_ =	swait.ge [sflag:s13], $0x1000  }
0xd2: {  	[sflag:s13] =	ssyncset.done $0x0  }
0xd3: {  	s28 =	simm.s32 @p1 $0x7800;
	s26 =	simm.s32 @p1 $0x780;
	[sflag:s13] =	ssyncadd.s32 $0xFFFFF000  }
0xd4: {  	[spmem:s1] =	stream.indirect.scatter.add.bf16 @p1 [tilespmem:s28], [sflag:$0x6], $0x20, s26, s23, $0xb8;
	[tilespmem:$0x11D48] =	vst v63  }
0xd5: {  	_ =	swait.ge @p1 [sflag:s25], $0x1000  }
0xd6: {  	[sflag:s25] =	ssyncset.done @p1 $0x0  }
0xd7: {  	s23 =	simm.s32 @!p1 $0x700;
	[sflag:s25] =	ssyncadd.s32 @p1 $0xFFFFF000  }
0xd8: {  	[spmem:s2] =	stream.indirect.scatter.add.bf16 @!p1 [tilespmem:s6], [sflag:$0x6], $0x10, s23, s7, $0xb8;
	[tilespmem:$0x11D48] =	vst v63  }
0xd9: {  	_ =	swait.ge @!p1 [sflag:s22], $0x800  }
0xda: {  	[sflag:s22] =	ssyncset.done @!p1 $0x0  }
0xdb: {  	s25 =	simm.s32 @!p1 $0x7800;
	s23 =	simm.s32 @!p1 $0x780;
	[sflag:s22] =	ssyncadd.s32 @!p1 $0xFFFFF800  }
0xdc: {  	[spmem:s1] =	stream.indirect.scatter.add.bf16 @!p1 [tilespmem:s25], [sflag:$0x6], $0x20, s23, s7, $0xb8;
	[tilespmem:$0x11D48] =	vst v63  }
0xdd: {  	_ =	swait.ge @!p1 [sflag:s22], $0x1000  }
0xde: {  	[sflag:s22] =	ssyncset.done @!p1 $0x0  }
0xdf: {  	[sflag:s22] =	ssyncadd.s32 @!p1 $0xFFFFF000  }
0xe0: {  	[spmem:s2] =	stream.indirect.scatter.add.bf16 @!p1 [tilespmem:s6], [sflag:$0x5], $0x10, s23, s7, $0xb8;
	[tilespmem:$0x11D48] =	vst v63  }
0xe1: {  	s22 =	simm.s32 $0x1;
	s7 =	simm.s32 @!p1 $0x5  }
0xe2: {  	s23 =	sadd.s32 $0x80, s9;
	s6 =	smov.u32 s8;
	_ =	swait.ge @!p1 [sflag:s7], $0x800  }
.LBB2_2:
0xe3: {  	[sflag:s7] =	ssyncset.done @!p1 $0x0  }
0xe4: {  	[sflag:s7] =	ssyncadd.s32 @!p1 $0xFFFFF800  }
0xe5: {  	[tilespmem:s4], [sflag:$0x6] =	stream.linear.gather [hbm4b:s23+s4], $0x400, $0x38;
	[tilespmem:$0x11D48] =	vst v63  }
0xe6: {  	_ =	swait.ge [sflag:s13], $0x400  }
0xe7: {  	[sflag:s13] =	ssyncset.done $0x0  }
0xe8: {  	s6 =	sadd.s32 $0x80, s6;
	[sflag:s13] =	ssyncadd.s32 $0xFFFFFC00  }
0xe9: {  	[tilespmem:s14], [sflag:$0x6] =	stream.linear.gather [hbm4b:s6+s4], $0x400, $0x38;
	[tilespmem:$0x11D48] =	vst v63  }
0xea: {  	_ =	swait.ge [sflag:s13], $0x400  }
0xeb: {  	[sflag:s13] =	ssyncset.done $0x0  }
0xec: {  	[sflag:s13] =	ssyncadd.s32 $0xFFFFFC00  }
0xed: {  	[tilespmem:s10], [sflag:$0x1] =	stream.indirect.gather [hbm4b:s30+s15], $0x20, s4, s15, $0xb8;
	[tilespmem:$0x11D48] =	vst v63  }
0xee: {  	_ = 	snop  }
0xef: {  	[tilespmem:s16], [sflag:$0x2] =	stream.indirect.gather [hbm4b:s30+s15], $0x20, s15, s15, $0xb8;
	[tilespmem:$0x11D48] =	vst v63  }
0xf0: {  	s9 =	rddreg [dreg:$0x4]  }
0xf1: {  	[tilespmem:s17], [sflag:$0x3] =	stream.indirect.gather [hbm4b:s30+s15], $0x20, s9, s15, $0xb8;
	[tilespmem:$0x11D48] =	vst v63  }
0xf2: {  	_ =	swait.ge [sflag:s18], $0x2000  }
0xf3: {  	s25 =	smov.u32 s22;
	[sflag:s18] =	ssyncset.done $0x0  }
0xf4: {  	s12 =	sand.u32 $0x1, s25;
	[sflag:s18] =	ssyncadd.s32 $0xFFFFE000  }
0xf5: {  	[spmem:s1] =	stream.indirect.scatter.add.bf16 [tilespmem:s10], [sflag:$0x6], $0x20, s14, s31, $0xb8;
	[tilespmem:$0x11D48] =	vst v63  }
0xf6: {  	p1 =	sne.s32 s12, s5;
	_ =	swait.ge [sflag:s13], $0x1000  }
0xf7: {  	s7 =	simm.s32 @p1 $0x80;
	s25 =	simm.s32 @p1 $0x480;
	[sflag:s13] =	ssyncset.done $0x0  }
0xf8: {  	s26 =	simm.s32 @p1 $0x1800;
	s29 =	simm.s32 @p1 $0x6;
	[sflag:s13] =	ssyncadd.s32 $0xFFFFF000  }
0xf9: {  	[spmem:s1] =	stream.indirect.scatter.add.bf16 @p1 [tilespmem:s26], [sflag:$0x6], $0x20, s25, s7, $0xb8;
	[tilespmem:$0x11D48] =	vst v63  }
0xfa: {  	_ =	swait.ge @p1 [sflag:s29], $0x1000  }
0xfb: {  	s8 =	simm.s32 @!p1 $0x400;
	s28 =	simm.s32 @!p1 $0x6;
	[sflag:s29] =	ssyncset.done @p1 $0x0  }
0xfc: {  	s25 =	simm.s32 @!p1 $0x8800;
	s26 =	simm.s32 @!p1 $0x80;
	[sflag:s29] =	ssyncadd.s32 @p1 $0xFFFFF000  }
0xfd: {  	[spmem:s2] =	stream.indirect.scatter.add.bf16 @!p1 [tilespmem:s25], [sflag:$0x6], $0x10, s8, s26, $0xb8;
	[tilespmem:$0x11D48] =	vst v63  }
0xfe: {  	_ =	swait.ge @!p1 [sflag:s28], $0x800  }
0xff: {  	[sflag:s28] =	ssyncset.done @!p1 $0x0  }
0x100: {  	s9 =	simm.s32 @!p1 $0x1800;
	s8 =	simm.s32 @!p1 $0x480;
	[sflag:s28] =	ssyncadd.s32 @!p1 $0xFFFFF800  }
0x101: {  	[spmem:s1] =	stream.indirect.scatter.add.bf16 @!p1 [tilespmem:s9], [sflag:$0x6], $0x20, s8, s26, $0xb8;
	[tilespmem:$0x11D48] =	vst v63  }
0x102: {  	_ =	swait.ge @!p1 [sflag:s28], $0x1000  }
0x103: {  	[sflag:s28] =	ssyncset.done @!p1 $0x0  }
0x104: {  	[sflag:s28] =	ssyncadd.s32 @!p1 $0xFFFFF000  }
0x105: {  	[spmem:s2] =	stream.indirect.scatter.add.bf16 @!p1 [tilespmem:s25], [sflag:$0x6], $0x10, s8, s26, $0xb8;
	[tilespmem:$0x11D48] =	vst v63  }
0x106: {  	_ =	swait.ge @!p1 [sflag:s28], $0x800  }
0x107: {  	[sflag:s28] =	ssyncset.done @!p1 $0x0  }
0x108: {  	s21 =	rddreg [dreg:$0x5];
	[sflag:s28] =	ssyncadd.s32 @!p1 $0xFFFFF800  }
0x109: {  	[tilespmem:s0], [sflag:$0x4] =	stream.indirect.gather [hbm4b:s30+s15], $0x20, s21, s15, $0xb8;
	[tilespmem:$0x11D48] =	vst v63  }
0x10a: {  	_ =	swait.ge [sflag:s3], $0x2000  }
0x10b: {  	[sflag:s3] =	ssyncset.done $0x0  }
0x10c: {  	s9 =	rddreg [dreg:$0x6];
	[sflag:s3] =	ssyncadd.s32 $0xFFFFE000  }
0x10d: {  	[spmem:s1] =	stream.indirect.scatter.add.bf16 [tilespmem:s16], [sflag:$0x6], $0x20, s9, s31, $0xb8;
	[tilespmem:$0x11D48] =	vst v63  }
0x10e: {  	_ =	swait.ge [sflag:s13], $0x1000  }
0x10f: {  	[sflag:s13] =	ssyncset.done $0x0  }
0x110: {  	s8 =	simm.s32 @p1 $0x580;
	s9 =	simm.s32 @p1 $0x3800;
	[sflag:s13] =	ssyncadd.s32 $0xFFFFF000  }
0x111: {  	[spmem:s1] =	stream.indirect.scatter.add.bf16 @p1 [tilespmem:s9], [sflag:$0x6], $0x20, s8, s7, $0xb8;
	[tilespmem:$0x11D48] =	vst v63  }
0x112: {  	_ =	swait.ge @p1 [sflag:s29], $0x1000  }
0x113: {  	[sflag:s29] =	ssyncset.done @p1 $0x0  }
0x114: {  	s8 =	simm.s32 @!p1 $0x500;
	[sflag:s29] =	ssyncadd.s32 @p1 $0xFFFFF000  }
0x115: {  	[spmem:s2] =	stream.indirect.scatter.add.bf16 @!p1 [tilespmem:s25], [sflag:$0x6], $0x10, s8, s26, $0xb8;
	[tilespmem:$0x11D48] =	vst v63  }
0x116: {  	_ =	swait.ge @!p1 [sflag:s28], $0x800  }
0x117: {  	[sflag:s28] =	ssyncset.done @!p1 $0x0  }
0x118: {  	s9 =	simm.s32 @!p1 $0x3800;
	s8 =	simm.s32 @!p1 $0x580;
	[sflag:s28] =	ssyncadd.s32 @!p1 $0xFFFFF800  }
0x119: {  	[spmem:s1] =	stream.indirect.scatter.add.bf16 @!p1 [tilespmem:s9], [sflag:$0x6], $0x20, s8, s26, $0xb8;
	[tilespmem:$0x11D48] =	vst v63  }
0x11a: {  	_ =	swait.ge @!p1 [sflag:s28], $0x1000  }
0x11b: {  	[sflag:s28] =	ssyncset.done @!p1 $0x0  }
0x11c: {  	[sflag:s28] =	ssyncadd.s32 @!p1 $0xFFFFF000  }
0x11d: {  	[spmem:s2] =	stream.indirect.scatter.add.bf16 @!p1 [tilespmem:s25], [sflag:$0x6], $0x10, s8, s26, $0xb8;
	[tilespmem:$0x11D48] =	vst v63  }
0x11e: {  	_ =	swait.ge @!p1 [sflag:s28], $0x800  }
0x11f: {  	[sflag:s28] =	ssyncset.done @!p1 $0x0  }
0x120: {  	[sflag:s28] =	ssyncadd.s32 @!p1 $0xFFFFF800  }
0x121: {  	_ =	swait.ge [sflag:s19], $0x2000  }
0x122: {  	[sflag:s19] =	ssyncset.done $0x0  }
0x123: {  	s12 =	rddreg [dreg:$0x7];
	[sflag:s19] =	ssyncadd.s32 $0xFFFFE000  }
0x124: {  	[spmem:s1] =	stream.indirect.scatter.add.bf16 [tilespmem:s17], [sflag:$0x6], $0x20, s12, s31, $0xb8;
	[tilespmem:$0x11D48] =	vst v63  }
0x125: {  	_ =	swait.ge [sflag:s13], $0x1000  }
0x126: {  	[sflag:s13] =	ssyncset.done $0x0  }
0x127: {  	s9 =	simm.s32 @p1 $0x5800;
	s8 =	simm.s32 @p1 $0x680;
	[sflag:s13] =	ssyncadd.s32 $0xFFFFF000  }
0x128: {  	[spmem:s1] =	stream.indirect.scatter.add.bf16 @p1 [tilespmem:s9], [sflag:$0x6], $0x20, s8, s7, $0xb8;
	[tilespmem:$0x11D48] =	vst v63  }
0x129: {  	_ =	swait.ge @p1 [sflag:s29], $0x1000  }
0x12a: {  	[sflag:s29] =	ssyncset.done @p1 $0x0  }
0x12b: {  	s8 =	simm.s32 @!p1 $0x600;
	[sflag:s29] =	ssyncadd.s32 @p1 $0xFFFFF000  }
0x12c: {  	[spmem:s2] =	stream.indirect.scatter.add.bf16 @!p1 [tilespmem:s25], [sflag:$0x6], $0x10, s8, s26, $0xb8;
	[tilespmem:$0x11D48] =	vst v63  }
0x12d: {  	_ =	swait.ge @!p1 [sflag:s28], $0x800  }
0x12e: {  	[sflag:s28] =	ssyncset.done @!p1 $0x0  }
0x12f: {  	s9 =	simm.s32 @!p1 $0x5800;
	s8 =	simm.s32 @!p1 $0x680;
	[sflag:s28] =	ssyncadd.s32 @!p1 $0xFFFFF800  }
0x130: {  	[spmem:s1] =	stream.indirect.scatter.add.bf16 @!p1 [tilespmem:s9], [sflag:$0x6], $0x20, s8, s26, $0xb8;
	[tilespmem:$0x11D48] =	vst v63  }
0x131: {  	_ =	swait.ge @!p1 [sflag:s28], $0x1000  }
0x132: {  	[sflag:s28] =	ssyncset.done @!p1 $0x0  }
0x133: {  	[sflag:s28] =	ssyncadd.s32 @!p1 $0xFFFFF000  }
0x134: {  	[spmem:s2] =	stream.indirect.scatter.add.bf16 @!p1 [tilespmem:s25], [sflag:$0x6], $0x10, s8, s26, $0xb8;
	[tilespmem:$0x11D48] =	vst v63  }
0x135: {  	_ =	swait.ge @!p1 [sflag:s28], $0x800  }
0x136: {  	[sflag:s28] =	ssyncset.done @!p1 $0x0  }
0x137: {  	[sflag:s28] =	ssyncadd.s32 @!p1 $0xFFFFF800  }
0x138: {  	_ =	swait.ge [sflag:s20], $0x2000  }
0x139: {  	[sflag:s20] =	ssyncset.done $0x0  }
0x13a: {  	s21 =	rddreg [dreg:$0x8];
	[sflag:s20] =	ssyncadd.s32 $0xFFFFE000  }
0x13b: {  	[spmem:s1] =	stream.indirect.scatter.add.bf16 [tilespmem:s0], [sflag:$0x6], $0x20, s21, s31, $0xb8;
	[tilespmem:$0x11D48] =	vst v63  }
0x13c: {  	_ =	swait.ge [sflag:s13], $0x1000  }
0x13d: {  	[sflag:s13] =	ssyncset.done $0x0  }
0x13e: {  	s9 =	simm.s32 @p1 $0x7800;
	s8 =	simm.s32 @p1 $0x780;
	[sflag:s13] =	ssyncadd.s32 $0xFFFFF000  }
0x13f: {  	[spmem:s1] =	stream.indirect.scatter.add.bf16 @p1 [tilespmem:s9], [sflag:$0x6], $0x20, s8, s7, $0xb8;
	[tilespmem:$0x11D48] =	vst v63  }
0x140: {  	_ =	swait.ge @p1 [sflag:s29], $0x1000  }
0x141: {  	[sflag:s29] =	ssyncset.done @p1 $0x0  }
0x142: {  	s7 =	simm.s32 @!p1 $0x700;
	[sflag:s29] =	ssyncadd.s32 @p1 $0xFFFFF000  }
0x143: {  	[spmem:s2] =	stream.indirect.scatter.add.bf16 @!p1 [tilespmem:s25], [sflag:$0x6], $0x10, s7, s26, $0xb8;
	[tilespmem:$0x11D48] =	vst v63  }
0x144: {  	s22 =	sadd.s32 $0x1, s22;
	_ =	swait.ge @!p1 [sflag:s28], $0x800  }
0x145: {  	p2 =	sne.s32 s22, $0x14;
	[sflag:s28] =	ssyncset.done @!p1 $0x0  }
0x146: {  	s8 =	simm.s32 @!p1 $0x780;
	s7 =	simm.s32 @!p1 $0x7800;
	[sflag:s28] =	ssyncadd.s32 @!p1 $0xFFFFF800  }
0x147: {  	[spmem:s1] =	stream.indirect.scatter.add.bf16 @!p1 [tilespmem:s7], [sflag:$0x6], $0x20, s8, s26, $0xb8;
	[tilespmem:$0x11D48] =	vst v63  }
.Ltmp0:
0x148: {  	_ =	swait.ge @!p1 [sflag:s28], $0x1000;
	(pc) =	sbr.rel @p2 .LBB2_2-.Ltmp0, $4  }
0x149: {  	[sflag:s28] =	ssyncset.done @!p1 $0x0  }
0x14a: {  	s7 =	simm.s32 @!p1 $0x5;
	[sflag:s28] =	ssyncadd.s32 @!p1 $0xFFFFF000  }
0x14b: {  	[spmem:s2] =	stream.indirect.scatter.add.bf16 @!p1 [tilespmem:s25], [sflag:$0x5], $0x10, s8, s26, $0xb8;
	[tilespmem:$0x11D48] =	vst v63  }
0x14c: {  	s23 =	sadd.s32 $0x80, s23;
	_ =	swait.ge @!p1 [sflag:s7], $0x800  }
0x14d: {  	[sflag:s7] =	ssyncset.done @!p1 $0x0  }
0x14e: {  	[sflag:s7] =	ssyncadd.s32 @!p1 $0xFFFFF800  }
0x14f: {  	[bflag:$0x0] =	sbarrier.arrive $0xFFFF  }
0x150: {  	[tilespmem:s10], [sflag:$0x5] =	stream.linear.gather [spmem:s24], $0x1000, $0x38;
	[tilespmem:$0x11D48] =	vst v63  }
0x151: {  	_ =	swait.ge [sflag:s11], $0x1000  }
0x152: {  	[sflag:s11] =	ssyncset.done $0x0  }
0x153: {  	s6 =	rddreg [dreg:$0x9];
	[sflag:s11] =	ssyncadd.s32 $0xFFFFF000  }
0x154: {  	[hbm4b:s6+s4] =	stream.linear.scatter [tilespmem:s10], [sflag:$0x5], $0x1000, $0x38;
	[tilespmem:$0x11D48] =	vst v63  }
0x155: {  	_ =	swait.ge [sflag:s11], $0x1000  }
0x156: {  	[sflag:s11] =	ssyncset.done $0x0  }
0x157: {  	s7 =	simm.s32 $0x9800;
	s21 =	rddreg [dreg:$0x16];
	[sflag:s11] =	ssyncadd.s32 $0xFFFFF000  }
0x158: {  	[tilespmem:s7], [sflag:$0x5] =	stream.linear.gather [spmem:s21], $0x800, $0x38;
	[tilespmem:$0x11D48] =	vst v63  }
0x159: {  	_ =	swait.ge [sflag:s11], $0x800  }
0x15a: {  	[sflag:s11] =	ssyncset.done $0x0  }
0x15b: {  	s22 =	rddreg [dreg:$0xe];
	[sflag:s11] =	ssyncadd.s32 $0xFFFFF800  }
0x15c: {  	[hbm4b:s22+s4] =	stream.linear.scatter [tilespmem:s7], [sflag:$0x5], $0x800, $0x38;
	[tilespmem:$0x11D48] =	vst v63  }
0x15d: {  	_ =	swait.ge [sflag:s11], $0x800  }
0x15e: {  	[sflag:s11] =	ssyncset.done $0x0  }
0x15f: {  	s23 =	rddreg [dreg:$0x17];
	[sflag:s11] =	ssyncadd.s32 $0xFFFFF800  }
0x160: {  	[tilespmem:s10], [sflag:$0x5] =	stream.linear.gather [spmem:s23], $0x1000, $0x38;
	[tilespmem:$0x11D48] =	vst v63  }
0x161: {  	_ =	swait.ge [sflag:s11], $0x1000  }
0x162: {  	[sflag:s11] =	ssyncset.done $0x0  }
0x163: {  	s24 =	rddreg [dreg:$0xa];
	[sflag:s11] =	ssyncadd.s32 $0xFFFFF000  }
0x164: {  	[hbm4b:s24+s4] =	stream.linear.scatter [tilespmem:s10], [sflag:$0x5], $0x1000, $0x38;
	[tilespmem:$0x11D48] =	vst v63  }
0x165: {  	_ =	swait.ge [sflag:s11], $0x1000  }
0x166: {  	[sflag:s11] =	ssyncset.done $0x0  }
0x167: {  	s26 =	rddreg [dreg:$0x18];
	[sflag:s11] =	ssyncadd.s32 $0xFFFFF000  }
0x168: {  	[tilespmem:s7], [sflag:$0x5] =	stream.linear.gather [spmem:s26], $0x800, $0x38;
	[tilespmem:$0x11D48] =	vst v63  }
0x169: {  	_ =	swait.ge [sflag:s11], $0x800  }
0x16a: {  	[sflag:s11] =	ssyncset.done $0x0  }
0x16b: {  	s25 =	rddreg [dreg:$0xf];
	[sflag:s11] =	ssyncadd.s32 $0xFFFFF800  }
0x16c: {  	[hbm4b:s25+s4] =	stream.linear.scatter [tilespmem:s7], [sflag:$0x5], $0x800, $0x38;
	[tilespmem:$0x11D48] =	vst v63  }
0x16d: {  	_ =	swait.ge [sflag:s11], $0x800  }
0x16e: {  	[sflag:s11] =	ssyncset.done $0x0  }
0x16f: {  	s28 =	rddreg [dreg:$0x19];
	[sflag:s11] =	ssyncadd.s32 $0xFFFFF800  }
0x170: {  	[tilespmem:s10], [sflag:$0x5] =	stream.linear.gather [spmem:s28], $0x1000, $0x38;
	[tilespmem:$0x11D48] =	vst v63  }
0x171: {  	_ =	swait.ge [sflag:s11], $0x1000  }
0x172: {  	[sflag:s11] =	ssyncset.done $0x0  }
0x173: {  	s8 =	rddreg [dreg:$0xb];
	[sflag:s11] =	ssyncadd.s32 $0xFFFFF000  }
0x174: {  	[hbm4b:s8+s4] =	stream.linear.scatter [tilespmem:s10], [sflag:$0x5], $0x1000, $0x38;
	[tilespmem:$0x11D48] =	vst v63  }
0x175: {  	_ =	swait.ge [sflag:s11], $0x1000  }
0x176: {  	[sflag:s11] =	ssyncset.done $0x0  }
0x177: {  	s29 =	rddreg [dreg:$0x1a];
	[sflag:s11] =	ssyncadd.s32 $0xFFFFF000  }
0x178: {  	[tilespmem:s7], [sflag:$0x5] =	stream.linear.gather [spmem:s29], $0x800, $0x38;
	[tilespmem:$0x11D48] =	vst v63  }
0x179: {  	_ =	swait.ge [sflag:s11], $0x800  }
0x17a: {  	[sflag:s11] =	ssyncset.done $0x0  }
0x17b: {  	s9 =	rddreg [dreg:$0x10];
	[sflag:s11] =	ssyncadd.s32 $0xFFFFF800  }
0x17c: {  	[hbm4b:s9+s4] =	stream.linear.scatter [tilespmem:s7], [sflag:$0x5], $0x800, $0x38;
	[tilespmem:$0x11D48] =	vst v63  }
0x17d: {  	_ =	swait.ge [sflag:s11], $0x800  }
0x17e: {  	[sflag:s11] =	ssyncset.done $0x0  }
0x17f: {  	s22 =	rddreg [dreg:$0x1b];
	[sflag:s11] =	ssyncadd.s32 $0xFFFFF800  }
0x180: {  	[tilespmem:s10], [sflag:$0x5] =	stream.linear.gather [spmem:s22], $0x1000, $0x38;
	[tilespmem:$0x11D48] =	vst v63  }
0x181: {  	_ =	swait.ge [sflag:s11], $0x1000  }
0x182: {  	[sflag:s11] =	ssyncset.done $0x0  }
0x183: {  	s12 =	rddreg [dreg:$0xc];
	[sflag:s11] =	ssyncadd.s32 $0xFFFFF000  }
0x184: {  	[hbm4b:s12+s4] =	stream.linear.scatter [tilespmem:s10], [sflag:$0x5], $0x1000, $0x38;
	[tilespmem:$0x11D48] =	vst v63  }
0x185: {  	_ =	swait.ge [sflag:s11], $0x1000  }
0x186: {  	[sflag:s11] =	ssyncset.done $0x0  }
0x187: {  	s24 =	rddreg [dreg:$0x1c];
	[sflag:s11] =	ssyncadd.s32 $0xFFFFF000  }
0x188: {  	[tilespmem:s7], [sflag:$0x5] =	stream.linear.gather [spmem:s24], $0x800, $0x38;
	[tilespmem:$0x11D48] =	vst v63  }
0x189: {  	_ =	swait.ge [sflag:s11], $0x800  }
0x18a: {  	[sflag:s11] =	ssyncset.done $0x0  }
0x18b: {  	s21 =	rddreg [dreg:$0x11];
	[sflag:s11] =	ssyncadd.s32 $0xFFFFF800  }
0x18c: {  	[hbm4b:s21+s4] =	stream.linear.scatter [tilespmem:s7], [sflag:$0x5], $0x800, $0x38;
	[tilespmem:$0x11D48] =	vst v63  }
0x18d: {  	_ =	swait.ge [sflag:s11], $0x800  }
0x18e: {  	[sflag:s11] =	ssyncset.done $0x0  }
0x18f: {  	s9 =	rddreg [dreg:$0x1d];
	[sflag:s11] =	ssyncadd.s32 $0xFFFFF800  }
0x190: {  	[tilespmem:s10], [sflag:$0x5] =	stream.linear.gather [spmem:s9], $0xE00, $0x38;
	[tilespmem:$0x11D48] =	vst v63  }
0x191: {  	_ =	swait.ge [sflag:s11], $0xE00  }
0x192: {  	[sflag:s11] =	ssyncset.done $0x0  }
0x193: {  	s23 =	rddreg [dreg:$0xd];
	[sflag:s11] =	ssyncadd.s32 $0xFFFFF200  }
0x194: {  	[hbm4b:s23+s4] =	stream.linear.scatter [tilespmem:s10], [sflag:$0x5], $0xE00, $0x38;
	[tilespmem:$0x11D48] =	vst v63  }
0x195: {  	_ =	swait.ge [sflag:s11], $0xE00  }
0x196: {  	[sflag:s11] =	ssyncset.done $0x0  }
0x197: {  	s21 =	rddreg [dreg:$0x1e];
	[sflag:s11] =	ssyncadd.s32 $0xFFFFF200  }
0x198: {  	[tilespmem:s7], [sflag:$0x5] =	stream.linear.gather [spmem:s21], $0x700, $0x38;
	[tilespmem:$0x11D48] =	vst v63  }
0x199: {  	_ =	swait.ge [sflag:s11], $0x700  }
0x19a: {  	[sflag:s11] =	ssyncset.done $0x0  }
0x19b: {  	s25 =	rddreg [dreg:$0x12];
	[sflag:s11] =	ssyncadd.s32 $0xFFFFF900  }
0x19c: {  	[hbm4b:s25+s4] =	stream.linear.scatter [tilespmem:s7], [sflag:$0x5], $0x700, $0x38;
	[tilespmem:$0x11D48] =	vst v63  }
0x19d: {  	_ =	swait.ge [sflag:s11], $0x700  }
0x19e: {  	s8 =	sld [smem:$0x7FC]  }
0x19f: {  	[sflag:s11] =	ssyncset.done $0x0  }
0x1a0: {  	s6 =	simm.s32 @!p0 $0x800;
	s7 =	simm.s32 @!p0 $0x5;
	[sflag:s11] =	ssyncadd.s32 $0xFFFFF900  }
0x1a1: {  	[tilespmem:s6], [sflag:$0x5] =	stream.linear.gather @!p0 [spmem:s8], $0x200, $0x38;
	[tilespmem:$0x11D48] =	vst v63  }
0x1a2: {  	_ =	swait.ge @!p0 [sflag:s7], $0x200  }
0x1a3: {  	[sflag:s7] =	ssyncset.done @!p0 $0x0  }
0x1a4: {  	s25 =	simm.s32 @!p0 $0x0;
	s23 =	rddreg [dreg:$0x1f];
	[sflag:s7] =	ssyncadd.s32 @!p0 $0xFFFFFE00  }
0x1a5: {  	[hbm4b:s23+s25] =	stream.linear.scatter @!p0 [tilespmem:s6], [sflag:$0x5], $0x200, $0x38;
	[tilespmem:$0x11D48] =	vst v63  }
0x1a6: {  	_ =	swait.ge @!p0 [sflag:s7], $0x200  }
0x1a7: {  	s12 =	sld [smem:$0x7FD]  }
0x1a8: {  	[sflag:s7] =	ssyncset.done @!p0 $0x0  }
0x1a9: {  	s6 =	simm.s32 @!p0 $0x9800;
	[sflag:s7] =	ssyncadd.s32 @!p0 $0xFFFFFE00  }
0x1aa: {  	[tilespmem:s6], [sflag:$0x5] =	stream.linear.gather @!p0 [spmem:s12], $0x100, $0x38;
	[tilespmem:$0x11D48] =	vst v63  }
0x1ab: {  	_ =	swait.ge @!p0 [sflag:s7], $0x100  }
0x1ac: {  	s23 =	sld [smem:$0x7F8]  }
0x1ad: {  	[sflag:s7] =	ssyncset.done @!p0 $0x0  }
0x1ae: {  	[sflag:s7] =	ssyncadd.s32 @!p0 $0xFFFFFF00  }
0x1af: {  	[hbm4b:s23+s25] =	stream.linear.scatter @!p0 [tilespmem:s6], [sflag:$0x5], $0x100, $0x38;
	[tilespmem:$0x11D48] =	vst v63  }
0x1b0: {  	_ =	swait.ge @!p0 [sflag:s7], $0x100  }
0x1b1: {  	s6 =	sld [smem:$0x7F6];
	_ =	sdelay $0x2  }
0x1b2: {  	s25 =	sadd.s32 $0x1, s6;
	s6 =	sld [smem:$0x7F9];
	_ =	sdelay $0x2  }
0x1b3: {  	p1 =	sne.s32 s25, s6  }
.Ltmp1:
0x1b4: {  	_ = 	snop;
	(pc) =	sbr.rel @p1 .LBB2_1-.Ltmp1, $3  }
0x1b5: {  	_ =	sdelay $0x1  }
0x1b6: {  	[sflag:s7] =	ssyncset.done @!p0 $0x0  }
0x1b7: {  	s23 =	simm.s32 $0x9800;
	[sflag:s7] =	ssyncadd.s32 @!p0 $0xFFFFFF00;
	s7 =	smov.u32 s9  }
0x1b8: {  	_ =	sfence.sel $0x180000  }
0x1b9: {  	[bflag:$0x0] =	sbarrier.arrive $0xFFFF  }
0x1ba: {  	_ =	strace $0x90000047  }
0x1bb: {  	s0 =	stileid.u32;
	[bflag:$0x2] =	sbarrier.arrive $0xFFFF  }
0x1bc: {  	p0 =	sne.s32 s0, $0x0;
	s0 =	rddreg [dreg:$0x3]  }
0x1bd: {  	s0 =	sadd.s32 @!p0 $0x100000, s0  }
0x1be: {  	[sflag:s0] =	ssyncadd.tile.s32 @!p0 $0x1;
	_ =	shalt  }
.Lfunc_end2:
_tile_overlayer_lowered:
.L_overlay_start_2:
0x1bf: {  	(tag) =	ssettag $0x2  }
0x1c0: {  	s0 =	rddreg [dreg:$0x0];
	s2 =	stileid.u32  }
0x1c1: {  	s1 =	rddreg [dreg:$0x1];
	p0 =	sne.s32 s2, $0x0  }
0x1c2: {  	s3 =	rddreg [dreg:$0x2];
	[bflag:$0x3] =	sbarrier.arrive $0xFFFF;
	s2 =	simm.s32 @!p0 $0x1C05  }
0x1c3: {  	[timem:s3], [sflag:s2] =	dma.local @!p0 [hbm:s0], s1  }
0x1c4: {  	s0 =	simm.s32 @!p0 $0x5  }
0x1c5: {  	_ =	swait.ge @!p0 [sflag:s0], s1  }
0x1c6: {  	s1 =	ssub.s32 @!p0 $0x0, s1;
	[sflag:s0] =	ssyncset.done @!p0 $0x0  }
0x1c7: {  	[sflag:s0] =	ssyncadd.s32 @!p0 s1  }
0x1c8: {  	[bflag:$0x3] =	sbarrier.arrive $0xFFFF  }
0x1c9: {  	_ =	shalt  }

</sc_bundles>
